<compile_context>
chip_gen: v7x
topology: tpu7x:2x2x1
jax: 0.10.2.dev20260603
libtpu: 0.0.44.dev20260713+nightly
codegen_flags: <defaults>
</compile_context>

<pallas_src>
import functools

import jax
import jax.numpy as jnp
from jax import lax
from jax.experimental import pallas as pl
from jax.experimental.pallas import tpu as pltpu
from jax.experimental.pallas import tpu_sc as plsc

B = 1024
SEQ = 800
HID = 64
SPLIT = 200
NUM_WORKERS = 32
ROWS_PER_WORKER = B // NUM_WORKERS
HALF = ROWS_PER_WORKER // 2
CHUNKS = ((0, 128), (128, 72), (200, 128), (328, 128), (456, 128), (584, 128), (712, 88))


def _sc_gather(codes, W0, W1):
    mesh = plsc.VectorSubcoreMesh(core_axis_name="c", subcore_axis_name="s")

    @functools.partial(
        pl.kernel,
        mesh=mesh,
        out_type=jax.ShapeDtypeStruct((B, SEQ, HID), jnp.float32),
        compiler_params=pltpu.CompilerParams(use_tc_tiling_on_sc=False),
        scratch_types=[
            pltpu.VMEM((SEQ,), jnp.int32),
            pltpu.VMEM((SEQ,), jnp.int32),
            pltpu.VMEM((SEQ, HID), jnp.float32),
            pltpu.VMEM((SEQ, HID), jnp.float32),
            pltpu.SemaphoreType.DMA,
            pltpu.SemaphoreType.DMA,
            pltpu.SemaphoreType.DMA,
            pltpu.SemaphoreType.DMA,
            pltpu.SemaphoreType.DMA,
            pltpu.SemaphoreType.DMA,
        ],
    )
    def run(codes_hbm, w0_hbm, w1_hbm, out_hbm,
            idx_a, idx_b, buf_a, buf_b,
            sem_ga, sem_gb, sem_oa, sem_ob, sem_ia, sem_ib):
        wid = lax.axis_index("s") * 2 + lax.axis_index("c")
        b0 = wid * ROWS_PER_WORKER
        zeros16 = jnp.zeros((16,), jnp.float32)

        def fire_gathers(idx_ref, buf_ref, sem):
            for start, ln in CHUNKS:
                tbl = w0_hbm if start < SPLIT else w1_hbm
                pltpu.async_copy(
                    tbl.at[idx_ref.at[pl.ds(start, ln)]],
                    buf_ref.at[pl.ds(start, ln)],
                    sem,
                )

        def drain(dummy_src, dst_ref, sem):
            pltpu.make_async_copy(dummy_src, dst_ref, sem).wait()

        def scan_row(idx_ref):
            def sb(ci, acc):
                return jnp.minimum(acc, idx_ref[pl.ds(ci * 16, 16)])

            accv = lax.fori_loop(0, SEQ // 16, sb, jnp.full((16,), 1, jnp.int32))
            mn = accv[0]
            for j in range(1, 16):
                mn = jnp.minimum(mn, accv[j])
            return mn

        def fix_row(idx_ref, buf_ref):
            def fb(ci, c2):
                idx16 = idx_ref[pl.ds(ci * 16, 16)]
                for j in range(16):
                    @pl.when(idx16[j] == 0)
                    def _():
                        for k in range(HID // 16):
                            buf_ref[ci * 16 + j, pl.ds(k * 16, 16)] = zeros16

                return c2

            lax.fori_loop(0, SEQ // 16, fb, 0)

        pltpu.sync_copy(codes_hbm.at[b0], idx_a)
        fire_gathers(idx_a, buf_a, sem_ga)
        pltpu.async_copy(codes_hbm.at[b0 + 1], idx_b, sem_ib)

        def body(g, carry):
            ra = b0 + 2 * g

            mna = scan_row(idx_a)
            drain(codes_hbm.at[b0], idx_b, sem_ib)

            @pl.when(g > 0)
            def _():
                drain(out_hbm.at[b0], buf_b, sem_ob)

            fire_gathers(idx_b, buf_b, sem_gb)
            drain(out_hbm.at[b0], buf_a, sem_ga)

            @pl.when(mna == 0)
            def _():
                fix_row(idx_a, buf_a)

            @pl.when(g < HALF - 1)
            def _():
                pltpu.async_copy(codes_hbm.at[ra + 2], idx_a, sem_ia)

            pltpu.async_copy(buf_a, out_hbm.at[ra], sem_oa)

            mnb = scan_row(idx_b)

            @pl.when(g < HALF - 1)
            def _():
                drain(codes_hbm.at[b0], idx_a, sem_ia)
                drain(out_hbm.at[b0], buf_a, sem_oa)
                fire_gathers(idx_a, buf_a, sem_ga)

            drain(out_hbm.at[b0], buf_b, sem_gb)

            @pl.when(mnb == 0)
            def _():
                fix_row(idx_b, buf_b)

            @pl.when(g < HALF - 1)
            def _():
                pltpu.async_copy(codes_hbm.at[ra + 3], idx_b, sem_ib)

            pltpu.async_copy(buf_b, out_hbm.at[ra + 1], sem_ob)
            return carry

        lax.fori_loop(0, HALF, body, 0)

        drain(out_hbm.at[b0], buf_a, sem_oa)
        drain(out_hbm.at[b0], buf_b, sem_ob)

    return run(codes, W0, W1)


def kernel(codes, W0, W1):
    codes = codes.astype(jnp.int32)
    return _sc_gather(codes, W0, W1)

# --- scband reference (transcript-rebuilt; emitter-appended) ---
"""Pipeline reference for scband-audio-embedding-74594991997305 (READ-ONLY COPY).

The authoritative reference and input builder live on the scoring server;
editing this copy changes nothing except your own understanding.
"""

import jax, jax.numpy as jnp
import numpy as np

VOCAB = 100000
HIDDEN = 64
PADDING_IDX = 0
B = 1024
SEQ = 800  # 4 * 200


def setup_inputs(seed: int = 0) -> dict:
    key = jax.random.key(seed)
    k1, k2, k3 = jax.random.split(key, 3)
    codes = jax.random.randint(k1, (B, SEQ), 0, VOCAB)
    W0 = jax.random.normal(k2, (VOCAB, HIDDEN), dtype=jnp.float32)
    W1 = jax.random.normal(k3, (VOCAB, HIDDEN), dtype=jnp.float32)
    return {"codes": codes, "W0": W0, "W1": W1}


def reference(codes, W0, W1):
    # nn.Embedding with padding_idx: the padding row embeds to zeros
    T0 = W0.at[PADDING_IDX].set(0.0)
    T1 = W1.at[PADDING_IDX].set(0.0)
    b = codes.shape[0]
    # rearrange 'b (n l) -> b n l', n=4
    c = codes.reshape(b, 4, -1)
    # split [1, 3] along dim=1
    chunk0 = c[:, :1, :]
    chunk1 = c[:, 1:, :]
    e0 = jnp.take(T0, chunk0, axis=0)  # [b, 1, l, d]
    e1 = jnp.take(T1, chunk1, axis=0)  # [b, 3, l, d]
    embs = jnp.concatenate([e0, e1], axis=1)  # [b, 4, l, d]
    # rearrange 'b n l d -> b (n l) d'
    return embs.reshape(b, -1, embs.shape[-1])

if __name__ == "__main__":
    import jax
    _d = setup_inputs()
    print(jax.jit(kernel)(*tuple(_d.values())))

</pallas_src>

<mosaic_0001>
#map = affine_map<(d0, d1) -> (0, 0)>
#map1 = affine_map<(d0, d1) -> (0, 0, 0)>
module attributes {stable_mosaic.version = 14 : i64} {
  func.func @run(%arg0: i32, %arg1: i32, %arg2: memref<1024x800xi32, #tpu.memory_space<hbm>>, %arg3: memref<100000x64xf32, #tpu.memory_space<hbm>>, %arg4: memref<100000x64xf32, #tpu.memory_space<hbm>>, %arg5: memref<1024x800x64xf32, #tpu.memory_space<hbm>>, %arg6: memref<800xi32, #tpu.memory_space<vmem>>, %arg7: memref<800xi32, #tpu.memory_space<vmem>>, %arg8: memref<800x64xf32, #tpu.memory_space<vmem>>, %arg9: memref<800x64xf32, #tpu.memory_space<vmem>>, %arg10: memref<!tpu.dma_semaphore, #tpu.memory_space<semaphore_mem>>, %arg11: memref<!tpu.dma_semaphore, #tpu.memory_space<semaphore_mem>>, %arg12: memref<!tpu.dma_semaphore, #tpu.memory_space<semaphore_mem>>, %arg13: memref<!tpu.dma_semaphore, #tpu.memory_space<semaphore_mem>>, %arg14: memref<!tpu.dma_semaphore, #tpu.memory_space<semaphore_mem>>, %arg15: memref<!tpu.dma_semaphore, #tpu.memory_space<semaphore_mem>>) attributes {dimension_semantics = [#tpu.dimension_semantics<core_parallel>, #tpu.dimension_semantics<subcore_parallel>], iteration_bounds = array<i64: 2, 16>, scalar_prefetch = 0 : i64, scratch_operands = 10 : i64, tpu.core_type = #tpu.core_type<sc_vector_subcore>, window_params = [{transform_indices = #map}, {transform_indices = #map}, {transform_indices = #map}, {transform_indices = #map1}]} {
    %mul3A = arith.constant 2 : i32
    %mul3A_0 = arith.muli %arg1, %mul3A : i32
    %add3A = arith.addi %mul3A_0, %arg0 : i32
    %mul3A_1 = arith.constant 32 : i32
    %mul3A_2 = arith.muli %add3A, %mul3A_1 : i32
    %broadcast_in_dim3A = arith.constant 0.000000e+00 : f32
    %broadcast_in_dim3A_3 = vector.broadcast %broadcast_in_dim3A : f32 to vector<16xf32>
    "tpu.region"() ({
      %run_scoped3A = tpu.sem_alloc : memref<!tpu.dma_semaphore, #tpu.memory_space<semaphore_mem>>
      %dma_start3A_87 = arith.constant 0 : i32
      %dma_start3A_88 = tpu.memref_slice %arg2[%mul3A_2, %dma_start3A_87] : memref<1024x800xi32, #tpu.memory_space<hbm>> -> memref<1x800xi32, #tpu.memory_space<hbm>>
      %dma_start3A_89 = tpu.memref_squeeze %dma_start3A_88 : memref<1x800xi32, #tpu.memory_space<hbm>> -> memref<800xi32, #tpu.memory_space<hbm>>
      %dma_start3A_90 = arith.constant 0 : i32
      %dma_start3A_91 = tpu.memref_slice %arg2[%mul3A_2, %dma_start3A_90] : memref<1024x800xi32, #tpu.memory_space<hbm>> -> memref<1x800xi32, #tpu.memory_space<hbm>>
      %dma_start3A_92 = tpu.memref_squeeze %dma_start3A_91 : memref<1x800xi32, #tpu.memory_space<hbm>> -> memref<800xi32, #tpu.memory_space<hbm>>
      tpu.enqueue_dma source(%dma_start3A_92 : memref<800xi32, #tpu.memory_space<hbm>>) target(%arg6 : memref<800xi32, #tpu.memory_space<vmem>>) target_semaphore(%run_scoped3A : memref<!tpu.dma_semaphore, #tpu.memory_space<semaphore_mem>>)
      %dma_wait3A_93 = arith.constant 0 : i32
      %dma_wait3A_94 = tpu.memref_slice %arg2[%mul3A_2, %dma_wait3A_93] : memref<1024x800xi32, #tpu.memory_space<hbm>> -> memref<1x800xi32, #tpu.memory_space<hbm>>
      %dma_wait3A_95 = tpu.memref_squeeze %dma_wait3A_94 : memref<1x800xi32, #tpu.memory_space<hbm>> -> memref<800xi32, #tpu.memory_space<hbm>>
      %dma_wait3A_96 = arith.constant 0 : i32
      %dma_wait3A_97 = tpu.memref_slice %arg2[%mul3A_2, %dma_wait3A_96] : memref<1024x800xi32, #tpu.memory_space<hbm>> -> memref<1x800xi32, #tpu.memory_space<hbm>>
      %dma_wait3A_98 = tpu.memref_squeeze %dma_wait3A_97 : memref<1x800xi32, #tpu.memory_space<hbm>> -> memref<800xi32, #tpu.memory_space<hbm>>
      tpu.wait_dma2 semaphore(%run_scoped3A : memref<!tpu.dma_semaphore, #tpu.memory_space<semaphore_mem>>) src(%dma_wait3A_98 : memref<800xi32, #tpu.memory_space<hbm>>) dst(%arg6 : memref<800xi32, #tpu.memory_space<vmem>>)
      tpu.yield
    }) : () -> ()
    %dma_start3A = arith.constant 0 : i32
    %dma_start3A_4 = arith.constant 0 : i32
    %dma_start3A_5 = tpu.memref_slice %arg8[%dma_start3A, %dma_start3A_4] : memref<800x64xf32, #tpu.memory_space<vmem>> -> memref<128x64xf32, #tpu.memory_space<vmem>>
    %dma_start3A_6 = arith.constant 0 : i32
    %dma_start3A_7 = tpu.memref_slice %arg6[%dma_start3A_6] : memref<800xi32, #tpu.memory_space<vmem>> -> memref<128xi32, #tpu.memory_space<vmem>>
    %dma_start3A_8 = arith.constant 0 : i32
    %dma_start3A_9 = arith.constant 0 : i32
    %dma_start3A_10 = tpu.memref_slice %arg3[%dma_start3A_8, %dma_start3A_9] : memref<100000x64xf32, #tpu.memory_space<hbm>> -> memref<100000x64xf32, #tpu.memory_space<hbm>>
    tpu.enqueue_indirect_dma source(%dma_start3A_10 : memref<100000x64xf32, #tpu.memory_space<hbm>>) target(%dma_start3A_5 : memref<128x64xf32, #tpu.memory_space<vmem>>) offsets(%dma_start3A_7 : memref<128xi32, #tpu.memory_space<vmem>>) semaphore(%arg10 : memref<!tpu.dma_semaphore, #tpu.memory_space<semaphore_mem>>)
    %dma_start3A_11 = arith.constant 128 : i32
    %dma_start3A_12 = arith.constant 0 : i32
    %dma_start3A_13 = tpu.memref_slice %arg8[%dma_start3A_11, %dma_start3A_12] : memref<800x64xf32, #tpu.memory_space<vmem>> -> memref<72x64xf32, #tpu.memory_space<vmem>>
    %dma_start3A_14 = arith.constant 128 : i32
    %dma_start3A_15 = tpu.memref_slice %arg6[%dma_start3A_14] : memref<800xi32, #tpu.memory_space<vmem>> -> memref<72xi32, #tpu.memory_space<vmem>>
    %dma_start3A_16 = arith.constant 0 : i32
    %dma_start3A_17 = arith.constant 0 : i32
    %dma_start3A_18 = tpu.memref_slice %arg3[%dma_start3A_16, %dma_start3A_17] : memref<100000x64xf32, #tpu.memory_space<hbm>> -> memref<100000x64xf32, #tpu.memory_space<hbm>>
    tpu.enqueue_indirect_dma source(%dma_start3A_18 : memref<100000x64xf32, #tpu.memory_space<hbm>>) target(%dma_start3A_13 : memref<72x64xf32, #tpu.memory_space<vmem>>) offsets(%dma_start3A_15 : memref<72xi32, #tpu.memory_space<vmem>>) semaphore(%arg10 : memref<!tpu.dma_semaphore, #tpu.memory_space<semaphore_mem>>)
    %dma_start3A_19 = arith.constant 200 : i32
    %dma_start3A_20 = arith.constant 0 : i32
    %dma_start3A_21 = tpu.memref_slice %arg8[%dma_start3A_19, %dma_start3A_20] : memref<800x64xf32, #tpu.memory_space<vmem>> -> memref<128x64xf32, #tpu.memory_space<vmem>>
    %dma_start3A_22 = arith.constant 200 : i32
    %dma_start3A_23 = tpu.memref_slice %arg6[%dma_start3A_22] : memref<800xi32, #tpu.memory_space<vmem>> -> memref<128xi32, #tpu.memory_space<vmem>>
    %dma_start3A_24 = arith.constant 0 : i32
    %dma_start3A_25 = arith.constant 0 : i32
    %dma_start3A_26 = tpu.memref_slice %arg4[%dma_start3A_24, %dma_start3A_25] : memref<100000x64xf32, #tpu.memory_space<hbm>> -> memref<100000x64xf32, #tpu.memory_space<hbm>>
    tpu.enqueue_indirect_dma source(%dma_start3A_26 : memref<100000x64xf32, #tpu.memory_space<hbm>>) target(%dma_start3A_21 : memref<128x64xf32, #tpu.memory_space<vmem>>) offsets(%dma_start3A_23 : memref<128xi32, #tpu.memory_space<vmem>>) semaphore(%arg10 : memref<!tpu.dma_semaphore, #tpu.memory_space<semaphore_mem>>)
    %dma_start3A_27 = arith.constant 328 : i32
    %dma_start3A_28 = arith.constant 0 : i32
    %dma_start3A_29 = tpu.memref_slice %arg8[%dma_start3A_27, %dma_start3A_28] : memref<800x64xf32, #tpu.memory_space<vmem>> -> memref<128x64xf32, #tpu.memory_space<vmem>>
    %dma_start3A_30 = arith.constant 328 : i32
    %dma_start3A_31 = tpu.memref_slice %arg6[%dma_start3A_30] : memref<800xi32, #tpu.memory_space<vmem>> -> memref<128xi32, #tpu.memory_space<vmem>>
    %dma_start3A_32 = arith.constant 0 : i32
    %dma_start3A_33 = arith.constant 0 : i32
    %dma_start3A_34 = tpu.memref_slice %arg4[%dma_start3A_32, %dma_start3A_33] : memref<100000x64xf32, #tpu.memory_space<hbm>> -> memref<100000x64xf32, #tpu.memory_space<hbm>>
    tpu.enqueue_indirect_dma source(%dma_start3A_34 : memref<100000x64xf32, #tpu.memory_space<hbm>>) target(%dma_start3A_29 : memref<128x64xf32, #tpu.memory_space<vmem>>) offsets(%dma_start3A_31 : memref<128xi32, #tpu.memory_space<vmem>>) semaphore(%arg10 : memref<!tpu.dma_semaphore, #tpu.memory_space<semaphore_mem>>)
    %dma_start3A_35 = arith.constant 456 : i32
    %dma_start3A_36 = arith.constant 0 : i32
    %dma_start3A_37 = tpu.memref_slice %arg8[%dma_start3A_35, %dma_start3A_36] : memref<800x64xf32, #tpu.memory_space<vmem>> -> memref<128x64xf32, #tpu.memory_space<vmem>>
    %dma_start3A_38 = arith.constant 456 : i32
    %dma_start3A_39 = tpu.memref_slice %arg6[%dma_start3A_38] : memref<800xi32, #tpu.memory_space<vmem>> -> memref<128xi32, #tpu.memory_space<vmem>>
    %dma_start3A_40 = arith.constant 0 : i32
    %dma_start3A_41 = arith.constant 0 : i32
    %dma_start3A_42 = tpu.memref_slice %arg4[%dma_start3A_40, %dma_start3A_41] : memref<100000x64xf32, #tpu.memory_space<hbm>> -> memref<100000x64xf32, #tpu.memory_space<hbm>>
    tpu.enqueue_indirect_dma source(%dma_start3A_42 : memref<100000x64xf32, #tpu.memory_space<hbm>>) target(%dma_start3A_37 : memref<128x64xf32, #tpu.memory_space<vmem>>) offsets(%dma_start3A_39 : memref<128xi32, #tpu.memory_space<vmem>>) semaphore(%arg10 : memref<!tpu.dma_semaphore, #tpu.memory_space<semaphore_mem>>)
    %dma_start3A_43 = arith.constant 584 : i32
    %dma_start3A_44 = arith.constant 0 : i32
    %dma_start3A_45 = tpu.memref_slice %arg8[%dma_start3A_43, %dma_start3A_44] : memref<800x64xf32, #tpu.memory_space<vmem>> -> memref<128x64xf32, #tpu.memory_space<vmem>>
    %dma_start3A_46 = arith.constant 584 : i32
    %dma_start3A_47 = tpu.memref_slice %arg6[%dma_start3A_46] : memref<800xi32, #tpu.memory_space<vmem>> -> memref<128xi32, #tpu.memory_space<vmem>>
    %dma_start3A_48 = arith.constant 0 : i32
    %dma_start3A_49 = arith.constant 0 : i32
    %dma_start3A_50 = tpu.memref_slice %arg4[%dma_start3A_48, %dma_start3A_49] : memref<100000x64xf32, #tpu.memory_space<hbm>> -> memref<100000x64xf32, #tpu.memory_space<hbm>>
    tpu.enqueue_indirect_dma source(%dma_start3A_50 : memref<100000x64xf32, #tpu.memory_space<hbm>>) target(%dma_start3A_45 : memref<128x64xf32, #tpu.memory_space<vmem>>) offsets(%dma_start3A_47 : memref<128xi32, #tpu.memory_space<vmem>>) semaphore(%arg10 : memref<!tpu.dma_semaphore, #tpu.memory_space<semaphore_mem>>)
    %dma_start3A_51 = arith.constant 712 : i32
    %dma_start3A_52 = arith.constant 0 : i32
    %dma_start3A_53 = tpu.memref_slice %arg8[%dma_start3A_51, %dma_start3A_52] : memref<800x64xf32, #tpu.memory_space<vmem>> -> memref<88x64xf32, #tpu.memory_space<vmem>>
    %dma_start3A_54 = arith.constant 712 : i32
    %dma_start3A_55 = tpu.memref_slice %arg6[%dma_start3A_54] : memref<800xi32, #tpu.memory_space<vmem>> -> memref<88xi32, #tpu.memory_space<vmem>>
    %dma_start3A_56 = arith.constant 0 : i32
    %dma_start3A_57 = arith.constant 0 : i32
    %dma_start3A_58 = tpu.memref_slice %arg4[%dma_start3A_56, %dma_start3A_57] : memref<100000x64xf32, #tpu.memory_space<hbm>> -> memref<100000x64xf32, #tpu.memory_space<hbm>>
    tpu.enqueue_indirect_dma source(%dma_start3A_58 : memref<100000x64xf32, #tpu.memory_space<hbm>>) target(%dma_start3A_53 : memref<88x64xf32, #tpu.memory_space<vmem>>) offsets(%dma_start3A_55 : memref<88xi32, #tpu.memory_space<vmem>>) semaphore(%arg10 : memref<!tpu.dma_semaphore, #tpu.memory_space<semaphore_mem>>)
    %add3A_59 = arith.constant 1 : i32
    %add3A_60 = arith.addi %mul3A_2, %add3A_59 : i32
    %dma_start3A_61 = arith.constant 0 : i32
    %dma_start3A_62 = tpu.memref_slice %arg2[%add3A_60, %dma_start3A_61] : memref<1024x800xi32, #tpu.memory_space<hbm>> -> memref<1x800xi32, #tpu.memory_space<hbm>>
    %dma_start3A_63 = tpu.memref_squeeze %dma_start3A_62 : memref<1x800xi32, #tpu.memory_space<hbm>> -> memref<800xi32, #tpu.memory_space<hbm>>
    %dma_start3A_64 = arith.constant 0 : i32
    %dma_start3A_65 = tpu.memref_slice %arg2[%add3A_60, %dma_start3A_64] : memref<1024x800xi32, #tpu.memory_space<hbm>> -> memref<1x800xi32, #tpu.memory_space<hbm>>
    %dma_start3A_66 = tpu.memref_squeeze %dma_start3A_65 : memref<1x800xi32, #tpu.memory_space<hbm>> -> memref<800xi32, #tpu.memory_space<hbm>>
    tpu.enqueue_dma source(%dma_start3A_66 : memref<800xi32, #tpu.memory_space<hbm>>) target(%arg7 : memref<800xi32, #tpu.memory_space<vmem>>) target_semaphore(%arg15 : memref<!tpu.dma_semaphore, #tpu.memory_space<semaphore_mem>>)
    %scan3A = arith.constant 0 : i32
    %scan3A_67 = arith.constant 0 : i32
    %scan3A_68 = arith.constant 16 : i32
    %scan3A_69 = arith.addi %scan3A_67, %scan3A_68 : i32
    %scan3A_70 = arith.constant 1 : i32
    scf.for %scan3A_87 = %scan3A_67 to %scan3A_69 step %scan3A_70  : i32 {
      %mul3A_88 = arith.constant 2 : i32
      %mul3A_89 = arith.muli %mul3A_88, %scan3A_87 : i32
      %add3A_90 = arith.addi %mul3A_2, %mul3A_89 : i32
      %broadcast_in_dim3A_91 = arith.constant 1 : i32
      %broadcast_in_dim3A_92 = vector.broadcast %broadcast_in_dim3A_91 : i32 to vector<16xi32>
      %scan3A_93 = arith.constant 0 : i32
      %scan3A_94 = arith.constant 50 : i32
      %scan3A_95 = arith.addi %scan3A_93, %scan3A_94 : i32
      %scan3A_96 = arith.constant 1 : i32
      %scan3A_97 = scf.for %scan3A_319 = %scan3A_93 to %scan3A_95 step %scan3A_96 iter_args(%scan3A_320 = %broadcast_in_dim3A_92) -> (vector<16xi32>)  : i32 {
        %mul3A_321 = arith.constant 16 : i32
        %mul3A_322 = arith.muli %scan3A_319, %mul3A_321 : i32
        %get3A = arith.index_cast %mul3A_322 : i32 to index
        %get3A_323 = tpu.vector_load %arg6[%get3A] {strides = array<i32>} : memref<800xi32, #tpu.memory_space<vmem>>, vector<16xi32>,
        %get3A_324 = vector.shape_cast %get3A_323 : vector<16xi32> to vector<16xi32>
        %min3A_325 = arith.minsi %scan3A_320, %get3A_324 : vector<16xi32>
        scf.yield %min3A_325 : vector<16xi32>
      }
      %scan3A_98 = arith.constant 50 : i32
      %slice3A = vector.extract_strided_slice %scan3A_97 {offsets = [0], sizes = [1], strides = [1]} : vector<16xi32> to vector<1xi32>
      %squeeze3A = vector.extract %slice3A[0] : i32 from vector<1xi32>
      %slice3A_99 = vector.extract_strided_slice %scan3A_97 {offsets = [1], sizes = [1], strides = [1]} : vector<16xi32> to vector<1xi32>
      %squeeze3A_100 = vector.extract %slice3A_99[0] : i32 from vector<1xi32>
      %min3A = arith.minsi %squeeze3A, %squeeze3A_100 : i32
      %slice3A_101 = vector.extract_strided_slice %scan3A_97 {offsets = [2], sizes = [1], strides = [1]} : vector<16xi32> to vector<1xi32>
      %squeeze3A_102 = vector.extract %slice3A_101[0] : i32 from vector<1xi32>
      %min3A_103 = arith.minsi %min3A, %squeeze3A_102 : i32
      %slice3A_104 = vector.extract_strided_slice %scan3A_97 {offsets = [3], sizes = [1], strides = [1]} : vector<16xi32> to vector<1xi32>
      %squeeze3A_105 = vector.extract %slice3A_104[0] : i32 from vector<1xi32>
      %min3A_106 = arith.minsi %min3A_103, %squeeze3A_105 : i32
      %slice3A_107 = vector.extract_strided_slice %scan3A_97 {offsets = [4], sizes = [1], strides = [1]} : vector<16xi32> to vector<1xi32>
      %squeeze3A_108 = vector.extract %slice3A_107[0] : i32 from vector<1xi32>
      %min3A_109 = arith.minsi %min3A_106, %squeeze3A_108 : i32
      %slice3A_110 = vector.extract_strided_slice %scan3A_97 {offsets = [5], sizes = [1], strides = [1]} : vector<16xi32> to vector<1xi32>
      %squeeze3A_111 = vector.extract %slice3A_110[0] : i32 from vector<1xi32>
      %min3A_112 = arith.minsi %min3A_109, %squeeze3A_111 : i32
      %slice3A_113 = vector.extract_strided_slice %scan3A_97 {offsets = [6], sizes = [1], strides = [1]} : vector<16xi32> to vector<1xi32>
      %squeeze3A_114 = vector.extract %slice3A_113[0] : i32 from vector<1xi32>
      %min3A_115 = arith.minsi %min3A_112, %squeeze3A_114 : i32
      %slice3A_116 = vector.extract_strided_slice %scan3A_97 {offsets = [7], sizes = [1], strides = [1]} : vector<16xi32> to vector<1xi32>
      %squeeze3A_117 = vector.extract %slice3A_116[0] : i32 from vector<1xi32>
      %min3A_118 = arith.minsi %min3A_115, %squeeze3A_117 : i32
      %slice3A_119 = vector.extract_strided_slice %scan3A_97 {offsets = [8], sizes = [1], strides = [1]} : vector<16xi32> to vector<1xi32>
      %squeeze3A_120 = vector.extract %slice3A_119[0] : i32 from vector<1xi32>
      %min3A_121 = arith.minsi %min3A_118, %squeeze3A_120 : i32
      %slice3A_122 = vector.extract_strided_slice %scan3A_97 {offsets = [9], sizes = [1], strides = [1]} : vector<16xi32> to vector<1xi32>
      %squeeze3A_123 = vector.extract %slice3A_122[0] : i32 from vector<1xi32>
      %min3A_124 = arith.minsi %min3A_121, %squeeze3A_123 : i32
      %slice3A_125 = vector.extract_strided_slice %scan3A_97 {offsets = [10], sizes = [1], strides = [1]} : vector<16xi32> to vector<1xi32>
      %squeeze3A_126 = vector.extract %slice3A_125[0] : i32 from vector<1xi32>
      %min3A_127 = arith.minsi %min3A_124, %squeeze3A_126 : i32
      %slice3A_128 = vector.extract_strided_slice %scan3A_97 {offsets = [11], sizes = [1], strides = [1]} : vector<16xi32> to vector<1xi32>
      %squeeze3A_129 = vector.extract %slice3A_128[0] : i32 from vector<1xi32>
      %min3A_130 = arith.minsi %min3A_127, %squeeze3A_129 : i32
      %slice3A_131 = vector.extract_strided_slice %scan3A_97 {offsets = [12], sizes = [1], strides = [1]} : vector<16xi32> to vector<1xi32>
      %squeeze3A_132 = vector.extract %slice3A_131[0] : i32 from vector<1xi32>
      %min3A_133 = arith.minsi %min3A_130, %squeeze3A_132 : i32
      %slice3A_134 = vector.extract_strided_slice %scan3A_97 {offsets = [13], sizes = [1], strides = [1]} : vector<16xi32> to vector<1xi32>
      %squeeze3A_135 = vector.extract %slice3A_134[0] : i32 from vector<1xi32>
      %min3A_136 = arith.minsi %min3A_133, %squeeze3A_135 : i32
      %slice3A_137 = vector.extract_strided_slice %scan3A_97 {offsets = [14], sizes = [1], strides = [1]} : vector<16xi32> to vector<1xi32>
      %squeeze3A_138 = vector.extract %slice3A_137[0] : i32 from vector<1xi32>
      %min3A_139 = arith.minsi %min3A_136, %squeeze3A_138 : i32
      %slice3A_140 = vector.extract_strided_slice %scan3A_97 {offsets = [15], sizes = [1], strides = [1]} : vector<16xi32> to vector<1xi32>
      %squeeze3A_141 = vector.extract %slice3A_140[0] : i32 from vector<1xi32>
      %min3A_142 = arith.minsi %min3A_139, %squeeze3A_141 : i32
      %dma_wait3A_143 = arith.constant 0 : i32
      %dma_wait3A_144 = tpu.memref_slice %arg2[%mul3A_2, %dma_wait3A_143] : memref<1024x800xi32, #tpu.memory_space<hbm>> -> memref<1x800xi32, #tpu.memory_space<hbm>>
      %dma_wait3A_145 = tpu.memref_squeeze %dma_wait3A_144 : memref<1x800xi32, #tpu.memory_space<hbm>> -> memref<800xi32, #tpu.memory_space<hbm>>
      %dma_wait3A_146 = arith.constant 0 : i32
      %dma_wait3A_147 = tpu.memref_slice %arg2[%mul3A_2, %dma_wait3A_146] : memref<1024x800xi32, #tpu.memory_space<hbm>> -> memref<1x800xi32, #tpu.memory_space<hbm>>
      %dma_wait3A_148 = tpu.memref_squeeze %dma_wait3A_147 : memref<1x800xi32, #tpu.memory_space<hbm>> -> memref<800xi32, #tpu.memory_space<hbm>>
      tpu.wait_dma2 semaphore(%arg15 : memref<!tpu.dma_semaphore, #tpu.memory_space<semaphore_mem>>) src(%dma_wait3A_148 : memref<800xi32, #tpu.memory_space<hbm>>) dst(%arg7 : memref<800xi32, #tpu.memory_space<vmem>>)
      %gt3A = arith.constant 0 : i32
      %gt3A_149 = arith.cmpi sgt, %scan3A_87, %gt3A : i32
      %convert_element_type3A = arith.extui %gt3A_149 : i1 to i32
      %cond3A = arith.constant 0 : i32
      %cond3A_150 = arith.cmpi ne, %convert_element_type3A, %cond3A : i32
      scf.if %cond3A_150 {
        %dma_wait3A_319 = arith.constant 0 : i32
        %dma_wait3A_320 = arith.constant 0 : i32
        %dma_wait3A_321 = tpu.memref_slice %arg5[%mul3A_2, %dma_wait3A_319, %dma_wait3A_320] : memref<1024x800x64xf32, #tpu.memory_space<hbm>> -> memref<1x800x64xf32, #tpu.memory_space<hbm>>
        %dma_wait3A_322 = tpu.memref_squeeze %dma_wait3A_321 : memref<1x800x64xf32, #tpu.memory_space<hbm>> -> memref<800x64xf32, #tpu.memory_space<hbm>>
        %dma_wait3A_323 = arith.constant 0 : i32
        %dma_wait3A_324 = arith.constant 0 : i32
        %dma_wait3A_325 = tpu.memref_slice %arg5[%mul3A_2, %dma_wait3A_323, %dma_wait3A_324] : memref<1024x800x64xf32, #tpu.memory_space<hbm>> -> memref<1x800x64xf32, #tpu.memory_space<hbm>>
        %dma_wait3A_326 = tpu.memref_squeeze %dma_wait3A_325 : memref<1x800x64xf32, #tpu.memory_space<hbm>> -> memref<800x64xf32, #tpu.memory_space<hbm>>
        tpu.wait_dma2 semaphore(%arg13 : memref<!tpu.dma_semaphore, #tpu.memory_space<semaphore_mem>>) src(%dma_wait3A_326 : memref<800x64xf32, #tpu.memory_space<hbm>>) dst(%arg9 : memref<800x64xf32, #tpu.memory_space<vmem>>)
      } else {
      }
      %dma_start3A_151 = arith.constant 0 : i32
      %dma_start3A_152 = arith.constant 0 : i32
      %dma_start3A_153 = tpu.memref_slice %arg9[%dma_start3A_151, %dma_start3A_152] : memref<800x64xf32, #tpu.memory_space<vmem>> -> memref<128x64xf32, #tpu.memory_space<vmem>>
      %dma_start3A_154 = arith.constant 0 : i32
      %dma_start3A_155 = tpu.memref_slice %arg7[%dma_start3A_154] : memref<800xi32, #tpu.memory_space<vmem>> -> memref<128xi32, #tpu.memory_space<vmem>>
      %dma_start3A_156 = arith.constant 0 : i32
      %dma_start3A_157 = arith.constant 0 : i32
      %dma_start3A_158 = tpu.memref_slice %arg3[%dma_start3A_156, %dma_start3A_157] : memref<100000x64xf32, #tpu.memory_space<hbm>> -> memref<100000x64xf32, #tpu.memory_space<hbm>>
      tpu.enqueue_indirect_dma source(%dma_start3A_158 : memref<100000x64xf32, #tpu.memory_space<hbm>>) target(%dma_start3A_153 : memref<128x64xf32, #tpu.memory_space<vmem>>) offsets(%dma_start3A_155 : memref<128xi32, #tpu.memory_space<vmem>>) semaphore(%arg11 : memref<!tpu.dma_semaphore, #tpu.memory_space<semaphore_mem>>)
      %dma_start3A_159 = arith.constant 128 : i32
      %dma_start3A_160 = arith.constant 0 : i32
      %dma_start3A_161 = tpu.memref_slice %arg9[%dma_start3A_159, %dma_start3A_160] : memref<800x64xf32, #tpu.memory_space<vmem>> -> memref<72x64xf32, #tpu.memory_space<vmem>>
      %dma_start3A_162 = arith.constant 128 : i32
      %dma_start3A_163 = tpu.memref_slice %arg7[%dma_start3A_162] : memref<800xi32, #tpu.memory_space<vmem>> -> memref<72xi32, #tpu.memory_space<vmem>>
      %dma_start3A_164 = arith.constant 0 : i32
      %dma_start3A_165 = arith.constant 0 : i32
      %dma_start3A_166 = tpu.memref_slice %arg3[%dma_start3A_164, %dma_start3A_165] : memref<100000x64xf32, #tpu.memory_space<hbm>> -> memref<100000x64xf32, #tpu.memory_space<hbm>>
      tpu.enqueue_indirect_dma source(%dma_start3A_166 : memref<100000x64xf32, #tpu.memory_space<hbm>>) target(%dma_start3A_161 : memref<72x64xf32, #tpu.memory_space<vmem>>) offsets(%dma_start3A_163 : memref<72xi32, #tpu.memory_space<vmem>>) semaphore(%arg11 : memref<!tpu.dma_semaphore, #tpu.memory_space<semaphore_mem>>)
      %dma_start3A_167 = arith.constant 200 : i32
      %dma_start3A_168 = arith.constant 0 : i32
      %dma_start3A_169 = tpu.memref_slice %arg9[%dma_start3A_167, %dma_start3A_168] : memref<800x64xf32, #tpu.memory_space<vmem>> -> memref<128x64xf32, #tpu.memory_space<vmem>>
      %dma_start3A_170 = arith.constant 200 : i32
      %dma_start3A_171 = tpu.memref_slice %arg7[%dma_start3A_170] : memref<800xi32, #tpu.memory_space<vmem>> -> memref<128xi32, #tpu.memory_space<vmem>>
      %dma_start3A_172 = arith.constant 0 : i32
      %dma_start3A_173 = arith.constant 0 : i32
      %dma_start3A_174 = tpu.memref_slice %arg4[%dma_start3A_172, %dma_start3A_173] : memref<100000x64xf32, #tpu.memory_space<hbm>> -> memref<100000x64xf32, #tpu.memory_space<hbm>>
      tpu.enqueue_indirect_dma source(%dma_start3A_174 : memref<100000x64xf32, #tpu.memory_space<hbm>>) target(%dma_start3A_169 : memref<128x64xf32, #tpu.memory_space<vmem>>) offsets(%dma_start3A_171 : memref<128xi32, #tpu.memory_space<vmem>>) semaphore(%arg11 : memref<!tpu.dma_semaphore, #tpu.memory_space<semaphore_mem>>)
      %dma_start3A_175 = arith.constant 328 : i32
      %dma_start3A_176 = arith.constant 0 : i32
      %dma_start3A_177 = tpu.memref_slice %arg9[%dma_start3A_175, %dma_start3A_176] : memref<800x64xf32, #tpu.memory_space<vmem>> -> memref<128x64xf32, #tpu.memory_space<vmem>>
      %dma_start3A_178 = arith.constant 328 : i32
      %dma_start3A_179 = tpu.memref_slice %arg7[%dma_start3A_178] : memref<800xi32, #tpu.memory_space<vmem>> -> memref<128xi32, #tpu.memory_space<vmem>>
      %dma_start3A_180 = arith.constant 0 : i32
      %dma_start3A_181 = arith.constant 0 : i32
      %dma_start3A_182 = tpu.memref_slice %arg4[%dma_start3A_180, %dma_start3A_181] : memref<100000x64xf32, #tpu.memory_space<hbm>> -> memref<100000x64xf32, #tpu.memory_space<hbm>>
      tpu.enqueue_indirect_dma source(%dma_start3A_182 : memref<100000x64xf32, #tpu.memory_space<hbm>>) target(%dma_start3A_177 : memref<128x64xf32, #tpu.memory_space<vmem>>) offsets(%dma_start3A_179 : memref<128xi32, #tpu.memory_space<vmem>>) semaphore(%arg11 : memref<!tpu.dma_semaphore, #tpu.memory_space<semaphore_mem>>)
      %dma_start3A_183 = arith.constant 456 : i32
      %dma_start3A_184 = arith.constant 0 : i32
      %dma_start3A_185 = tpu.memref_slice %arg9[%dma_start3A_183, %dma_start3A_184] : memref<800x64xf32, #tpu.memory_space<vmem>> -> memref<128x64xf32, #tpu.memory_space<vmem>>
      %dma_start3A_186 = arith.constant 456 : i32
      %dma_start3A_187 = tpu.memref_slice %arg7[%dma_start3A_186] : memref<800xi32, #tpu.memory_space<vmem>> -> memref<128xi32, #tpu.memory_space<vmem>>
      %dma_start3A_188 = arith.constant 0 : i32
      %dma_start3A_189 = arith.constant 0 : i32
      %dma_start3A_190 = tpu.memref_slice %arg4[%dma_start3A_188, %dma_start3A_189] : memref<100000x64xf32, #tpu.memory_space<hbm>> -> memref<100000x64xf32, #tpu.memory_space<hbm>>
      tpu.enqueue_indirect_dma source(%dma_start3A_190 : memref<100000x64xf32, #tpu.memory_space<hbm>>) target(%dma_start3A_185 : memref<128x64xf32, #tpu.memory_space<vmem>>) offsets(%dma_start3A_187 : memref<128xi32, #tpu.memory_space<vmem>>) semaphore(%arg11 : memref<!tpu.dma_semaphore, #tpu.memory_space<semaphore_mem>>)
      %dma_start3A_191 = arith.constant 584 : i32
      %dma_start3A_192 = arith.constant 0 : i32
      %dma_start3A_193 = tpu.memref_slice %arg9[%dma_start3A_191, %dma_start3A_192] : memref<800x64xf32, #tpu.memory_space<vmem>> -> memref<128x64xf32, #tpu.memory_space<vmem>>
      %dma_start3A_194 = arith.constant 584 : i32
      %dma_start3A_195 = tpu.memref_slice %arg7[%dma_start3A_194] : memref<800xi32, #tpu.memory_space<vmem>> -> memref<128xi32, #tpu.memory_space<vmem>>
      %dma_start3A_196 = arith.constant 0 : i32
      %dma_start3A_197 = arith.constant 0 : i32
      %dma_start3A_198 = tpu.memref_slice %arg4[%dma_start3A_196, %dma_start3A_197] : memref<100000x64xf32, #tpu.memory_space<hbm>> -> memref<100000x64xf32, #tpu.memory_space<hbm>>
      tpu.enqueue_indirect_dma source(%dma_start3A_198 : memref<100000x64xf32, #tpu.memory_space<hbm>>) target(%dma_start3A_193 : memref<128x64xf32, #tpu.memory_space<vmem>>) offsets(%dma_start3A_195 : memref<128xi32, #tpu.memory_space<vmem>>) semaphore(%arg11 : memref<!tpu.dma_semaphore, #tpu.memory_space<semaphore_mem>>)
      %dma_start3A_199 = arith.constant 712 : i32
      %dma_start3A_200 = arith.constant 0 : i32
      %dma_start3A_201 = tpu.memref_slice %arg9[%dma_start3A_199, %dma_start3A_200] : memref<800x64xf32, #tpu.memory_space<vmem>> -> memref<88x64xf32, #tpu.memory_space<vmem>>
      %dma_start3A_202 = arith.constant 712 : i32
      %dma_start3A_203 = tpu.memref_slice %arg7[%dma_start3A_202] : memref<800xi32, #tpu.memory_space<vmem>> -> memref<88xi32, #tpu.memory_space<vmem>>
      %dma_start3A_204 = arith.constant 0 : i32
      %dma_start3A_205 = arith.constant 0 : i32
      %dma_start3A_206 = tpu.memref_slice %arg4[%dma_start3A_204, %dma_start3A_205] : memref<100000x64xf32, #tpu.memory_space<hbm>> -> memref<100000x64xf32, #tpu.memory_space<hbm>>
      tpu.enqueue_indirect_dma source(%dma_start3A_206 : memref<100000x64xf32, #tpu.memory_space<hbm>>) target(%dma_start3A_201 : memref<88x64xf32, #tpu.memory_space<vmem>>) offsets(%dma_start3A_203 : memref<88xi32, #tpu.memory_space<vmem>>) semaphore(%arg11 : memref<!tpu.dma_semaphore, #tpu.memory_space<semaphore_mem>>)
      %dma_wait3A_207 = arith.constant 0 : i32
      %dma_wait3A_208 = arith.constant 0 : i32
      %dma_wait3A_209 = tpu.memref_slice %arg5[%mul3A_2, %dma_wait3A_207, %dma_wait3A_208] : memref<1024x800x64xf32, #tpu.memory_space<hbm>> -> memref<1x800x64xf32, #tpu.memory_space<hbm>>
      %dma_wait3A_210 = tpu.memref_squeeze %dma_wait3A_209 : memref<1x800x64xf32, #tpu.memory_space<hbm>> -> memref<800x64xf32, #tpu.memory_space<hbm>>
      %dma_wait3A_211 = arith.constant 0 : i32
      %dma_wait3A_212 = arith.constant 0 : i32
      %dma_wait3A_213 = tpu.memref_slice %arg5[%mul3A_2, %dma_wait3A_211, %dma_wait3A_212] : memref<1024x800x64xf32, #tpu.memory_space<hbm>> -> memref<1x800x64xf32, #tpu.memory_space<hbm>>
      %dma_wait3A_214 = tpu.memref_squeeze %dma_wait3A_213 : memref<1x800x64xf32, #tpu.memory_space<hbm>> -> memref<800x64xf32, #tpu.memory_space<hbm>>
      tpu.wait_dma2 semaphore(%arg10 : memref<!tpu.dma_semaphore, #tpu.memory_space<semaphore_mem>>) src(%dma_wait3A_214 : memref<800x64xf32, #tpu.memory_space<hbm>>) dst(%arg8 : memref<800x64xf32, #tpu.memory_space<vmem>>)
      %eq3A = arith.constant 0 : i32
      %eq3A_215 = arith.cmpi eq, %min3A_142, %eq3A : i32
      %convert_element_type3A_216 = arith.extui %eq3A_215 : i1 to i32
      %cond3A_217 = arith.constant 0 : i32
      %cond3A_218 = arith.cmpi ne, %convert_element_type3A_216, %cond3A_217 : i32
      scf.if %cond3A_218 {
        %scan3A_319 = arith.constant 0 : i32
        %scan3A_320 = arith.constant 0 : i32
        %scan3A_321 = arith.constant 50 : i32
        %scan3A_322 = arith.addi %scan3A_320, %scan3A_321 : i32
        %scan3A_323 = arith.constant 1 : i32
        scf.for %scan3A_325 = %scan3A_320 to %scan3A_322 step %scan3A_323  : i32 {
          %mul3A_326 = arith.constant 16 : i32
          %mul3A_327 = arith.muli %scan3A_325, %mul3A_326 : i32
          %get3A = arith.index_cast %mul3A_327 : i32 to index
          %get3A_328 = tpu.vector_load %arg6[%get3A] {strides = array<i32>} : memref<800xi32, #tpu.memory_space<vmem>>, vector<16xi32>,
          %get3A_329 = vector.shape_cast %get3A_328 : vector<16xi32> to vector<16xi32>
          %slice3A_330 = vector.extract_strided_slice %get3A_329 {offsets = [0], sizes = [1], strides = [1]} : vector<16xi32> to vector<1xi32>
          %squeeze3A_331 = vector.extract %slice3A_330[0] : i32 from vector<1xi32>
          %eq3A_332 = arith.constant 0 : i32
          %eq3A_333 = arith.cmpi eq, %squeeze3A_331, %eq3A_332 : i32
          %convert_element_type3A_334 = arith.extui %eq3A_333 : i1 to i32
          %cond3A_335 = arith.constant 0 : i32
          %cond3A_336 = arith.cmpi ne, %convert_element_type3A_334, %cond3A_335 : i32
          scf.if %cond3A_336 {
            %mul3A_442 = arith.constant 16 : i32
            %mul3A_443 = arith.muli %scan3A_325, %mul3A_442 : i32
            %add3A_444 = arith.constant 0 : i32
            %add3A_445 = arith.addi %mul3A_443, %add3A_444 : i32
            %swap3A = arith.index_cast %add3A_445 : i32 to index
            %swap3A_446 = arith.constant 0 : index
            %swap3A_447 = tpu.vector_load %arg8[%swap3A, %swap3A_446] {strides = array<i32>} : memref<800x64xf32, #tpu.memory_space<vmem>>, vector<1x16xf32>,
            %swap3A_448 = vector.shape_cast %swap3A_447 : vector<1x16xf32> to vector<16xf32>
            %swap3A_449 = vector.shape_cast %broadcast_in_dim3A_3 : vector<16xf32> to vector<1x16xf32>
            tpu.vector_store %arg8[%swap3A, %swap3A_446], %swap3A_449 {strides = array<i32>} : memref<800x64xf32, #tpu.memory_space<vmem>>, vector<1x16xf32>,
            %mul3A_450 = arith.constant 16 : i32
            %mul3A_451 = arith.muli %scan3A_325, %mul3A_450 : i32
            %add3A_452 = arith.constant 0 : i32
            %add3A_453 = arith.addi %mul3A_451, %add3A_452 : i32
            %swap3A_454 = arith.index_cast %add3A_453 : i32 to index
            %swap3A_455 = arith.constant 16 : index
            %swap3A_456 = tpu.vector_load %arg8[%swap3A_454, %swap3A_455] {strides = array<i32>} : memref<800x64xf32, #tpu.memory_space<vmem>>, vector<1x16xf32>,
            %swap3A_457 = vector.shape_cast %swap3A_456 : vector<1x16xf32> to vector<16xf32>
            %swap3A_458 = vector.shape_cast %broadcast_in_dim3A_3 : vector<16xf32> to vector<1x16xf32>
            tpu.vector_store %arg8[%swap3A_454, %swap3A_455], %swap3A_458 {strides = array<i32>} : memref<800x64xf32, #tpu.memory_space<vmem>>, vector<1x16xf32>,
            %mul3A_459 = arith.constant 16 : i32
            %mul3A_460 = arith.muli %scan3A_325, %mul3A_459 : i32
            %add3A_461 = arith.constant 0 : i32
            %add3A_462 = arith.addi %mul3A_460, %add3A_461 : i32
            %swap3A_463 = arith.index_cast %add3A_462 : i32 to index
            %swap3A_464 = arith.constant 32 : index
            %swap3A_465 = tpu.vector_load %arg8[%swap3A_463, %swap3A_464] {strides = array<i32>} : memref<800x64xf32, #tpu.memory_space<vmem>>, vector<1x16xf32>,
            %swap3A_466 = vector.shape_cast %swap3A_465 : vector<1x16xf32> to vector<16xf32>
            %swap3A_467 = vector.shape_cast %broadcast_in_dim3A_3 : vector<16xf32> to vector<1x16xf32>
            tpu.vector_store %arg8[%swap3A_463, %swap3A_464], %swap3A_467 {strides = array<i32>} : memref<800x64xf32, #tpu.memory_space<vmem>>, vector<1x16xf32>,
            %mul3A_468 = arith.constant 16 : i32
            %mul3A_469 = arith.muli %scan3A_325, %mul3A_468 : i32
            %add3A_470 = arith.constant 0 : i32
            %add3A_471 = arith.addi %mul3A_469, %add3A_470 : i32
            %swap3A_472 = arith.index_cast %add3A_471 : i32 to index
            %swap3A_473 = arith.constant 48 : index
            %swap3A_474 = tpu.vector_load %arg8[%swap3A_472, %swap3A_473] {strides = array<i32>} : memref<800x64xf32, #tpu.memory_space<vmem>>, vector<1x16xf32>,
            %swap3A_475 = vector.shape_cast %swap3A_474 : vector<1x16xf32> to vector<16xf32>
            %swap3A_476 = vector.shape_cast %broadcast_in_dim3A_3 : vector<16xf32> to vector<1x16xf32>
            tpu.vector_store %arg8[%swap3A_472, %swap3A_473], %swap3A_476 {strides = array<i32>} : memref<800x64xf32, #tpu.memory_space<vmem>>, vector<1x16xf32>,
          } else {
          }
          %slice3A_337 = vector.extract_strided_slice %get3A_329 {offsets = [1], sizes = [1], strides = [1]} : vector<16xi32> to vector<1xi32>
          %squeeze3A_338 = vector.extract %slice3A_337[0] : i32 from vector<1xi32>
          %eq3A_339 = arith.constant 0 : i32
          %eq3A_340 = arith.cmpi eq, %squeeze3A_338, %eq3A_339 : i32
          %convert_element_type3A_341 = arith.extui %eq3A_340 : i1 to i32
          %cond3A_342 = arith.constant 0 : i32
          %cond3A_343 = arith.cmpi ne, %convert_element_type3A_341, %cond3A_342 : i32
          scf.if %cond3A_343 {
            %mul3A_442 = arith.constant 16 : i32
            %mul3A_443 = arith.muli %scan3A_325, %mul3A_442 : i32
            %add3A_444 = arith.constant 1 : i32
            %add3A_445 = arith.addi %mul3A_443, %add3A_444 : i32
            %swap3A = arith.index_cast %add3A_445 : i32 to index
            %swap3A_446 = arith.constant 0 : index
            %swap3A_447 = tpu.vector_load %arg8[%swap3A, %swap3A_446] {strides = array<i32>} : memref<800x64xf32, #tpu.memory_space<vmem>>, vector<1x16xf32>,
            %swap3A_448 = vector.shape_cast %swap3A_447 : vector<1x16xf32> to vector<16xf32>
            %swap3A_449 = vector.shape_cast %broadcast_in_dim3A_3 : vector<16xf32> to vector<1x16xf32>
            tpu.vector_store %arg8[%swap3A, %swap3A_446], %swap3A_449 {strides = array<i32>} : memref<800x64xf32, #tpu.memory_space<vmem>>, vector<1x16xf32>,
            %mul3A_450 = arith.constant 16 : i32
            %mul3A_451 = arith.muli %scan3A_325, %mul3A_450 : i32
            %add3A_452 = arith.constant 1 : i32
            %add3A_453 = arith.addi %mul3A_451, %add3A_452 : i32
            %swap3A_454 = arith.index_cast %add3A_453 : i32 to index
            %swap3A_455 = arith.constant 16 : index
            %swap3A_456 = tpu.vector_load %arg8[%swap3A_454, %swap3A_455] {strides = array<i32>} : memref<800x64xf32, #tpu.memory_space<vmem>>, vector<1x16xf32>,
            %swap3A_457 = vector.shape_cast %swap3A_456 : vector<1x16xf32> to vector<16xf32>
            %swap3A_458 = vector.shape_cast %broadcast_in_dim3A_3 : vector<16xf32> to vector<1x16xf32>
            tpu.vector_store %arg8[%swap3A_454, %swap3A_455], %swap3A_458 {strides = array<i32>} : memref<800x64xf32, #tpu.memory_space<vmem>>, vector<1x16xf32>,
            %mul3A_459 = arith.constant 16 : i32
            %mul3A_460 = arith.muli %scan3A_325, %mul3A_459 : i32
            %add3A_461 = arith.constant 1 : i32
            %add3A_462 = arith.addi %mul3A_460, %add3A_461 : i32
            %swap3A_463 = arith.index_cast %add3A_462 : i32 to index
            %swap3A_464 = arith.constant 32 : index
            %swap3A_465 = tpu.vector_load %arg8[%swap3A_463, %swap3A_464] {strides = array<i32>} : memref<800x64xf32, #tpu.memory_space<vmem>>, vector<1x16xf32>,
            %swap3A_466 = vector.shape_cast %swap3A_465 : vector<1x16xf32> to vector<16xf32>
            %swap3A_467 = vector.shape_cast %broadcast_in_dim3A_3 : vector<16xf32> to vector<1x16xf32>
            tpu.vector_store %arg8[%swap3A_463, %swap3A_464], %swap3A_467 {strides = array<i32>} : memref<800x64xf32, #tpu.memory_space<vmem>>, vector<1x16xf32>,
            %mul3A_468 = arith.constant 16 : i32
            %mul3A_469 = arith.muli %scan3A_325, %mul3A_468 : i32
            %add3A_470 = arith.constant 1 : i32
            %add3A_471 = arith.addi %mul3A_469, %add3A_470 : i32
            %swap3A_472 = arith.index_cast %add3A_471 : i32 to index
            %swap3A_473 = arith.constant 48 : index
            %swap3A_474 = tpu.vector_load %arg8[%swap3A_472, %swap3A_473] {strides = array<i32>} : memref<800x64xf32, #tpu.memory_space<vmem>>, vector<1x16xf32>,
            %swap3A_475 = vector.shape_cast %swap3A_474 : vector<1x16xf32> to vector<16xf32>
            %swap3A_476 = vector.shape_cast %broadcast_in_dim3A_3 : vector<16xf32> to vector<1x16xf32>
            tpu.vector_store %arg8[%swap3A_472, %swap3A_473], %swap3A_476 {strides = array<i32>} : memref<800x64xf32, #tpu.memory_space<vmem>>, vector<1x16xf32>,
          } else {
          }
          %slice3A_344 = vector.extract_strided_slice %get3A_329 {offsets = [2], sizes = [1], strides = [1]} : vector<16xi32> to vector<1xi32>
          %squeeze3A_345 = vector.extract %slice3A_344[0] : i32 from vector<1xi32>
          %eq3A_346 = arith.constant 0 : i32
          %eq3A_347 = arith.cmpi eq, %squeeze3A_345, %eq3A_346 : i32
          %convert_element_type3A_348 = arith.extui %eq3A_347 : i1 to i32
          %cond3A_349 = arith.constant 0 : i32
          %cond3A_350 = arith.cmpi ne, %convert_element_type3A_348, %cond3A_349 : i32
          scf.if %cond3A_350 {
            %mul3A_442 = arith.constant 16 : i32
            %mul3A_443 = arith.muli %scan3A_325, %mul3A_442 : i32
            %add3A_444 = arith.constant 2 : i32
            %add3A_445 = arith.addi %mul3A_443, %add3A_444 : i32
            %swap3A = arith.index_cast %add3A_445 : i32 to index
            %swap3A_446 = arith.constant 0 : index
            %swap3A_447 = tpu.vector_load %arg8[%swap3A, %swap3A_446] {strides = array<i32>} : memref<800x64xf32, #tpu.memory_space<vmem>>, vector<1x16xf32>,
            %swap3A_448 = vector.shape_cast %swap3A_447 : vector<1x16xf32> to vector<16xf32>
            %swap3A_449 = vector.shape_cast %broadcast_in_dim3A_3 : vector<16xf32> to vector<1x16xf32>
            tpu.vector_store %arg8[%swap3A, %swap3A_446], %swap3A_449 {strides = array<i32>} : memref<800x64xf32, #tpu.memory_space<vmem>>, vector<1x16xf32>,
            %mul3A_450 = arith.constant 16 : i32
            %mul3A_451 = arith.muli %scan3A_325, %mul3A_450 : i32
            %add3A_452 = arith.constant 2 : i32
            %add3A_453 = arith.addi %mul3A_451, %add3A_452 : i32
            %swap3A_454 = arith.index_cast %add3A_453 : i32 to index
            %swap3A_455 = arith.constant 16 : index
            %swap3A_456 = tpu.vector_load %arg8[%swap3A_454, %swap3A_455] {strides = array<i32>} : memref<800x64xf32, #tpu.memory_space<vmem>>, vector<1x16xf32>,
            %swap3A_457 = vector.shape_cast %swap3A_456 : vector<1x16xf32> to vector<16xf32>
            %swap3A_458 = vector.shape_cast %broadcast_in_dim3A_3 : vector<16xf32> to vector<1x16xf32>
            tpu.vector_store %arg8[%swap3A_454, %swap3A_455], %swap3A_458 {strides = array<i32>} : memref<800x64xf32, #tpu.memory_space<vmem>>, vector<1x16xf32>,
            %mul3A_459 = arith.constant 16 : i32
            %mul3A_460 = arith.muli %scan3A_325, %mul3A_459 : i32
            %add3A_461 = arith.constant 2 : i32
            %add3A_462 = arith.addi %mul3A_460, %add3A_461 : i32
            %swap3A_463 = arith.index_cast %add3A_462 : i32 to index
            %swap3A_464 = arith.constant 32 : index
            %swap3A_465 = tpu.vector_load %arg8[%swap3A_463, %swap3A_464] {strides = array<i32>} : memref<800x64xf32, #tpu.memory_space<vmem>>, vector<1x16xf32>,
            %swap3A_466 = vector.shape_cast %swap3A_465 : vector<1x16xf32> to vector<16xf32>
            %swap3A_467 = vector.shape_cast %broadcast_in_dim3A_3 : vector<16xf32> to vector<1x16xf32>
            tpu.vector_store %arg8[%swap3A_463, %swap3A_464], %swap3A_467 {strides = array<i32>} : memref<800x64xf32, #tpu.memory_space<vmem>>, vector<1x16xf32>,
            %mul3A_468 = arith.constant 16 : i32
            %mul3A_469 = arith.muli %scan3A_325, %mul3A_468 : i32
            %add3A_470 = arith.constant 2 : i32
            %add3A_471 = arith.addi %mul3A_469, %add3A_470 : i32
            %swap3A_472 = arith.index_cast %add3A_471 : i32 to index
            %swap3A_473 = arith.constant 48 : index
            %swap3A_474 = tpu.vector_load %arg8[%swap3A_472, %swap3A_473] {strides = array<i32>} : memref<800x64xf32, #tpu.memory_space<vmem>>, vector<1x16xf32>,
            %swap3A_475 = vector.shape_cast %swap3A_474 : vector<1x16xf32> to vector<16xf32>
            %swap3A_476 = vector.shape_cast %broadcast_in_dim3A_3 : vector<16xf32> to vector<1x16xf32>
            tpu.vector_store %arg8[%swap3A_472, %swap3A_473], %swap3A_476 {strides = array<i32>} : memref<800x64xf32, #tpu.memory_space<vmem>>, vector<1x16xf32>,
          } else {
          }
          %slice3A_351 = vector.extract_strided_slice %get3A_329 {offsets = [3], sizes = [1], strides = [1]} : vector<16xi32> to vector<1xi32>
          %squeeze3A_352 = vector.extract %slice3A_351[0] : i32 from vector<1xi32>
          %eq3A_353 = arith.constant 0 : i32
          %eq3A_354 = arith.cmpi eq, %squeeze3A_352, %eq3A_353 : i32
          %convert_element_type3A_355 = arith.extui %eq3A_354 : i1 to i32
          %cond3A_356 = arith.constant 0 : i32
          %cond3A_357 = arith.cmpi ne, %convert_element_type3A_355, %cond3A_356 : i32
          scf.if %cond3A_357 {
            %mul3A_442 = arith.constant 16 : i32
            %mul3A_443 = arith.muli %scan3A_325, %mul3A_442 : i32
            %add3A_444 = arith.constant 3 : i32
            %add3A_445 = arith.addi %mul3A_443, %add3A_444 : i32
            %swap3A = arith.index_cast %add3A_445 : i32 to index
            %swap3A_446 = arith.constant 0 : index
            %swap3A_447 = tpu.vector_load %arg8[%swap3A, %swap3A_446] {strides = array<i32>} : memref<800x64xf32, #tpu.memory_space<vmem>>, vector<1x16xf32>,
            %swap3A_448 = vector.shape_cast %swap3A_447 : vector<1x16xf32> to vector<16xf32>
            %swap3A_449 = vector.shape_cast %broadcast_in_dim3A_3 : vector<16xf32> to vector<1x16xf32>
            tpu.vector_store %arg8[%swap3A, %swap3A_446], %swap3A_449 {strides = array<i32>} : memref<800x64xf32, #tpu.memory_space<vmem>>, vector<1x16xf32>,
            %mul3A_450 = arith.constant 16 : i32
            %mul3A_451 = arith.muli %scan3A_325, %mul3A_450 : i32
            %add3A_452 = arith.constant 3 : i32
            %add3A_453 = arith.addi %mul3A_451, %add3A_452 : i32
            %swap3A_454 = arith.index_cast %add3A_453 : i32 to index
            %swap3A_455 = arith.constant 16 : index
            %swap3A_456 = tpu.vector_load %arg8[%swap3A_454, %swap3A_455] {strides = array<i32>} : memref<800x64xf32, #tpu.memory_space<vmem>>, vector<1x16xf32>,
            %swap3A_457 = vector.shape_cast %swap3A_456 : vector<1x16xf32> to vector<16xf32>
            %swap3A_458 = vector.shape_cast %broadcast_in_dim3A_3 : vector<16xf32> to vector<1x16xf32>
            tpu.vector_store %arg8[%swap3A_454, %swap3A_455], %swap3A_458 {strides = array<i32>} : memref<800x64xf32, #tpu.memory_space<vmem>>, vector<1x16xf32>,
            %mul3A_459 = arith.constant 16 : i32
            %mul3A_460 = arith.muli %scan3A_325, %mul3A_459 : i32
            %add3A_461 = arith.constant 3 : i32
            %add3A_462 = arith.addi %mul3A_460, %add3A_461 : i32
            %swap3A_463 = arith.index_cast %add3A_462 : i32 to index
            %swap3A_464 = arith.constant 32 : index
            %swap3A_465 = tpu.vector_load %arg8[%swap3A_463, %swap3A_464] {strides = array<i32>} : memref<800x64xf32, #tpu.memory_space<vmem>>, vector<1x16xf32>,
            %swap3A_466 = vector.shape_cast %swap3A_465 : vector<1x16xf32> to vector<16xf32>
            %swap3A_467 = vector.shape_cast %broadcast_in_dim3A_3 : vector<16xf32> to vector<1x16xf32>
            tpu.vector_store %arg8[%swap3A_463, %swap3A_464], %swap3A_467 {strides = array<i32>} : memref<800x64xf32, #tpu.memory_space<vmem>>, vector<1x16xf32>,
            %mul3A_468 = arith.constant 16 : i32
            %mul3A_469 = arith.muli %scan3A_325, %mul3A_468 : i32
            %add3A_470 = arith.constant 3 : i32
            %add3A_471 = arith.addi %mul3A_469, %add3A_470 : i32
            %swap3A_472 = arith.index_cast %add3A_471 : i32 to index
            %swap3A_473 = arith.constant 48 : index
            %swap3A_474 = tpu.vector_load %arg8[%swap3A_472, %swap3A_473] {strides = array<i32>} : memref<800x64xf32, #tpu.memory_space<vmem>>, vector<1x16xf32>,
            %swap3A_475 = vector.shape_cast %swap3A_474 : vector<1x16xf32> to vector<16xf32>
            %swap3A_476 = vector.shape_cast %broadcast_in_dim3A_3 : vector<16xf32> to vector<1x16xf32>
            tpu.vector_store %arg8[%swap3A_472, %swap3A_473], %swap3A_476 {strides = array<i32>} : memref<800x64xf32, #tpu.memory_space<vmem>>, vector<1x16xf32>,
          } else {
          }
          %slice3A_358 = vector.extract_strided_slice %get3A_329 {offsets = [4], sizes = [1], strides = [1]} : vector<16xi32> to vector<1xi32>
          %squeeze3A_359 = vector.extract %slice3A_358[0] : i32 from vector<1xi32>
          %eq3A_360 = arith.constant 0 : i32
          %eq3A_361 = arith.cmpi eq, %squeeze3A_359, %eq3A_360 : i32
          %convert_element_type3A_362 = arith.extui %eq3A_361 : i1 to i32
          %cond3A_363 = arith.constant 0 : i32
          %cond3A_364 = arith.cmpi ne, %convert_element_type3A_362, %cond3A_363 : i32
          scf.if %cond3A_364 {
            %mul3A_442 = arith.constant 16 : i32
            %mul3A_443 = arith.muli %scan3A_325, %mul3A_442 : i32
            %add3A_444 = arith.constant 4 : i32
            %add3A_445 = arith.addi %mul3A_443, %add3A_444 : i32
            %swap3A = arith.index_cast %add3A_445 : i32 to index
            %swap3A_446 = arith.constant 0 : index
            %swap3A_447 = tpu.vector_load %arg8[%swap3A, %swap3A_446] {strides = array<i32>} : memref<800x64xf32, #tpu.memory_space<vmem>>, vector<1x16xf32>,
            %swap3A_448 = vector.shape_cast %swap3A_447 : vector<1x16xf32> to vector<16xf32>
            %swap3A_449 = vector.shape_cast %broadcast_in_dim3A_3 : vector<16xf32> to vector<1x16xf32>
            tpu.vector_store %arg8[%swap3A, %swap3A_446], %swap3A_449 {strides = array<i32>} : memref<800x64xf32, #tpu.memory_space<vmem>>, vector<1x16xf32>,
            %mul3A_450 = arith.constant 16 : i32
            %mul3A_451 = arith.muli %scan3A_325, %mul3A_450 : i32
            %add3A_452 = arith.constant 4 : i32
            %add3A_453 = arith.addi %mul3A_451, %add3A_452 : i32
            %swap3A_454 = arith.index_cast %add3A_453 : i32 to index
            %swap3A_455 = arith.constant 16 : index
            %swap3A_456 = tpu.vector_load %arg8[%swap3A_454, %swap3A_455] {strides = array<i32>} : memref<800x64xf32, #tpu.memory_space<vmem>>, vector<1x16xf32>,
            %swap3A_457 = vector.shape_cast %swap3A_456 : vector<1x16xf32> to vector<16xf32>
            %swap3A_458 = vector.shape_cast %broadcast_in_dim3A_3 : vector<16xf32> to vector<1x16xf32>
            tpu.vector_store %arg8[%swap3A_454, %swap3A_455], %swap3A_458 {strides = array<i32>} : memref<800x64xf32, #tpu.memory_space<vmem>>, vector<1x16xf32>,
            %mul3A_459 = arith.constant 16 : i32
            %mul3A_460 = arith.muli %scan3A_325, %mul3A_459 : i32
            %add3A_461 = arith.constant 4 : i32
            %add3A_462 = arith.addi %mul3A_460, %add3A_461 : i32
            %swap3A_463 = arith.index_cast %add3A_462 : i32 to index
            %swap3A_464 = arith.constant 32 : index
            %swap3A_465 = tpu.vector_load %arg8[%swap3A_463, %swap3A_464] {strides = array<i32>} : memref<800x64xf32, #tpu.memory_space<vmem>>, vector<1x16xf32>,
            %swap3A_466 = vector.shape_cast %swap3A_465 : vector<1x16xf32> to vector<16xf32>
            %swap3A_467 = vector.shape_cast %broadcast_in_dim3A_3 : vector<16xf32> to vector<1x16xf32>
            tpu.vector_store %arg8[%swap3A_463, %swap3A_464], %swap3A_467 {strides = array<i32>} : memref<800x64xf32, #tpu.memory_space<vmem>>, vector<1x16xf32>,
            %mul3A_468 = arith.constant 16 : i32
            %mul3A_469 = arith.muli %scan3A_325, %mul3A_468 : i32
            %add3A_470 = arith.constant 4 : i32
            %add3A_471 = arith.addi %mul3A_469, %add3A_470 : i32
            %swap3A_472 = arith.index_cast %add3A_471 : i32 to index
            %swap3A_473 = arith.constant 48 : index
            %swap3A_474 = tpu.vector_load %arg8[%swap3A_472, %swap3A_473] {strides = array<i32>} : memref<800x64xf32, #tpu.memory_space<vmem>>, vector<1x16xf32>,
            %swap3A_475 = vector.shape_cast %swap3A_474 : vector<1x16xf32> to vector<16xf32>
            %swap3A_476 = vector.shape_cast %broadcast_in_dim3A_3 : vector<16xf32> to vector<1x16xf32>
            tpu.vector_store %arg8[%swap3A_472, %swap3A_473], %swap3A_476 {strides = array<i32>} : memref<800x64xf32, #tpu.memory_space<vmem>>, vector<1x16xf32>,
          } else {
          }
          %slice3A_365 = vector.extract_strided_slice %get3A_329 {offsets = [5], sizes = [1], strides = [1]} : vector<16xi32> to vector<1xi32>
          %squeeze3A_366 = vector.extract %slice3A_365[0] : i32 from vector<1xi32>
          %eq3A_367 = arith.constant 0 : i32
          %eq3A_368 = arith.cmpi eq, %squeeze3A_366, %eq3A_367 : i32
          %convert_element_type3A_369 = arith.extui %eq3A_368 : i1 to i32
          %cond3A_370 = arith.constant 0 : i32
          %cond3A_371 = arith.cmpi ne, %convert_element_type3A_369, %cond3A_370 : i32
          scf.if %cond3A_371 {
            %mul3A_442 = arith.constant 16 : i32
            %mul3A_443 = arith.muli %scan3A_325, %mul3A_442 : i32
            %add3A_444 = arith.constant 5 : i32
            %add3A_445 = arith.addi %mul3A_443, %add3A_444 : i32
            %swap3A = arith.index_cast %add3A_445 : i32 to index
            %swap3A_446 = arith.constant 0 : index
            %swap3A_447 = tpu.vector_load %arg8[%swap3A, %swap3A_446] {strides = array<i32>} : memref<800x64xf32, #tpu.memory_space<vmem>>, vector<1x16xf32>,
            %swap3A_448 = vector.shape_cast %swap3A_447 : vector<1x16xf32> to vector<16xf32>
            %swap3A_449 = vector.shape_cast %broadcast_in_dim3A_3 : vector<16xf32> to vector<1x16xf32>
            tpu.vector_store %arg8[%swap3A, %swap3A_446], %swap3A_449 {strides = array<i32>} : memref<800x64xf32, #tpu.memory_space<vmem>>, vector<1x16xf32>,
            %mul3A_450 = arith.constant 16 : i32
            %mul3A_451 = arith.muli %scan3A_325, %mul3A_450 : i32
            %add3A_452 = arith.constant 5 : i32
            %add3A_453 = arith.addi %mul3A_451, %add3A_452 : i32
            %swap3A_454 = arith.index_cast %add3A_453 : i32 to index
            %swap3A_455 = arith.constant 16 : index
            %swap3A_456 = tpu.vector_load %arg8[%swap3A_454, %swap3A_455] {strides = array<i32>} : memref<800x64xf32, #tpu.memory_space<vmem>>, vector<1x16xf32>,
            %swap3A_457 = vector.shape_cast %swap3A_456 : vector<1x16xf32> to vector<16xf32>
            %swap3A_458 = vector.shape_cast %broadcast_in_dim3A_3 : vector<16xf32> to vector<1x16xf32>
            tpu.vector_store %arg8[%swap3A_454, %swap3A_455], %swap3A_458 {strides = array<i32>} : memref<800x64xf32, #tpu.memory_space<vmem>>, vector<1x16xf32>,
            %mul3A_459 = arith.constant 16 : i32
            %mul3A_460 = arith.muli %scan3A_325, %mul3A_459 : i32
            %add3A_461 = arith.constant 5 : i32
            %add3A_462 = arith.addi %mul3A_460, %add3A_461 : i32
            %swap3A_463 = arith.index_cast %add3A_462 : i32 to index
            %swap3A_464 = arith.constant 32 : index
            %swap3A_465 = tpu.vector_load %arg8[%swap3A_463, %swap3A_464] {strides = array<i32>} : memref<800x64xf32, #tpu.memory_space<vmem>>, vector<1x16xf32>,
            %swap3A_466 = vector.shape_cast %swap3A_465 : vector<1x16xf32> to vector<16xf32>
            %swap3A_467 = vector.shape_cast %broadcast_in_dim3A_3 : vector<16xf32> to vector<1x16xf32>
            tpu.vector_store %arg8[%swap3A_463, %swap3A_464], %swap3A_467 {strides = array<i32>} : memref<800x64xf32, #tpu.memory_space<vmem>>, vector<1x16xf32>,
            %mul3A_468 = arith.constant 16 : i32
            %mul3A_469 = arith.muli %scan3A_325, %mul3A_468 : i32
            %add3A_470 = arith.constant 5 : i32
            %add3A_471 = arith.addi %mul3A_469, %add3A_470 : i32
            %swap3A_472 = arith.index_cast %add3A_471 : i32 to index
            %swap3A_473 = arith.constant 48 : index
            %swap3A_474 = tpu.vector_load %arg8[%swap3A_472, %swap3A_473] {strides = array<i32>} : memref<800x64xf32, #tpu.memory_space<vmem>>, vector<1x16xf32>,
            %swap3A_475 = vector.shape_cast %swap3A_474 : vector<1x16xf32> to vector<16xf32>
            %swap3A_476 = vector.shape_cast %broadcast_in_dim3A_3 : vector<16xf32> to vector<1x16xf32>
            tpu.vector_store %arg8[%swap3A_472, %swap3A_473], %swap3A_476 {strides = array<i32>} : memref<800x64xf32, #tpu.memory_space<vmem>>, vector<1x16xf32>,
          } else {
          }
          %slice3A_372 = vector.extract_strided_slice %get3A_329 {offsets = [6], sizes = [1], strides = [1]} : vector<16xi32> to vector<1xi32>
          %squeeze3A_373 = vector.extract %slice3A_372[0] : i32 from vector<1xi32>
          %eq3A_374 = arith.constant 0 : i32
          %eq3A_375 = arith.cmpi eq, %squeeze3A_373, %eq3A_374 : i32
          %convert_element_type3A_376 = arith.extui %eq3A_375 : i1 to i32
          %cond3A_377 = arith.constant 0 : i32
          %cond3A_378 = arith.cmpi ne, %convert_element_type3A_376, %cond3A_377 : i32
          scf.if %cond3A_378 {
            %mul3A_442 = arith.constant 16 : i32
            %mul3A_443 = arith.muli %scan3A_325, %mul3A_442 : i32
            %add3A_444 = arith.constant 6 : i32
            %add3A_445 = arith.addi %mul3A_443, %add3A_444 : i32
            %swap3A = arith.index_cast %add3A_445 : i32 to index
            %swap3A_446 = arith.constant 0 : index
            %swap3A_447 = tpu.vector_load %arg8[%swap3A, %swap3A_446] {strides = array<i32>} : memref<800x64xf32, #tpu.memory_space<vmem>>, vector<1x16xf32>,
            %swap3A_448 = vector.shape_cast %swap3A_447 : vector<1x16xf32> to vector<16xf32>
            %swap3A_449 = vector.shape_cast %broadcast_in_dim3A_3 : vector<16xf32> to vector<1x16xf32>
            tpu.vector_store %arg8[%swap3A, %swap3A_446], %swap3A_449 {strides = array<i32>} : memref<800x64xf32, #tpu.memory_space<vmem>>, vector<1x16xf32>,
            %mul3A_450 = arith.constant 16 : i32
            %mul3A_451 = arith.muli %scan3A_325, %mul3A_450 : i32
            %add3A_452 = arith.constant 6 : i32
            %add3A_453 = arith.addi %mul3A_451, %add3A_452 : i32
            %swap3A_454 = arith.index_cast %add3A_453 : i32 to index
            %swap3A_455 = arith.constant 16 : index
            %swap3A_456 = tpu.vector_load %arg8[%swap3A_454, %swap3A_455] {strides = array<i32>} : memref<800x64xf32, #tpu.memory_space<vmem>>, vector<1x16xf32>,
            %swap3A_457 = vector.shape_cast %swap3A_456 : vector<1x16xf32> to vector<16xf32>
            %swap3A_458 = vector.shape_cast %broadcast_in_dim3A_3 : vector<16xf32> to vector<1x16xf32>
            tpu.vector_store %arg8[%swap3A_454, %swap3A_455], %swap3A_458 {strides = array<i32>} : memref<800x64xf32, #tpu.memory_space<vmem>>, vector<1x16xf32>,
            %mul3A_459 = arith.constant 16 : i32
            %mul3A_460 = arith.muli %scan3A_325, %mul3A_459 : i32
            %add3A_461 = arith.constant 6 : i32
            %add3A_462 = arith.addi %mul3A_460, %add3A_461 : i32
            %swap3A_463 = arith.index_cast %add3A_462 : i32 to index
            %swap3A_464 = arith.constant 32 : index
            %swap3A_465 = tpu.vector_load %arg8[%swap3A_463, %swap3A_464] {strides = array<i32>} : memref<800x64xf32, #tpu.memory_space<vmem>>, vector<1x16xf32>,
            %swap3A_466 = vector.shape_cast %swap3A_465 : vector<1x16xf32> to vector<16xf32>
            %swap3A_467 = vector.shape_cast %broadcast_in_dim3A_3 : vector<16xf32> to vector<1x16xf32>
            tpu.vector_store %arg8[%swap3A_463, %swap3A_464], %swap3A_467 {strides = array<i32>} : memref<800x64xf32, #tpu.memory_space<vmem>>, vector<1x16xf32>,
            %mul3A_468 = arith.constant 16 : i32
            %mul3A_469 = arith.muli %scan3A_325, %mul3A_468 : i32
            %add3A_470 = arith.constant 6 : i32
            %add3A_471 = arith.addi %mul3A_469, %add3A_470 : i32
            %swap3A_472 = arith.index_cast %add3A_471 : i32 to index
            %swap3A_473 = arith.constant 48 : index
            %swap3A_474 = tpu.vector_load %arg8[%swap3A_472, %swap3A_473] {strides = array<i32>} : memref<800x64xf32, #tpu.memory_space<vmem>>, vector<1x16xf32>,
            %swap3A_475 = vector.shape_cast %swap3A_474 : vector<1x16xf32> to vector<16xf32>
            %swap3A_476 = vector.shape_cast %broadcast_in_dim3A_3 : vector<16xf32> to vector<1x16xf32>
            tpu.vector_store %arg8[%swap3A_472, %swap3A_473], %swap3A_476 {strides = array<i32>} : memref<800x64xf32, #tpu.memory_space<vmem>>, vector<1x16xf32>,
          } else {
          }
          %slice3A_379 = vector.extract_strided_slice %get3A_329 {offsets = [7], sizes = [1], strides = [1]} : vector<16xi32> to vector<1xi32>
          %squeeze3A_380 = vector.extract %slice3A_379[0] : i32 from vector<1xi32>
          %eq3A_381 = arith.constant 0 : i32
          %eq3A_382 = arith.cmpi eq, %squeeze3A_380, %eq3A_381 : i32
          %convert_element_type3A_383 = arith.extui %eq3A_382 : i1 to i32
          %cond3A_384 = arith.constant 0 : i32
          %cond3A_385 = arith.cmpi ne, %convert_element_type3A_383, %cond3A_384 : i32
          scf.if %cond3A_385 {
            %mul3A_442 = arith.constant 16 : i32
            %mul3A_443 = arith.muli %scan3A_325, %mul3A_442 : i32
            %add3A_444 = arith.constant 7 : i32
            %add3A_445 = arith.addi %mul3A_443, %add3A_444 : i32
            %swap3A = arith.index_cast %add3A_445 : i32 to index
            %swap3A_446 = arith.constant 0 : index
            %swap3A_447 = tpu.vector_load %arg8[%swap3A, %swap3A_446] {strides = array<i32>} : memref<800x64xf32, #tpu.memory_space<vmem>>, vector<1x16xf32>,
            %swap3A_448 = vector.shape_cast %swap3A_447 : vector<1x16xf32> to vector<16xf32>
            %swap3A_449 = vector.shape_cast %broadcast_in_dim3A_3 : vector<16xf32> to vector<1x16xf32>
            tpu.vector_store %arg8[%swap3A, %swap3A_446], %swap3A_449 {strides = array<i32>} : memref<800x64xf32, #tpu.memory_space<vmem>>, vector<1x16xf32>,
            %mul3A_450 = arith.constant 16 : i32
            %mul3A_451 = arith.muli %scan3A_325, %mul3A_450 : i32
            %add3A_452 = arith.constant 7 : i32
            %add3A_453 = arith.addi %mul3A_451, %add3A_452 : i32
            %swap3A_454 = arith.index_cast %add3A_453 : i32 to index
            %swap3A_455 = arith.constant 16 : index
            %swap3A_456 = tpu.vector_load %arg8[%swap3A_454, %swap3A_455] {strides = array<i32>} : memref<800x64xf32, #tpu.memory_space<vmem>>, vector<1x16xf32>,
            %swap3A_457 = vector.shape_cast %swap3A_456 : vector<1x16xf32> to vector<16xf32>
            %swap3A_458 = vector.shape_cast %broadcast_in_dim3A_3 : vector<16xf32> to vector<1x16xf32>
            tpu.vector_store %arg8[%swap3A_454, %swap3A_455], %swap3A_458 {strides = array<i32>} : memref<800x64xf32, #tpu.memory_space<vmem>>, vector<1x16xf32>,
            %mul3A_459 = arith.constant 16 : i32
            %mul3A_460 = arith.muli %scan3A_325, %mul3A_459 : i32
            %add3A_461 = arith.constant 7 : i32
            %add3A_462 = arith.addi %mul3A_460, %add3A_461 : i32
            %swap3A_463 = arith.index_cast %add3A_462 : i32 to index
            %swap3A_464 = arith.constant 32 : index
            %swap3A_465 = tpu.vector_load %arg8[%swap3A_463, %swap3A_464] {strides = array<i32>} : memref<800x64xf32, #tpu.memory_space<vmem>>, vector<1x16xf32>,
            %swap3A_466 = vector.shape_cast %swap3A_465 : vector<1x16xf32> to vector<16xf32>
            %swap3A_467 = vector.shape_cast %broadcast_in_dim3A_3 : vector<16xf32> to vector<1x16xf32>
            tpu.vector_store %arg8[%swap3A_463, %swap3A_464], %swap3A_467 {strides = array<i32>} : memref<800x64xf32, #tpu.memory_space<vmem>>, vector<1x16xf32>,
            %mul3A_468 = arith.constant 16 : i32
            %mul3A_469 = arith.muli %scan3A_325, %mul3A_468 : i32
            %add3A_470 = arith.constant 7 : i32
            %add3A_471 = arith.addi %mul3A_469, %add3A_470 : i32
            %swap3A_472 = arith.index_cast %add3A_471 : i32 to index
            %swap3A_473 = arith.constant 48 : index
            %swap3A_474 = tpu.vector_load %arg8[%swap3A_472, %swap3A_473] {strides = array<i32>} : memref<800x64xf32, #tpu.memory_space<vmem>>, vector<1x16xf32>,
            %swap3A_475 = vector.shape_cast %swap3A_474 : vector<1x16xf32> to vector<16xf32>
            %swap3A_476 = vector.shape_cast %broadcast_in_dim3A_3 : vector<16xf32> to vector<1x16xf32>
            tpu.vector_store %arg8[%swap3A_472, %swap3A_473], %swap3A_476 {strides = array<i32>} : memref<800x64xf32, #tpu.memory_space<vmem>>, vector<1x16xf32>,
          } else {
          }
          %slice3A_386 = vector.extract_strided_slice %get3A_329 {offsets = [8], sizes = [1], strides = [1]} : vector<16xi32> to vector<1xi32>
          %squeeze3A_387 = vector.extract %slice3A_386[0] : i32 from vector<1xi32>
          %eq3A_388 = arith.constant 0 : i32
          %eq3A_389 = arith.cmpi eq, %squeeze3A_387, %eq3A_388 : i32
          %convert_element_type3A_390 = arith.extui %eq3A_389 : i1 to i32
          %cond3A_391 = arith.constant 0 : i32
          %cond3A_392 = arith.cmpi ne, %convert_element_type3A_390, %cond3A_391 : i32
          scf.if %cond3A_392 {
            %mul3A_442 = arith.constant 16 : i32
            %mul3A_443 = arith.muli %scan3A_325, %mul3A_442 : i32
            %add3A_444 = arith.constant 8 : i32
            %add3A_445 = arith.addi %mul3A_443, %add3A_444 : i32
            %swap3A = arith.index_cast %add3A_445 : i32 to index
            %swap3A_446 = arith.constant 0 : index
            %swap3A_447 = tpu.vector_load %arg8[%swap3A, %swap3A_446] {strides = array<i32>} : memref<800x64xf32, #tpu.memory_space<vmem>>, vector<1x16xf32>,
            %swap3A_448 = vector.shape_cast %swap3A_447 : vector<1x16xf32> to vector<16xf32>
            %swap3A_449 = vector.shape_cast %broadcast_in_dim3A_3 : vector<16xf32> to vector<1x16xf32>
            tpu.vector_store %arg8[%swap3A, %swap3A_446], %swap3A_449 {strides = array<i32>} : memref<800x64xf32, #tpu.memory_space<vmem>>, vector<1x16xf32>,
            %mul3A_450 = arith.constant 16 : i32
            %mul3A_451 = arith.muli %scan3A_325, %mul3A_450 : i32
            %add3A_452 = arith.constant 8 : i32
            %add3A_453 = arith.addi %mul3A_451, %add3A_452 : i32
            %swap3A_454 = arith.index_cast %add3A_453 : i32 to index
            %swap3A_455 = arith.constant 16 : index
            %swap3A_456 = tpu.vector_load %arg8[%swap3A_454, %swap3A_455] {strides = array<i32>} : memref<800x64xf32, #tpu.memory_space<vmem>>, vector<1x16xf32>,
            %swap3A_457 = vector.shape_cast %swap3A_456 : vector<1x16xf32> to vector<16xf32>
            %swap3A_458 = vector.shape_cast %broadcast_in_dim3A_3 : vector<16xf32> to vector<1x16xf32>
            tpu.vector_store %arg8[%swap3A_454, %swap3A_455], %swap3A_458 {strides = array<i32>} : memref<800x64xf32, #tpu.memory_space<vmem>>, vector<1x16xf32>,
            %mul3A_459 = arith.constant 16 : i32
            %mul3A_460 = arith.muli %scan3A_325, %mul3A_459 : i32
            %add3A_461 = arith.constant 8 : i32
            %add3A_462 = arith.addi %mul3A_460, %add3A_461 : i32
            %swap3A_463 = arith.index_cast %add3A_462 : i32 to index
            %swap3A_464 = arith.constant 32 : index
            %swap3A_465 = tpu.vector_load %arg8[%swap3A_463, %swap3A_464] {strides = array<i32>} : memref<800x64xf32, #tpu.memory_space<vmem>>, vector<1x16xf32>,
            %swap3A_466 = vector.shape_cast %swap3A_465 : vector<1x16xf32> to vector<16xf32>
            %swap3A_467 = vector.shape_cast %broadcast_in_dim3A_3 : vector<16xf32> to vector<1x16xf32>
            tpu.vector_store %arg8[%swap3A_463, %swap3A_464], %swap3A_467 {strides = array<i32>} : memref<800x64xf32, #tpu.memory_space<vmem>>, vector<1x16xf32>,
            %mul3A_468 = arith.constant 16 : i32
            %mul3A_469 = arith.muli %scan3A_325, %mul3A_468 : i32
            %add3A_470 = arith.constant 8 : i32
            %add3A_471 = arith.addi %mul3A_469, %add3A_470 : i32
            %swap3A_472 = arith.index_cast %add3A_471 : i32 to index
            %swap3A_473 = arith.constant 48 : index
            %swap3A_474 = tpu.vector_load %arg8[%swap3A_472, %swap3A_473] {strides = array<i32>} : memref<800x64xf32, #tpu.memory_space<vmem>>, vector<1x16xf32>,
            %swap3A_475 = vector.shape_cast %swap3A_474 : vector<1x16xf32> to vector<16xf32>
            %swap3A_476 = vector.shape_cast %broadcast_in_dim3A_3 : vector<16xf32> to vector<1x16xf32>
            tpu.vector_store %arg8[%swap3A_472, %swap3A_473], %swap3A_476 {strides = array<i32>} : memref<800x64xf32, #tpu.memory_space<vmem>>, vector<1x16xf32>,
          } else {
          }
          %slice3A_393 = vector.extract_strided_slice %get3A_329 {offsets = [9], sizes = [1], strides = [1]} : vector<16xi32> to vector<1xi32>
          %squeeze3A_394 = vector.extract %slice3A_393[0] : i32 from vector<1xi32>
          %eq3A_395 = arith.constant 0 : i32
          %eq3A_396 = arith.cmpi eq, %squeeze3A_394, %eq3A_395 : i32
          %convert_element_type3A_397 = arith.extui %eq3A_396 : i1 to i32
          %cond3A_398 = arith.constant 0 : i32
          %cond3A_399 = arith.cmpi ne, %convert_element_type3A_397, %cond3A_398 : i32
          scf.if %cond3A_399 {
            %mul3A_442 = arith.constant 16 : i32
            %mul3A_443 = arith.muli %scan3A_325, %mul3A_442 : i32
            %add3A_444 = arith.constant 9 : i32
            %add3A_445 = arith.addi %mul3A_443, %add3A_444 : i32
            %swap3A = arith.index_cast %add3A_445 : i32 to index
            %swap3A_446 = arith.constant 0 : index
            %swap3A_447 = tpu.vector_load %arg8[%swap3A, %swap3A_446] {strides = array<i32>} : memref<800x64xf32, #tpu.memory_space<vmem>>, vector<1x16xf32>,
            %swap3A_448 = vector.shape_cast %swap3A_447 : vector<1x16xf32> to vector<16xf32>
            %swap3A_449 = vector.shape_cast %broadcast_in_dim3A_3 : vector<16xf32> to vector<1x16xf32>
            tpu.vector_store %arg8[%swap3A, %swap3A_446], %swap3A_449 {strides = array<i32>} : memref<800x64xf32, #tpu.memory_space<vmem>>, vector<1x16xf32>,
            %mul3A_450 = arith.constant 16 : i32
            %mul3A_451 = arith.muli %scan3A_325, %mul3A_450 : i32
            %add3A_452 = arith.constant 9 : i32
            %add3A_453 = arith.addi %mul3A_451, %add3A_452 : i32
            %swap3A_454 = arith.index_cast %add3A_453 : i32 to index
            %swap3A_455 = arith.constant 16 : index
            %swap3A_456 = tpu.vector_load %arg8[%swap3A_454, %swap3A_455] {strides = array<i32>} : memref<800x64xf32, #tpu.memory_space<vmem>>, vector<1x16xf32>,
            %swap3A_457 = vector.shape_cast %swap3A_456 : vector<1x16xf32> to vector<16xf32>
            %swap3A_458 = vector.shape_cast %broadcast_in_dim3A_3 : vector<16xf32> to vector<1x16xf32>
            tpu.vector_store %arg8[%swap3A_454, %swap3A_455], %swap3A_458 {strides = array<i32>} : memref<800x64xf32, #tpu.memory_space<vmem>>, vector<1x16xf32>,
            %mul3A_459 = arith.constant 16 : i32
            %mul3A_460 = arith.muli %scan3A_325, %mul3A_459 : i32
            %add3A_461 = arith.constant 9 : i32
            %add3A_462 = arith.addi %mul3A_460, %add3A_461 : i32
            %swap3A_463 = arith.index_cast %add3A_462 : i32 to index
            %swap3A_464 = arith.constant 32 : index
            %swap3A_465 = tpu.vector_load %arg8[%swap3A_463, %swap3A_464] {strides = array<i32>} : memref<800x64xf32, #tpu.memory_space<vmem>>, vector<1x16xf32>,
            %swap3A_466 = vector.shape_cast %swap3A_465 : vector<1x16xf32> to vector<16xf32>
            %swap3A_467 = vector.shape_cast %broadcast_in_dim3A_3 : vector<16xf32> to vector<1x16xf32>
            tpu.vector_store %arg8[%swap3A_463, %swap3A_464], %swap3A_467 {strides = array<i32>} : memref<800x64xf32, #tpu.memory_space<vmem>>, vector<1x16xf32>,
            %mul3A_468 = arith.constant 16 : i32
            %mul3A_469 = arith.muli %scan3A_325, %mul3A_468 : i32
            %add3A_470 = arith.constant 9 : i32
            %add3A_471 = arith.addi %mul3A_469, %add3A_470 : i32
            %swap3A_472 = arith.index_cast %add3A_471 : i32 to index
            %swap3A_473 = arith.constant 48 : index
            %swap3A_474 = tpu.vector_load %arg8[%swap3A_472, %swap3A_473] {strides = array<i32>} : memref<800x64xf32, #tpu.memory_space<vmem>>, vector<1x16xf32>,
            %swap3A_475 = vector.shape_cast %swap3A_474 : vector<1x16xf32> to vector<16xf32>
            %swap3A_476 = vector.shape_cast %broadcast_in_dim3A_3 : vector<16xf32> to vector<1x16xf32>
            tpu.vector_store %arg8[%swap3A_472, %swap3A_473], %swap3A_476 {strides = array<i32>} : memref<800x64xf32, #tpu.memory_space<vmem>>, vector<1x16xf32>,
          } else {
          }
          %slice3A_400 = vector.extract_strided_slice %get3A_329 {offsets = [10], sizes = [1], strides = [1]} : vector<16xi32> to vector<1xi32>
          %squeeze3A_401 = vector.extract %slice3A_400[0] : i32 from vector<1xi32>
          %eq3A_402 = arith.constant 0 : i32
          %eq3A_403 = arith.cmpi eq, %squeeze3A_401, %eq3A_402 : i32
          %convert_element_type3A_404 = arith.extui %eq3A_403 : i1 to i32
          %cond3A_405 = arith.constant 0 : i32
          %cond3A_406 = arith.cmpi ne, %convert_element_type3A_404, %cond3A_405 : i32
          scf.if %cond3A_406 {
            %mul3A_442 = arith.constant 16 : i32
            %mul3A_443 = arith.muli %scan3A_325, %mul3A_442 : i32
            %add3A_444 = arith.constant 10 : i32
            %add3A_445 = arith.addi %mul3A_443, %add3A_444 : i32
            %swap3A = arith.index_cast %add3A_445 : i32 to index
            %swap3A_446 = arith.constant 0 : index
            %swap3A_447 = tpu.vector_load %arg8[%swap3A, %swap3A_446] {strides = array<i32>} : memref<800x64xf32, #tpu.memory_space<vmem>>, vector<1x16xf32>,
            %swap3A_448 = vector.shape_cast %swap3A_447 : vector<1x16xf32> to vector<16xf32>
            %swap3A_449 = vector.shape_cast %broadcast_in_dim3A_3 : vector<16xf32> to vector<1x16xf32>
            tpu.vector_store %arg8[%swap3A, %swap3A_446], %swap3A_449 {strides = array<i32>} : memref<800x64xf32, #tpu.memory_space<vmem>>, vector<1x16xf32>,
            %mul3A_450 = arith.constant 16 : i32
            %mul3A_451 = arith.muli %scan3A_325, %mul3A_450 : i32
            %add3A_452 = arith.constant 10 : i32
            %add3A_453 = arith.addi %mul3A_451, %add3A_452 : i32
            %swap3A_454 = arith.index_cast %add3A_453 : i32 to index
            %swap3A_455 = arith.constant 16 : index
            %swap3A_456 = tpu.vector_load %arg8[%swap3A_454, %swap3A_455] {strides = array<i32>} : memref<800x64xf32, #tpu.memory_space<vmem>>, vector<1x16xf32>,
            %swap3A_457 = vector.shape_cast %swap3A_456 : vector<1x16xf32> to vector<16xf32>
            %swap3A_458 = vector.shape_cast %broadcast_in_dim3A_3 : vector<16xf32> to vector<1x16xf32>
            tpu.vector_store %arg8[%swap3A_454, %swap3A_455], %swap3A_458 {strides = array<i32>} : memref<800x64xf32, #tpu.memory_space<vmem>>, vector<1x16xf32>,
            %mul3A_459 = arith.constant 16 : i32
            %mul3A_460 = arith.muli %scan3A_325, %mul3A_459 : i32
            %add3A_461 = arith.constant 10 : i32
            %add3A_462 = arith.addi %mul3A_460, %add3A_461 : i32
            %swap3A_463 = arith.index_cast %add3A_462 : i32 to index
            %swap3A_464 = arith.constant 32 : index
            %swap3A_465 = tpu.vector_load %arg8[%swap3A_463, %swap3A_464] {strides = array<i32>} : memref<800x64xf32, #tpu.memory_space<vmem>>, vector<1x16xf32>,
            %swap3A_466 = vector.shape_cast %swap3A_465 : vector<1x16xf32> to vector<16xf32>
            %swap3A_467 = vector.shape_cast %broadcast_in_dim3A_3 : vector<16xf32> to vector<1x16xf32>
            tpu.vector_store %arg8[%swap3A_463, %swap3A_464], %swap3A_467 {strides = array<i32>} : memref<800x64xf32, #tpu.memory_space<vmem>>, vector<1x16xf32>,
            %mul3A_468 = arith.constant 16 : i32
            %mul3A_469 = arith.muli %scan3A_325, %mul3A_468 : i32
            %add3A_470 = arith.constant 10 : i32
            %add3A_471 = arith.addi %mul3A_469, %add3A_470 : i32
            %swap3A_472 = arith.index_cast %add3A_471 : i32 to index
            %swap3A_473 = arith.constant 48 : index
            %swap3A_474 = tpu.vector_load %arg8[%swap3A_472, %swap3A_473] {strides = array<i32>} : memref<800x64xf32, #tpu.memory_space<vmem>>, vector<1x16xf32>,
            %swap3A_475 = vector.shape_cast %swap3A_474 : vector<1x16xf32> to vector<16xf32>
            %swap3A_476 = vector.shape_cast %broadcast_in_dim3A_3 : vector<16xf32> to vector<1x16xf32>
            tpu.vector_store %arg8[%swap3A_472, %swap3A_473], %swap3A_476 {strides = array<i32>} : memref<800x64xf32, #tpu.memory_space<vmem>>, vector<1x16xf32>,
          } else {
          }
          %slice3A_407 = vector.extract_strided_slice %get3A_329 {offsets = [11], sizes = [1], strides = [1]} : vector<16xi32> to vector<1xi32>
          %squeeze3A_408 = vector.extract %slice3A_407[0] : i32 from vector<1xi32>
          %eq3A_409 = arith.constant 0 : i32
          %eq3A_410 = arith.cmpi eq, %squeeze3A_408, %eq3A_409 : i32
          %convert_element_type3A_411 = arith.extui %eq3A_410 : i1 to i32
          %cond3A_412 = arith.constant 0 : i32
          %cond3A_413 = arith.cmpi ne, %convert_element_type3A_411, %cond3A_412 : i32
          scf.if %cond3A_413 {
            %mul3A_442 = arith.constant 16 : i32
            %mul3A_443 = arith.muli %scan3A_325, %mul3A_442 : i32
            %add3A_444 = arith.constant 11 : i32
            %add3A_445 = arith.addi %mul3A_443, %add3A_444 : i32
            %swap3A = arith.index_cast %add3A_445 : i32 to index
            %swap3A_446 = arith.constant 0 : index
            %swap3A_447 = tpu.vector_load %arg8[%swap3A, %swap3A_446] {strides = array<i32>} : memref<800x64xf32, #tpu.memory_space<vmem>>, vector<1x16xf32>,
            %swap3A_448 = vector.shape_cast %swap3A_447 : vector<1x16xf32> to vector<16xf32>
            %swap3A_449 = vector.shape_cast %broadcast_in_dim3A_3 : vector<16xf32> to vector<1x16xf32>
            tpu.vector_store %arg8[%swap3A, %swap3A_446], %swap3A_449 {strides = array<i32>} : memref<800x64xf32, #tpu.memory_space<vmem>>, vector<1x16xf32>,
            %mul3A_450 = arith.constant 16 : i32
            %mul3A_451 = arith.muli %scan3A_325, %mul3A_450 : i32
            %add3A_452 = arith.constant 11 : i32
            %add3A_453 = arith.addi %mul3A_451, %add3A_452 : i32
            %swap3A_454 = arith.index_cast %add3A_453 : i32 to index
            %swap3A_455 = arith.constant 16 : index
            %swap3A_456 = tpu.vector_load %arg8[%swap3A_454, %swap3A_455] {strides = array<i32>} : memref<800x64xf32, #tpu.memory_space<vmem>>, vector<1x16xf32>,
            %swap3A_457 = vector.shape_cast %swap3A_456 : vector<1x16xf32> to vector<16xf32>
            %swap3A_458 = vector.shape_cast %broadcast_in_dim3A_3 : vector<16xf32> to vector<1x16xf32>
            tpu.vector_store %arg8[%swap3A_454, %swap3A_455], %swap3A_458 {strides = array<i32>} : memref<800x64xf32, #tpu.memory_space<vmem>>, vector<1x16xf32>,
            %mul3A_459 = arith.constant 16 : i32
            %mul3A_460 = arith.muli %scan3A_325, %mul3A_459 : i32
            %add3A_461 = arith.constant 11 : i32
            %add3A_462 = arith.addi %mul3A_460, %add3A_461 : i32
            %swap3A_463 = arith.index_cast %add3A_462 : i32 to index
            %swap3A_464 = arith.constant 32 : index
            %swap3A_465 = tpu.vector_load %arg8[%swap3A_463, %swap3A_464] {strides = array<i32>} : memref<800x64xf32, #tpu.memory_space<vmem>>, vector<1x16xf32>,
            %swap3A_466 = vector.shape_cast %swap3A_465 : vector<1x16xf32> to vector<16xf32>
            %swap3A_467 = vector.shape_cast %broadcast_in_dim3A_3 : vector<16xf32> to vector<1x16xf32>
            tpu.vector_store %arg8[%swap3A_463, %swap3A_464], %swap3A_467 {strides = array<i32>} : memref<800x64xf32, #tpu.memory_space<vmem>>, vector<1x16xf32>,
            %mul3A_468 = arith.constant 16 : i32
            %mul3A_469 = arith.muli %scan3A_325, %mul3A_468 : i32
            %add3A_470 = arith.constant 11 : i32
            %add3A_471 = arith.addi %mul3A_469, %add3A_470 : i32
            %swap3A_472 = arith.index_cast %add3A_471 : i32 to index
            %swap3A_473 = arith.constant 48 : index
            %swap3A_474 = tpu.vector_load %arg8[%swap3A_472, %swap3A_473] {strides = array<i32>} : memref<800x64xf32, #tpu.memory_space<vmem>>, vector<1x16xf32>,
            %swap3A_475 = vector.shape_cast %swap3A_474 : vector<1x16xf32> to vector<16xf32>
            %swap3A_476 = vector.shape_cast %broadcast_in_dim3A_3 : vector<16xf32> to vector<1x16xf32>
            tpu.vector_store %arg8[%swap3A_472, %swap3A_473], %swap3A_476 {strides = array<i32>} : memref<800x64xf32, #tpu.memory_space<vmem>>, vector<1x16xf32>,
          } else {
          }
          %slice3A_414 = vector.extract_strided_slice %get3A_329 {offsets = [12], sizes = [1], strides = [1]} : vector<16xi32> to vector<1xi32>
          %squeeze3A_415 = vector.extract %slice3A_414[0] : i32 from vector<1xi32>
          %eq3A_416 = arith.constant 0 : i32
          %eq3A_417 = arith.cmpi eq, %squeeze3A_415, %eq3A_416 : i32
          %convert_element_type3A_418 = arith.extui %eq3A_417 : i1 to i32
          %cond3A_419 = arith.constant 0 : i32
          %cond3A_420 = arith.cmpi ne, %convert_element_type3A_418, %cond3A_419 : i32
          scf.if %cond3A_420 {
            %mul3A_442 = arith.constant 16 : i32
            %mul3A_443 = arith.muli %scan3A_325, %mul3A_442 : i32
            %add3A_444 = arith.constant 12 : i32
            %add3A_445 = arith.addi %mul3A_443, %add3A_444 : i32
            %swap3A = arith.index_cast %add3A_445 : i32 to index
            %swap3A_446 = arith.constant 0 : index
            %swap3A_447 = tpu.vector_load %arg8[%swap3A, %swap3A_446] {strides = array<i32>} : memref<800x64xf32, #tpu.memory_space<vmem>>, vector<1x16xf32>,
            %swap3A_448 = vector.shape_cast %swap3A_447 : vector<1x16xf32> to vector<16xf32>
            %swap3A_449 = vector.shape_cast %broadcast_in_dim3A_3 : vector<16xf32> to vector<1x16xf32>
            tpu.vector_store %arg8[%swap3A, %swap3A_446], %swap3A_449 {strides = array<i32>} : memref<800x64xf32, #tpu.memory_space<vmem>>, vector<1x16xf32>,
            %mul3A_450 = arith.constant 16 : i32
            %mul3A_451 = arith.muli %scan3A_325, %mul3A_450 : i32
            %add3A_452 = arith.constant 12 : i32
            %add3A_453 = arith.addi %mul3A_451, %add3A_452 : i32
            %swap3A_454 = arith.index_cast %add3A_453 : i32 to index
            %swap3A_455 = arith.constant 16 : index
            %swap3A_456 = tpu.vector_load %arg8[%swap3A_454, %swap3A_455] {strides = array<i32>} : memref<800x64xf32, #tpu.memory_space<vmem>>, vector<1x16xf32>,
            %swap3A_457 = vector.shape_cast %swap3A_456 : vector<1x16xf32> to vector<16xf32>
            %swap3A_458 = vector.shape_cast %broadcast_in_dim3A_3 : vector<16xf32> to vector<1x16xf32>
            tpu.vector_store %arg8[%swap3A_454, %swap3A_455], %swap3A_458 {strides = array<i32>} : memref<800x64xf32, #tpu.memory_space<vmem>>, vector<1x16xf32>,
            %mul3A_459 = arith.constant 16 : i32
            %mul3A_460 = arith.muli %scan3A_325, %mul3A_459 : i32
            %add3A_461 = arith.constant 12 : i32
            %add3A_462 = arith.addi %mul3A_460, %add3A_461 : i32
            %swap3A_463 = arith.index_cast %add3A_462 : i32 to index
            %swap3A_464 = arith.constant 32 : index
            %swap3A_465 = tpu.vector_load %arg8[%swap3A_463, %swap3A_464] {strides = array<i32>} : memref<800x64xf32, #tpu.memory_space<vmem>>, vector<1x16xf32>,
            %swap3A_466 = vector.shape_cast %swap3A_465 : vector<1x16xf32> to vector<16xf32>
            %swap3A_467 = vector.shape_cast %broadcast_in_dim3A_3 : vector<16xf32> to vector<1x16xf32>
            tpu.vector_store %arg8[%swap3A_463, %swap3A_464], %swap3A_467 {strides = array<i32>} : memref<800x64xf32, #tpu.memory_space<vmem>>, vector<1x16xf32>,
            %mul3A_468 = arith.constant 16 : i32
            %mul3A_469 = arith.muli %scan3A_325, %mul3A_468 : i32
            %add3A_470 = arith.constant 12 : i32
            %add3A_471 = arith.addi %mul3A_469, %add3A_470 : i32
            %swap3A_472 = arith.index_cast %add3A_471 : i32 to index
            %swap3A_473 = arith.constant 48 : index
            %swap3A_474 = tpu.vector_load %arg8[%swap3A_472, %swap3A_473] {strides = array<i32>} : memref<800x64xf32, #tpu.memory_space<vmem>>, vector<1x16xf32>,
            %swap3A_475 = vector.shape_cast %swap3A_474 : vector<1x16xf32> to vector<16xf32>
            %swap3A_476 = vector.shape_cast %broadcast_in_dim3A_3 : vector<16xf32> to vector<1x16xf32>
            tpu.vector_store %arg8[%swap3A_472, %swap3A_473], %swap3A_476 {strides = array<i32>} : memref<800x64xf32, #tpu.memory_space<vmem>>, vector<1x16xf32>,
          } else {
          }
          %slice3A_421 = vector.extract_strided_slice %get3A_329 {offsets = [13], sizes = [1], strides = [1]} : vector<16xi32> to vector<1xi32>
          %squeeze3A_422 = vector.extract %slice3A_421[0] : i32 from vector<1xi32>
          %eq3A_423 = arith.constant 0 : i32
          %eq3A_424 = arith.cmpi eq, %squeeze3A_422, %eq3A_423 : i32
          %convert_element_type3A_425 = arith.extui %eq3A_424 : i1 to i32
          %cond3A_426 = arith.constant 0 : i32
          %cond3A_427 = arith.cmpi ne, %convert_element_type3A_425, %cond3A_426 : i32
          scf.if %cond3A_427 {
            %mul3A_442 = arith.constant 16 : i32
            %mul3A_443 = arith.muli %scan3A_325, %mul3A_442 : i32
            %add3A_444 = arith.constant 13 : i32
            %add3A_445 = arith.addi %mul3A_443, %add3A_444 : i32
            %swap3A = arith.index_cast %add3A_445 : i32 to index
            %swap3A_446 = arith.constant 0 : index
            %swap3A_447 = tpu.vector_load %arg8[%swap3A, %swap3A_446] {strides = array<i32>} : memref<800x64xf32, #tpu.memory_space<vmem>>, vector<1x16xf32>,
            %swap3A_448 = vector.shape_cast %swap3A_447 : vector<1x16xf32> to vector<16xf32>
            %swap3A_449 = vector.shape_cast %broadcast_in_dim3A_3 : vector<16xf32> to vector<1x16xf32>
            tpu.vector_store %arg8[%swap3A, %swap3A_446], %swap3A_449 {strides = array<i32>} : memref<800x64xf32, #tpu.memory_space<vmem>>, vector<1x16xf32>,
            %mul3A_450 = arith.constant 16 : i32
            %mul3A_451 = arith.muli %scan3A_325, %mul3A_450 : i32
            %add3A_452 = arith.constant 13 : i32
            %add3A_453 = arith.addi %mul3A_451, %add3A_452 : i32
            %swap3A_454 = arith.index_cast %add3A_453 : i32 to index
            %swap3A_455 = arith.constant 16 : index
            %swap3A_456 = tpu.vector_load %arg8[%swap3A_454, %swap3A_455] {strides = array<i32>} : memref<800x64xf32, #tpu.memory_space<vmem>>, vector<1x16xf32>,
            %swap3A_457 = vector.shape_cast %swap3A_456 : vector<1x16xf32> to vector<16xf32>
            %swap3A_458 = vector.shape_cast %broadcast_in_dim3A_3 : vector<16xf32> to vector<1x16xf32>
            tpu.vector_store %arg8[%swap3A_454, %swap3A_455], %swap3A_458 {strides = array<i32>} : memref<800x64xf32, #tpu.memory_space<vmem>>, vector<1x16xf32>,
            %mul3A_459 = arith.constant 16 : i32
            %mul3A_460 = arith.muli %scan3A_325, %mul3A_459 : i32
            %add3A_461 = arith.constant 13 : i32
            %add3A_462 = arith.addi %mul3A_460, %add3A_461 : i32
            %swap3A_463 = arith.index_cast %add3A_462 : i32 to index
            %swap3A_464 = arith.constant 32 : index
            %swap3A_465 = tpu.vector_load %arg8[%swap3A_463, %swap3A_464] {strides = array<i32>} : memref<800x64xf32, #tpu.memory_space<vmem>>, vector<1x16xf32>,
            %swap3A_466 = vector.shape_cast %swap3A_465 : vector<1x16xf32> to vector<16xf32>
            %swap3A_467 = vector.shape_cast %broadcast_in_dim3A_3 : vector<16xf32> to vector<1x16xf32>
            tpu.vector_store %arg8[%swap3A_463, %swap3A_464], %swap3A_467 {strides = array<i32>} : memref<800x64xf32, #tpu.memory_space<vmem>>, vector<1x16xf32>,
            %mul3A_468 = arith.constant 16 : i32
            %mul3A_469 = arith.muli %scan3A_325, %mul3A_468 : i32
            %add3A_470 = arith.constant 13 : i32
            %add3A_471 = arith.addi %mul3A_469, %add3A_470 : i32
            %swap3A_472 = arith.index_cast %add3A_471 : i32 to index
            %swap3A_473 = arith.constant 48 : index
            %swap3A_474 = tpu.vector_load %arg8[%swap3A_472, %swap3A_473] {strides = array<i32>} : memref<800x64xf32, #tpu.memory_space<vmem>>, vector<1x16xf32>,
            %swap3A_475 = vector.shape_cast %swap3A_474 : vector<1x16xf32> to vector<16xf32>
            %swap3A_476 = vector.shape_cast %broadcast_in_dim3A_3 : vector<16xf32> to vector<1x16xf32>
            tpu.vector_store %arg8[%swap3A_472, %swap3A_473], %swap3A_476 {strides = array<i32>} : memref<800x64xf32, #tpu.memory_space<vmem>>, vector<1x16xf32>,
          } else {
          }
          %slice3A_428 = vector.extract_strided_slice %get3A_329 {offsets = [14], sizes = [1], strides = [1]} : vector<16xi32> to vector<1xi32>
          %squeeze3A_429 = vector.extract %slice3A_428[0] : i32 from vector<1xi32>
          %eq3A_430 = arith.constant 0 : i32
          %eq3A_431 = arith.cmpi eq, %squeeze3A_429, %eq3A_430 : i32
          %convert_element_type3A_432 = arith.extui %eq3A_431 : i1 to i32
          %cond3A_433 = arith.constant 0 : i32
          %cond3A_434 = arith.cmpi ne, %convert_element_type3A_432, %cond3A_433 : i32
          scf.if %cond3A_434 {
            %mul3A_442 = arith.constant 16 : i32
            %mul3A_443 = arith.muli %scan3A_325, %mul3A_442 : i32
            %add3A_444 = arith.constant 14 : i32
            %add3A_445 = arith.addi %mul3A_443, %add3A_444 : i32
            %swap3A = arith.index_cast %add3A_445 : i32 to index
            %swap3A_446 = arith.constant 0 : index
            %swap3A_447 = tpu.vector_load %arg8[%swap3A, %swap3A_446] {strides = array<i32>} : memref<800x64xf32, #tpu.memory_space<vmem>>, vector<1x16xf32>,
            %swap3A_448 = vector.shape_cast %swap3A_447 : vector<1x16xf32> to vector<16xf32>
            %swap3A_449 = vector.shape_cast %broadcast_in_dim3A_3 : vector<16xf32> to vector<1x16xf32>
            tpu.vector_store %arg8[%swap3A, %swap3A_446], %swap3A_449 {strides = array<i32>} : memref<800x64xf32, #tpu.memory_space<vmem>>, vector<1x16xf32>,
            %mul3A_450 = arith.constant 16 : i32
            %mul3A_451 = arith.muli %scan3A_325, %mul3A_450 : i32
            %add3A_452 = arith.constant 14 : i32
            %add3A_453 = arith.addi %mul3A_451, %add3A_452 : i32
            %swap3A_454 = arith.index_cast %add3A_453 : i32 to index
            %swap3A_455 = arith.constant 16 : index
            %swap3A_456 = tpu.vector_load %arg8[%swap3A_454, %swap3A_455] {strides = array<i32>} : memref<800x64xf32, #tpu.memory_space<vmem>>, vector<1x16xf32>,
            %swap3A_457 = vector.shape_cast %swap3A_456 : vector<1x16xf32> to vector<16xf32>
            %swap3A_458 = vector.shape_cast %broadcast_in_dim3A_3 : vector<16xf32> to vector<1x16xf32>
            tpu.vector_store %arg8[%swap3A_454, %swap3A_455], %swap3A_458 {strides = array<i32>} : memref<800x64xf32, #tpu.memory_space<vmem>>, vector<1x16xf32>,
            %mul3A_459 = arith.constant 16 : i32
            %mul3A_460 = arith.muli %scan3A_325, %mul3A_459 : i32
            %add3A_461 = arith.constant 14 : i32
            %add3A_462 = arith.addi %mul3A_460, %add3A_461 : i32
            %swap3A_463 = arith.index_cast %add3A_462 : i32 to index
            %swap3A_464 = arith.constant 32 : index
            %swap3A_465 = tpu.vector_load %arg8[%swap3A_463, %swap3A_464] {strides = array<i32>} : memref<800x64xf32, #tpu.memory_space<vmem>>, vector<1x16xf32>,
            %swap3A_466 = vector.shape_cast %swap3A_465 : vector<1x16xf32> to vector<16xf32>
            %swap3A_467 = vector.shape_cast %broadcast_in_dim3A_3 : vector<16xf32> to vector<1x16xf32>
            tpu.vector_store %arg8[%swap3A_463, %swap3A_464], %swap3A_467 {strides = array<i32>} : memref<800x64xf32, #tpu.memory_space<vmem>>, vector<1x16xf32>,
            %mul3A_468 = arith.constant 16 : i32
            %mul3A_469 = arith.muli %scan3A_325, %mul3A_468 : i32
            %add3A_470 = arith.constant 14 : i32
            %add3A_471 = arith.addi %mul3A_469, %add3A_470 : i32
            %swap3A_472 = arith.index_cast %add3A_471 : i32 to index
            %swap3A_473 = arith.constant 48 : index
            %swap3A_474 = tpu.vector_load %arg8[%swap3A_472, %swap3A_473] {strides = array<i32>} : memref<800x64xf32, #tpu.memory_space<vmem>>, vector<1x16xf32>,
            %swap3A_475 = vector.shape_cast %swap3A_474 : vector<1x16xf32> to vector<16xf32>
            %swap3A_476 = vector.shape_cast %broadcast_in_dim3A_3 : vector<16xf32> to vector<1x16xf32>
            tpu.vector_store %arg8[%swap3A_472, %swap3A_473], %swap3A_476 {strides = array<i32>} : memref<800x64xf32, #tpu.memory_space<vmem>>, vector<1x16xf32>,
          } else {
          }
          %slice3A_435 = vector.extract_strided_slice %get3A_329 {offsets = [15], sizes = [1], strides = [1]} : vector<16xi32> to vector<1xi32>
          %squeeze3A_436 = vector.extract %slice3A_435[0] : i32 from vector<1xi32>
          %eq3A_437 = arith.constant 0 : i32
          %eq3A_438 = arith.cmpi eq, %squeeze3A_436, %eq3A_437 : i32
          %convert_element_type3A_439 = arith.extui %eq3A_438 : i1 to i32
          %cond3A_440 = arith.constant 0 : i32
          %cond3A_441 = arith.cmpi ne, %convert_element_type3A_439, %cond3A_440 : i32
          scf.if %cond3A_441 {
            %mul3A_442 = arith.constant 16 : i32
            %mul3A_443 = arith.muli %scan3A_325, %mul3A_442 : i32
            %add3A_444 = arith.constant 15 : i32
            %add3A_445 = arith.addi %mul3A_443, %add3A_444 : i32
            %swap3A = arith.index_cast %add3A_445 : i32 to index
            %swap3A_446 = arith.constant 0 : index
            %swap3A_447 = tpu.vector_load %arg8[%swap3A, %swap3A_446] {strides = array<i32>} : memref<800x64xf32, #tpu.memory_space<vmem>>, vector<1x16xf32>,
            %swap3A_448 = vector.shape_cast %swap3A_447 : vector<1x16xf32> to vector<16xf32>
            %swap3A_449 = vector.shape_cast %broadcast_in_dim3A_3 : vector<16xf32> to vector<1x16xf32>
            tpu.vector_store %arg8[%swap3A, %swap3A_446], %swap3A_449 {strides = array<i32>} : memref<800x64xf32, #tpu.memory_space<vmem>>, vector<1x16xf32>,
            %mul3A_450 = arith.constant 16 : i32
            %mul3A_451 = arith.muli %scan3A_325, %mul3A_450 : i32
            %add3A_452 = arith.constant 15 : i32
            %add3A_453 = arith.addi %mul3A_451, %add3A_452 : i32
            %swap3A_454 = arith.index_cast %add3A_453 : i32 to index
            %swap3A_455 = arith.constant 16 : index
            %swap3A_456 = tpu.vector_load %arg8[%swap3A_454, %swap3A_455] {strides = array<i32>} : memref<800x64xf32, #tpu.memory_space<vmem>>, vector<1x16xf32>,
            %swap3A_457 = vector.shape_cast %swap3A_456 : vector<1x16xf32> to vector<16xf32>
            %swap3A_458 = vector.shape_cast %broadcast_in_dim3A_3 : vector<16xf32> to vector<1x16xf32>
            tpu.vector_store %arg8[%swap3A_454, %swap3A_455], %swap3A_458 {strides = array<i32>} : memref<800x64xf32, #tpu.memory_space<vmem>>, vector<1x16xf32>,
            %mul3A_459 = arith.constant 16 : i32
            %mul3A_460 = arith.muli %scan3A_325, %mul3A_459 : i32
            %add3A_461 = arith.constant 15 : i32
            %add3A_462 = arith.addi %mul3A_460, %add3A_461 : i32
            %swap3A_463 = arith.index_cast %add3A_462 : i32 to index
            %swap3A_464 = arith.constant 32 : index
            %swap3A_465 = tpu.vector_load %arg8[%swap3A_463, %swap3A_464] {strides = array<i32>} : memref<800x64xf32, #tpu.memory_space<vmem>>, vector<1x16xf32>,
            %swap3A_466 = vector.shape_cast %swap3A_465 : vector<1x16xf32> to vector<16xf32>
            %swap3A_467 = vector.shape_cast %broadcast_in_dim3A_3 : vector<16xf32> to vector<1x16xf32>
            tpu.vector_store %arg8[%swap3A_463, %swap3A_464], %swap3A_467 {strides = array<i32>} : memref<800x64xf32, #tpu.memory_space<vmem>>, vector<1x16xf32>,
            %mul3A_468 = arith.constant 16 : i32
            %mul3A_469 = arith.muli %scan3A_325, %mul3A_468 : i32
            %add3A_470 = arith.constant 15 : i32
            %add3A_471 = arith.addi %mul3A_469, %add3A_470 : i32
            %swap3A_472 = arith.index_cast %add3A_471 : i32 to index
            %swap3A_473 = arith.constant 48 : index
            %swap3A_474 = tpu.vector_load %arg8[%swap3A_472, %swap3A_473] {strides = array<i32>} : memref<800x64xf32, #tpu.memory_space<vmem>>, vector<1x16xf32>,
            %swap3A_475 = vector.shape_cast %swap3A_474 : vector<1x16xf32> to vector<16xf32>
            %swap3A_476 = vector.shape_cast %broadcast_in_dim3A_3 : vector<16xf32> to vector<1x16xf32>
            tpu.vector_store %arg8[%swap3A_472, %swap3A_473], %swap3A_476 {strides = array<i32>} : memref<800x64xf32, #tpu.memory_space<vmem>>, vector<1x16xf32>,
          } else {
          }
        }
        %scan3A_324 = arith.constant 50 : i32
      } else {
      }
      %lt3A = arith.constant 15 : i32
      %lt3A_219 = arith.cmpi slt, %scan3A_87, %lt3A : i32
      %convert_element_type3A_220 = arith.extui %lt3A_219 : i1 to i32
      %cond3A_221 = arith.constant 0 : i32
      %cond3A_222 = arith.cmpi ne, %convert_element_type3A_220, %cond3A_221 : i32
      scf.if %cond3A_222 {
        %add3A_319 = arith.constant 2 : i32
        %add3A_320 = arith.addi %add3A_90, %add3A_319 : i32
        %dma_start3A_321 = arith.constant 0 : i32
        %dma_start3A_322 = tpu.memref_slice %arg2[%add3A_320, %dma_start3A_321] : memref<1024x800xi32, #tpu.memory_space<hbm>> -> memref<1x800xi32, #tpu.memory_space<hbm>>
        %dma_start3A_323 = tpu.memref_squeeze %dma_start3A_322 : memref<1x800xi32, #tpu.memory_space<hbm>> -> memref<800xi32, #tpu.memory_space<hbm>>
        %dma_start3A_324 = arith.constant 0 : i32
        %dma_start3A_325 = tpu.memref_slice %arg2[%add3A_320, %dma_start3A_324] : memref<1024x800xi32, #tpu.memory_space<hbm>> -> memref<1x800xi32, #tpu.memory_space<hbm>>
        %dma_start3A_326 = tpu.memref_squeeze %dma_start3A_325 : memref<1x800xi32, #tpu.memory_space<hbm>> -> memref<800xi32, #tpu.memory_space<hbm>>
        tpu.enqueue_dma source(%dma_start3A_326 : memref<800xi32, #tpu.memory_space<hbm>>) target(%arg6 : memref<800xi32, #tpu.memory_space<vmem>>) target_semaphore(%arg14 : memref<!tpu.dma_semaphore, #tpu.memory_space<semaphore_mem>>)
      } else {
      }
      %dma_start3A_223 = arith.constant 0 : i32
      %dma_start3A_224 = arith.constant 0 : i32
      %dma_start3A_225 = tpu.memref_slice %arg5[%add3A_90, %dma_start3A_223, %dma_start3A_224] : memref<1024x800x64xf32, #tpu.memory_space<hbm>> -> memref<1x800x64xf32, #tpu.memory_space<hbm>>
      %dma_start3A_226 = tpu.memref_squeeze %dma_start3A_225 : memref<1x800x64xf32, #tpu.memory_space<hbm>> -> memref<800x64xf32, #tpu.memory_space<hbm>>
      %dma_start3A_227 = arith.constant 0 : i32
      %dma_start3A_228 = arith.constant 0 : i32
      %dma_start3A_229 = tpu.memref_slice %arg5[%add3A_90, %dma_start3A_227, %dma_start3A_228] : memref<1024x800x64xf32, #tpu.memory_space<hbm>> -> memref<1x800x64xf32, #tpu.memory_space<hbm>>
      %dma_start3A_230 = tpu.memref_squeeze %dma_start3A_229 : memref<1x800x64xf32, #tpu.memory_space<hbm>> -> memref<800x64xf32, #tpu.memory_space<hbm>>
      tpu.enqueue_dma source(%arg8 : memref<800x64xf32, #tpu.memory_space<vmem>>) target(%dma_start3A_230 : memref<800x64xf32, #tpu.memory_space<hbm>>) target_semaphore(%arg12 : memref<!tpu.dma_semaphore, #tpu.memory_space<semaphore_mem>>)
      %broadcast_in_dim3A_231 = arith.constant 1 : i32
      %broadcast_in_dim3A_232 = vector.broadcast %broadcast_in_dim3A_231 : i32 to vector<16xi32>
      %scan3A_233 = arith.constant 0 : i32
      %scan3A_234 = arith.constant 50 : i32
      %scan3A_235 = arith.addi %scan3A_233, %scan3A_234 : i32
      %scan3A_236 = arith.constant 1 : i32
      %scan3A_237 = scf.for %scan3A_319 = %scan3A_233 to %scan3A_235 step %scan3A_236 iter_args(%scan3A_320 = %broadcast_in_dim3A_232) -> (vector<16xi32>)  : i32 {
        %mul3A_321 = arith.constant 16 : i32
        %mul3A_322 = arith.muli %scan3A_319, %mul3A_321 : i32
        %get3A = arith.index_cast %mul3A_322 : i32 to index
        %get3A_323 = tpu.vector_load %arg7[%get3A] {strides = array<i32>} : memref<800xi32, #tpu.memory_space<vmem>>, vector<16xi32>,
        %get3A_324 = vector.shape_cast %get3A_323 : vector<16xi32> to vector<16xi32>
        %min3A_325 = arith.minsi %scan3A_320, %get3A_324 : vector<16xi32>
        scf.yield %min3A_325 : vector<16xi32>
      }
      %scan3A_238 = arith.constant 50 : i32
      %slice3A_239 = vector.extract_strided_slice %scan3A_237 {offsets = [0], sizes = [1], strides = [1]} : vector<16xi32> to vector<1xi32>
      %squeeze3A_240 = vector.extract %slice3A_239[0] : i32 from vector<1xi32>
      %slice3A_241 = vector.extract_strided_slice %scan3A_237 {offsets = [1], sizes = [1], strides = [1]} : vector<16xi32> to vector<1xi32>
      %squeeze3A_242 = vector.extract %slice3A_241[0] : i32 from vector<1xi32>
      %min3A_243 = arith.minsi %squeeze3A_240, %squeeze3A_242 : i32
      %slice3A_244 = vector.extract_strided_slice %scan3A_237 {offsets = [2], sizes = [1], strides = [1]} : vector<16xi32> to vector<1xi32>
      %squeeze3A_245 = vector.extract %slice3A_244[0] : i32 from vector<1xi32>
      %min3A_246 = arith.minsi %min3A_243, %squeeze3A_245 : i32
      %slice3A_247 = vector.extract_strided_slice %scan3A_237 {offsets = [3], sizes = [1], strides = [1]} : vector<16xi32> to vector<1xi32>
      %squeeze3A_248 = vector.extract %slice3A_247[0] : i32 from vector<1xi32>
      %min3A_249 = arith.minsi %min3A_246, %squeeze3A_248 : i32
      %slice3A_250 = vector.extract_strided_slice %scan3A_237 {offsets = [4], sizes = [1], strides = [1]} : vector<16xi32> to vector<1xi32>
      %squeeze3A_251 = vector.extract %slice3A_250[0] : i32 from vector<1xi32>
      %min3A_252 = arith.minsi %min3A_249, %squeeze3A_251 : i32
      %slice3A_253 = vector.extract_strided_slice %scan3A_237 {offsets = [5], sizes = [1], strides = [1]} : vector<16xi32> to vector<1xi32>
      %squeeze3A_254 = vector.extract %slice3A_253[0] : i32 from vector<1xi32>
      %min3A_255 = arith.minsi %min3A_252, %squeeze3A_254 : i32
      %slice3A_256 = vector.extract_strided_slice %scan3A_237 {offsets = [6], sizes = [1], strides = [1]} : vector<16xi32> to vector<1xi32>
      %squeeze3A_257 = vector.extract %slice3A_256[0] : i32 from vector<1xi32>
      %min3A_258 = arith.minsi %min3A_255, %squeeze3A_257 : i32
      %slice3A_259 = vector.extract_strided_slice %scan3A_237 {offsets = [7], sizes = [1], strides = [1]} : vector<16xi32> to vector<1xi32>
      %squeeze3A_260 = vector.extract %slice3A_259[0] : i32 from vector<1xi32>
      %min3A_261 = arith.minsi %min3A_258, %squeeze3A_260 : i32
      %slice3A_262 = vector.extract_strided_slice %scan3A_237 {offsets = [8], sizes = [1], strides = [1]} : vector<16xi32> to vector<1xi32>
      %squeeze3A_263 = vector.extract %slice3A_262[0] : i32 from vector<1xi32>
      %min3A_264 = arith.minsi %min3A_261, %squeeze3A_263 : i32
      %slice3A_265 = vector.extract_strided_slice %scan3A_237 {offsets = [9], sizes = [1], strides = [1]} : vector<16xi32> to vector<1xi32>
      %squeeze3A_266 = vector.extract %slice3A_265[0] : i32 from vector<1xi32>
      %min3A_267 = arith.minsi %min3A_264, %squeeze3A_266 : i32
      %slice3A_268 = vector.extract_strided_slice %scan3A_237 {offsets = [10], sizes = [1], strides = [1]} : vector<16xi32> to vector<1xi32>
      %squeeze3A_269 = vector.extract %slice3A_268[0] : i32 from vector<1xi32>
      %min3A_270 = arith.minsi %min3A_267, %squeeze3A_269 : i32
      %slice3A_271 = vector.extract_strided_slice %scan3A_237 {offsets = [11], sizes = [1], strides = [1]} : vector<16xi32> to vector<1xi32>
      %squeeze3A_272 = vector.extract %slice3A_271[0] : i32 from vector<1xi32>
      %min3A_273 = arith.minsi %min3A_270, %squeeze3A_272 : i32
      %slice3A_274 = vector.extract_strided_slice %scan3A_237 {offsets = [12], sizes = [1], strides = [1]} : vector<16xi32> to vector<1xi32>
      %squeeze3A_275 = vector.extract %slice3A_274[0] : i32 from vector<1xi32>
      %min3A_276 = arith.minsi %min3A_273, %squeeze3A_275 : i32
      %slice3A_277 = vector.extract_strided_slice %scan3A_237 {offsets = [13], sizes = [1], strides = [1]} : vector<16xi32> to vector<1xi32>
      %squeeze3A_278 = vector.extract %slice3A_277[0] : i32 from vector<1xi32>
      %min3A_279 = arith.minsi %min3A_276, %squeeze3A_278 : i32
      %slice3A_280 = vector.extract_strided_slice %scan3A_237 {offsets = [14], sizes = [1], strides = [1]} : vector<16xi32> to vector<1xi32>
      %squeeze3A_281 = vector.extract %slice3A_280[0] : i32 from vector<1xi32>
      %min3A_282 = arith.minsi %min3A_279, %squeeze3A_281 : i32
      %slice3A_283 = vector.extract_strided_slice %scan3A_237 {offsets = [15], sizes = [1], strides = [1]} : vector<16xi32> to vector<1xi32>
      %squeeze3A_284 = vector.extract %slice3A_283[0] : i32 from vector<1xi32>
      %min3A_285 = arith.minsi %min3A_282, %squeeze3A_284 : i32
      %lt3A_286 = arith.constant 15 : i32
      %lt3A_287 = arith.cmpi slt, %scan3A_87, %lt3A_286 : i32
      %convert_element_type3A_288 = arith.extui %lt3A_287 : i1 to i32
      %cond3A_289 = arith.constant 0 : i32
      %cond3A_290 = arith.cmpi ne, %convert_element_type3A_288, %cond3A_289 : i32
      scf.if %cond3A_290 {
        %dma_wait3A_319 = arith.constant 0 : i32
        %dma_wait3A_320 = tpu.memref_slice %arg2[%mul3A_2, %dma_wait3A_319] : memref<1024x800xi32, #tpu.memory_space<hbm>> -> memref<1x800xi32, #tpu.memory_space<hbm>>
        %dma_wait3A_321 = tpu.memref_squeeze %dma_wait3A_320 : memref<1x800xi32, #tpu.memory_space<hbm>> -> memref<800xi32, #tpu.memory_space<hbm>>
        %dma_wait3A_322 = arith.constant 0 : i32
        %dma_wait3A_323 = tpu.memref_slice %arg2[%mul3A_2, %dma_wait3A_322] : memref<1024x800xi32, #tpu.memory_space<hbm>> -> memref<1x800xi32, #tpu.memory_space<hbm>>
        %dma_wait3A_324 = tpu.memref_squeeze %dma_wait3A_323 : memref<1x800xi32, #tpu.memory_space<hbm>> -> memref<800xi32, #tpu.memory_space<hbm>>
        tpu.wait_dma2 semaphore(%arg14 : memref<!tpu.dma_semaphore, #tpu.memory_space<semaphore_mem>>) src(%dma_wait3A_324 : memref<800xi32, #tpu.memory_space<hbm>>) dst(%arg6 : memref<800xi32, #tpu.memory_space<vmem>>)
        %dma_wait3A_325 = arith.constant 0 : i32
        %dma_wait3A_326 = arith.constant 0 : i32
        %dma_wait3A_327 = tpu.memref_slice %arg5[%mul3A_2, %dma_wait3A_325, %dma_wait3A_326] : memref<1024x800x64xf32, #tpu.memory_space<hbm>> -> memref<1x800x64xf32, #tpu.memory_space<hbm>>
        %dma_wait3A_328 = tpu.memref_squeeze %dma_wait3A_327 : memref<1x800x64xf32, #tpu.memory_space<hbm>> -> memref<800x64xf32, #tpu.memory_space<hbm>>
        %dma_wait3A_329 = arith.constant 0 : i32
        %dma_wait3A_330 = arith.constant 0 : i32
        %dma_wait3A_331 = tpu.memref_slice %arg5[%mul3A_2, %dma_wait3A_329, %dma_wait3A_330] : memref<1024x800x64xf32, #tpu.memory_space<hbm>> -> memref<1x800x64xf32, #tpu.memory_space<hbm>>
        %dma_wait3A_332 = tpu.memref_squeeze %dma_wait3A_331 : memref<1x800x64xf32, #tpu.memory_space<hbm>> -> memref<800x64xf32, #tpu.memory_space<hbm>>
        tpu.wait_dma2 semaphore(%arg12 : memref<!tpu.dma_semaphore, #tpu.memory_space<semaphore_mem>>) src(%dma_wait3A_332 : memref<800x64xf32, #tpu.memory_space<hbm>>) dst(%arg8 : memref<800x64xf32, #tpu.memory_space<vmem>>)
        %dma_start3A_333 = arith.constant 0 : i32
        %dma_start3A_334 = arith.constant 0 : i32
        %dma_start3A_335 = tpu.memref_slice %arg8[%dma_start3A_333, %dma_start3A_334] : memref<800x64xf32, #tpu.memory_space<vmem>> -> memref<128x64xf32, #tpu.memory_space<vmem>>
        %dma_start3A_336 = arith.constant 0 : i32
        %dma_start3A_337 = tpu.memref_slice %arg6[%dma_start3A_336] : memref<800xi32, #tpu.memory_space<vmem>> -> memref<128xi32, #tpu.memory_space<vmem>>
        %dma_start3A_338 = arith.constant 0 : i32
        %dma_start3A_339 = arith.constant 0 : i32
        %dma_start3A_340 = tpu.memref_slice %arg3[%dma_start3A_338, %dma_start3A_339] : memref<100000x64xf32, #tpu.memory_space<hbm>> -> memref<100000x64xf32, #tpu.memory_space<hbm>>
        tpu.enqueue_indirect_dma source(%dma_start3A_340 : memref<100000x64xf32, #tpu.memory_space<hbm>>) target(%dma_start3A_335 : memref<128x64xf32, #tpu.memory_space<vmem>>) offsets(%dma_start3A_337 : memref<128xi32, #tpu.memory_space<vmem>>) semaphore(%arg10 : memref<!tpu.dma_semaphore, #tpu.memory_space<semaphore_mem>>)
        %dma_start3A_341 = arith.constant 128 : i32
        %dma_start3A_342 = arith.constant 0 : i32
        %dma_start3A_343 = tpu.memref_slice %arg8[%dma_start3A_341, %dma_start3A_342] : memref<800x64xf32, #tpu.memory_space<vmem>> -> memref<72x64xf32, #tpu.memory_space<vmem>>
        %dma_start3A_344 = arith.constant 128 : i32
        %dma_start3A_345 = tpu.memref_slice %arg6[%dma_start3A_344] : memref<800xi32, #tpu.memory_space<vmem>> -> memref<72xi32, #tpu.memory_space<vmem>>
        %dma_start3A_346 = arith.constant 0 : i32
        %dma_start3A_347 = arith.constant 0 : i32
        %dma_start3A_348 = tpu.memref_slice %arg3[%dma_start3A_346, %dma_start3A_347] : memref<100000x64xf32, #tpu.memory_space<hbm>> -> memref<100000x64xf32, #tpu.memory_space<hbm>>
        tpu.enqueue_indirect_dma source(%dma_start3A_348 : memref<100000x64xf32, #tpu.memory_space<hbm>>) target(%dma_start3A_343 : memref<72x64xf32, #tpu.memory_space<vmem>>) offsets(%dma_start3A_345 : memref<72xi32, #tpu.memory_space<vmem>>) semaphore(%arg10 : memref<!tpu.dma_semaphore, #tpu.memory_space<semaphore_mem>>)
        %dma_start3A_349 = arith.constant 200 : i32
        %dma_start3A_350 = arith.constant 0 : i32
        %dma_start3A_351 = tpu.memref_slice %arg8[%dma_start3A_349, %dma_start3A_350] : memref<800x64xf32, #tpu.memory_space<vmem>> -> memref<128x64xf32, #tpu.memory_space<vmem>>
        %dma_start3A_352 = arith.constant 200 : i32
        %dma_start3A_353 = tpu.memref_slice %arg6[%dma_start3A_352] : memref<800xi32, #tpu.memory_space<vmem>> -> memref<128xi32, #tpu.memory_space<vmem>>
        %dma_start3A_354 = arith.constant 0 : i32
        %dma_start3A_355 = arith.constant 0 : i32
        %dma_start3A_356 = tpu.memref_slice %arg4[%dma_start3A_354, %dma_start3A_355] : memref<100000x64xf32, #tpu.memory_space<hbm>> -> memref<100000x64xf32, #tpu.memory_space<hbm>>
        tpu.enqueue_indirect_dma source(%dma_start3A_356 : memref<100000x64xf32, #tpu.memory_space<hbm>>) target(%dma_start3A_351 : memref<128x64xf32, #tpu.memory_space<vmem>>) offsets(%dma_start3A_353 : memref<128xi32, #tpu.memory_space<vmem>>) semaphore(%arg10 : memref<!tpu.dma_semaphore, #tpu.memory_space<semaphore_mem>>)
        %dma_start3A_357 = arith.constant 328 : i32
        %dma_start3A_358 = arith.constant 0 : i32
        %dma_start3A_359 = tpu.memref_slice %arg8[%dma_start3A_357, %dma_start3A_358] : memref<800x64xf32, #tpu.memory_space<vmem>> -> memref<128x64xf32, #tpu.memory_space<vmem>>
        %dma_start3A_360 = arith.constant 328 : i32
        %dma_start3A_361 = tpu.memref_slice %arg6[%dma_start3A_360] : memref<800xi32, #tpu.memory_space<vmem>> -> memref<128xi32, #tpu.memory_space<vmem>>
        %dma_start3A_362 = arith.constant 0 : i32
        %dma_start3A_363 = arith.constant 0 : i32
        %dma_start3A_364 = tpu.memref_slice %arg4[%dma_start3A_362, %dma_start3A_363] : memref<100000x64xf32, #tpu.memory_space<hbm>> -> memref<100000x64xf32, #tpu.memory_space<hbm>>
        tpu.enqueue_indirect_dma source(%dma_start3A_364 : memref<100000x64xf32, #tpu.memory_space<hbm>>) target(%dma_start3A_359 : memref<128x64xf32, #tpu.memory_space<vmem>>) offsets(%dma_start3A_361 : memref<128xi32, #tpu.memory_space<vmem>>) semaphore(%arg10 : memref<!tpu.dma_semaphore, #tpu.memory_space<semaphore_mem>>)
        %dma_start3A_365 = arith.constant 456 : i32
        %dma_start3A_366 = arith.constant 0 : i32
        %dma_start3A_367 = tpu.memref_slice %arg8[%dma_start3A_365, %dma_start3A_366] : memref<800x64xf32, #tpu.memory_space<vmem>> -> memref<128x64xf32, #tpu.memory_space<vmem>>
        %dma_start3A_368 = arith.constant 456 : i32
        %dma_start3A_369 = tpu.memref_slice %arg6[%dma_start3A_368] : memref<800xi32, #tpu.memory_space<vmem>> -> memref<128xi32, #tpu.memory_space<vmem>>
        %dma_start3A_370 = arith.constant 0 : i32
        %dma_start3A_371 = arith.constant 0 : i32
        %dma_start3A_372 = tpu.memref_slice %arg4[%dma_start3A_370, %dma_start3A_371] : memref<100000x64xf32, #tpu.memory_space<hbm>> -> memref<100000x64xf32, #tpu.memory_space<hbm>>
        tpu.enqueue_indirect_dma source(%dma_start3A_372 : memref<100000x64xf32, #tpu.memory_space<hbm>>) target(%dma_start3A_367 : memref<128x64xf32, #tpu.memory_space<vmem>>) offsets(%dma_start3A_369 : memref<128xi32, #tpu.memory_space<vmem>>) semaphore(%arg10 : memref<!tpu.dma_semaphore, #tpu.memory_space<semaphore_mem>>)
        %dma_start3A_373 = arith.constant 584 : i32
        %dma_start3A_374 = arith.constant 0 : i32
        %dma_start3A_375 = tpu.memref_slice %arg8[%dma_start3A_373, %dma_start3A_374] : memref<800x64xf32, #tpu.memory_space<vmem>> -> memref<128x64xf32, #tpu.memory_space<vmem>>
        %dma_start3A_376 = arith.constant 584 : i32
        %dma_start3A_377 = tpu.memref_slice %arg6[%dma_start3A_376] : memref<800xi32, #tpu.memory_space<vmem>> -> memref<128xi32, #tpu.memory_space<vmem>>
        %dma_start3A_378 = arith.constant 0 : i32
        %dma_start3A_379 = arith.constant 0 : i32
        %dma_start3A_380 = tpu.memref_slice %arg4[%dma_start3A_378, %dma_start3A_379] : memref<100000x64xf32, #tpu.memory_space<hbm>> -> memref<100000x64xf32, #tpu.memory_space<hbm>>
        tpu.enqueue_indirect_dma source(%dma_start3A_380 : memref<100000x64xf32, #tpu.memory_space<hbm>>) target(%dma_start3A_375 : memref<128x64xf32, #tpu.memory_space<vmem>>) offsets(%dma_start3A_377 : memref<128xi32, #tpu.memory_space<vmem>>) semaphore(%arg10 : memref<!tpu.dma_semaphore, #tpu.memory_space<semaphore_mem>>)
        %dma_start3A_381 = arith.constant 712 : i32
        %dma_start3A_382 = arith.constant 0 : i32
        %dma_start3A_383 = tpu.memref_slice %arg8[%dma_start3A_381, %dma_start3A_382] : memref<800x64xf32, #tpu.memory_space<vmem>> -> memref<88x64xf32, #tpu.memory_space<vmem>>
        %dma_start3A_384 = arith.constant 712 : i32
        %dma_start3A_385 = tpu.memref_slice %arg6[%dma_start3A_384] : memref<800xi32, #tpu.memory_space<vmem>> -> memref<88xi32, #tpu.memory_space<vmem>>
        %dma_start3A_386 = arith.constant 0 : i32
        %dma_start3A_387 = arith.constant 0 : i32
        %dma_start3A_388 = tpu.memref_slice %arg4[%dma_start3A_386, %dma_start3A_387] : memref<100000x64xf32, #tpu.memory_space<hbm>> -> memref<100000x64xf32, #tpu.memory_space<hbm>>
        tpu.enqueue_indirect_dma source(%dma_start3A_388 : memref<100000x64xf32, #tpu.memory_space<hbm>>) target(%dma_start3A_383 : memref<88x64xf32, #tpu.memory_space<vmem>>) offsets(%dma_start3A_385 : memref<88xi32, #tpu.memory_space<vmem>>) semaphore(%arg10 : memref<!tpu.dma_semaphore, #tpu.memory_space<semaphore_mem>>)
      } else {
      }
      %dma_wait3A_291 = arith.constant 0 : i32
      %dma_wait3A_292 = arith.constant 0 : i32
      %dma_wait3A_293 = tpu.memref_slice %arg5[%mul3A_2, %dma_wait3A_291, %dma_wait3A_292] : memref<1024x800x64xf32, #tpu.memory_space<hbm>> -> memref<1x800x64xf32, #tpu.memory_space<hbm>>
      %dma_wait3A_294 = tpu.memref_squeeze %dma_wait3A_293 : memref<1x800x64xf32, #tpu.memory_space<hbm>> -> memref<800x64xf32, #tpu.memory_space<hbm>>
      %dma_wait3A_295 = arith.constant 0 : i32
      %dma_wait3A_296 = arith.constant 0 : i32
      %dma_wait3A_297 = tpu.memref_slice %arg5[%mul3A_2, %dma_wait3A_295, %dma_wait3A_296] : memref<1024x800x64xf32, #tpu.memory_space<hbm>> -> memref<1x800x64xf32, #tpu.memory_space<hbm>>
      %dma_wait3A_298 = tpu.memref_squeeze %dma_wait3A_297 : memref<1x800x64xf32, #tpu.memory_space<hbm>> -> memref<800x64xf32, #tpu.memory_space<hbm>>
      tpu.wait_dma2 semaphore(%arg11 : memref<!tpu.dma_semaphore, #tpu.memory_space<semaphore_mem>>) src(%dma_wait3A_298 : memref<800x64xf32, #tpu.memory_space<hbm>>) dst(%arg9 : memref<800x64xf32, #tpu.memory_space<vmem>>)
      %eq3A_299 = arith.constant 0 : i32
      %eq3A_300 = arith.cmpi eq, %min3A_285, %eq3A_299 : i32
      %convert_element_type3A_301 = arith.extui %eq3A_300 : i1 to i32
      %cond3A_302 = arith.constant 0 : i32
      %cond3A_303 = arith.cmpi ne, %convert_element_type3A_301, %cond3A_302 : i32
      scf.if %cond3A_303 {
        %scan3A_319 = arith.constant 0 : i32
        %scan3A_320 = arith.constant 0 : i32
        %scan3A_321 = arith.constant 50 : i32
        %scan3A_322 = arith.addi %scan3A_320, %scan3A_321 : i32
        %scan3A_323 = arith.constant 1 : i32
        scf.for %scan3A_325 = %scan3A_320 to %scan3A_322 step %scan3A_323  : i32 {
          %mul3A_326 = arith.constant 16 : i32
          %mul3A_327 = arith.muli %scan3A_325, %mul3A_326 : i32
          %get3A = arith.index_cast %mul3A_327 : i32 to index
          %get3A_328 = tpu.vector_load %arg7[%get3A] {strides = array<i32>} : memref<800xi32, #tpu.memory_space<vmem>>, vector<16xi32>,
          %get3A_329 = vector.shape_cast %get3A_328 : vector<16xi32> to vector<16xi32>
          %slice3A_330 = vector.extract_strided_slice %get3A_329 {offsets = [0], sizes = [1], strides = [1]} : vector<16xi32> to vector<1xi32>
          %squeeze3A_331 = vector.extract %slice3A_330[0] : i32 from vector<1xi32>
          %eq3A_332 = arith.constant 0 : i32
          %eq3A_333 = arith.cmpi eq, %squeeze3A_331, %eq3A_332 : i32
          %convert_element_type3A_334 = arith.extui %eq3A_333 : i1 to i32
          %cond3A_335 = arith.constant 0 : i32
          %cond3A_336 = arith.cmpi ne, %convert_element_type3A_334, %cond3A_335 : i32
          scf.if %cond3A_336 {
            %mul3A_442 = arith.constant 16 : i32
            %mul3A_443 = arith.muli %scan3A_325, %mul3A_442 : i32
            %add3A_444 = arith.constant 0 : i32
            %add3A_445 = arith.addi %mul3A_443, %add3A_444 : i32
            %swap3A = arith.index_cast %add3A_445 : i32 to index
            %swap3A_446 = arith.constant 0 : index
            %swap3A_447 = tpu.vector_load %arg9[%swap3A, %swap3A_446] {strides = array<i32>} : memref<800x64xf32, #tpu.memory_space<vmem>>, vector<1x16xf32>,
            %swap3A_448 = vector.shape_cast %swap3A_447 : vector<1x16xf32> to vector<16xf32>
            %swap3A_449 = vector.shape_cast %broadcast_in_dim3A_3 : vector<16xf32> to vector<1x16xf32>
            tpu.vector_store %arg9[%swap3A, %swap3A_446], %swap3A_449 {strides = array<i32>} : memref<800x64xf32, #tpu.memory_space<vmem>>, vector<1x16xf32>,
            %mul3A_450 = arith.constant 16 : i32
            %mul3A_451 = arith.muli %scan3A_325, %mul3A_450 : i32
            %add3A_452 = arith.constant 0 : i32
            %add3A_453 = arith.addi %mul3A_451, %add3A_452 : i32
            %swap3A_454 = arith.index_cast %add3A_453 : i32 to index
            %swap3A_455 = arith.constant 16 : index
            %swap3A_456 = tpu.vector_load %arg9[%swap3A_454, %swap3A_455] {strides = array<i32>} : memref<800x64xf32, #tpu.memory_space<vmem>>, vector<1x16xf32>,
            %swap3A_457 = vector.shape_cast %swap3A_456 : vector<1x16xf32> to vector<16xf32>
            %swap3A_458 = vector.shape_cast %broadcast_in_dim3A_3 : vector<16xf32> to vector<1x16xf32>
            tpu.vector_store %arg9[%swap3A_454, %swap3A_455], %swap3A_458 {strides = array<i32>} : memref<800x64xf32, #tpu.memory_space<vmem>>, vector<1x16xf32>,
            %mul3A_459 = arith.constant 16 : i32
            %mul3A_460 = arith.muli %scan3A_325, %mul3A_459 : i32
            %add3A_461 = arith.constant 0 : i32
            %add3A_462 = arith.addi %mul3A_460, %add3A_461 : i32
            %swap3A_463 = arith.index_cast %add3A_462 : i32 to index
            %swap3A_464 = arith.constant 32 : index
            %swap3A_465 = tpu.vector_load %arg9[%swap3A_463, %swap3A_464] {strides = array<i32>} : memref<800x64xf32, #tpu.memory_space<vmem>>, vector<1x16xf32>,
            %swap3A_466 = vector.shape_cast %swap3A_465 : vector<1x16xf32> to vector<16xf32>
            %swap3A_467 = vector.shape_cast %broadcast_in_dim3A_3 : vector<16xf32> to vector<1x16xf32>
            tpu.vector_store %arg9[%swap3A_463, %swap3A_464], %swap3A_467 {strides = array<i32>} : memref<800x64xf32, #tpu.memory_space<vmem>>, vector<1x16xf32>,
            %mul3A_468 = arith.constant 16 : i32
            %mul3A_469 = arith.muli %scan3A_325, %mul3A_468 : i32
            %add3A_470 = arith.constant 0 : i32
            %add3A_471 = arith.addi %mul3A_469, %add3A_470 : i32
            %swap3A_472 = arith.index_cast %add3A_471 : i32 to index
            %swap3A_473 = arith.constant 48 : index
            %swap3A_474 = tpu.vector_load %arg9[%swap3A_472, %swap3A_473] {strides = array<i32>} : memref<800x64xf32, #tpu.memory_space<vmem>>, vector<1x16xf32>,
            %swap3A_475 = vector.shape_cast %swap3A_474 : vector<1x16xf32> to vector<16xf32>
            %swap3A_476 = vector.shape_cast %broadcast_in_dim3A_3 : vector<16xf32> to vector<1x16xf32>
            tpu.vector_store %arg9[%swap3A_472, %swap3A_473], %swap3A_476 {strides = array<i32>} : memref<800x64xf32, #tpu.memory_space<vmem>>, vector<1x16xf32>,
          } else {
          }
          %slice3A_337 = vector.extract_strided_slice %get3A_329 {offsets = [1], sizes = [1], strides = [1]} : vector<16xi32> to vector<1xi32>
          %squeeze3A_338 = vector.extract %slice3A_337[0] : i32 from vector<1xi32>
          %eq3A_339 = arith.constant 0 : i32
          %eq3A_340 = arith.cmpi eq, %squeeze3A_338, %eq3A_339 : i32
          %convert_element_type3A_341 = arith.extui %eq3A_340 : i1 to i32
          %cond3A_342 = arith.constant 0 : i32
          %cond3A_343 = arith.cmpi ne, %convert_element_type3A_341, %cond3A_342 : i32
          scf.if %cond3A_343 {
            %mul3A_442 = arith.constant 16 : i32
            %mul3A_443 = arith.muli %scan3A_325, %mul3A_442 : i32
            %add3A_444 = arith.constant 1 : i32
            %add3A_445 = arith.addi %mul3A_443, %add3A_444 : i32
            %swap3A = arith.index_cast %add3A_445 : i32 to index
            %swap3A_446 = arith.constant 0 : index
            %swap3A_447 = tpu.vector_load %arg9[%swap3A, %swap3A_446] {strides = array<i32>} : memref<800x64xf32, #tpu.memory_space<vmem>>, vector<1x16xf32>,
            %swap3A_448 = vector.shape_cast %swap3A_447 : vector<1x16xf32> to vector<16xf32>
            %swap3A_449 = vector.shape_cast %broadcast_in_dim3A_3 : vector<16xf32> to vector<1x16xf32>
            tpu.vector_store %arg9[%swap3A, %swap3A_446], %swap3A_449 {strides = array<i32>} : memref<800x64xf32, #tpu.memory_space<vmem>>, vector<1x16xf32>,
            %mul3A_450 = arith.constant 16 : i32
            %mul3A_451 = arith.muli %scan3A_325, %mul3A_450 : i32
            %add3A_452 = arith.constant 1 : i32
            %add3A_453 = arith.addi %mul3A_451, %add3A_452 : i32
            %swap3A_454 = arith.index_cast %add3A_453 : i32 to index
            %swap3A_455 = arith.constant 16 : index
            %swap3A_456 = tpu.vector_load %arg9[%swap3A_454, %swap3A_455] {strides = array<i32>} : memref<800x64xf32, #tpu.memory_space<vmem>>, vector<1x16xf32>,
            %swap3A_457 = vector.shape_cast %swap3A_456 : vector<1x16xf32> to vector<16xf32>
            %swap3A_458 = vector.shape_cast %broadcast_in_dim3A_3 : vector<16xf32> to vector<1x16xf32>
            tpu.vector_store %arg9[%swap3A_454, %swap3A_455], %swap3A_458 {strides = array<i32>} : memref<800x64xf32, #tpu.memory_space<vmem>>, vector<1x16xf32>,
            %mul3A_459 = arith.constant 16 : i32
            %mul3A_460 = arith.muli %scan3A_325, %mul3A_459 : i32
            %add3A_461 = arith.constant 1 : i32
            %add3A_462 = arith.addi %mul3A_460, %add3A_461 : i32
            %swap3A_463 = arith.index_cast %add3A_462 : i32 to index
            %swap3A_464 = arith.constant 32 : index
            %swap3A_465 = tpu.vector_load %arg9[%swap3A_463, %swap3A_464] {strides = array<i32>} : memref<800x64xf32, #tpu.memory_space<vmem>>, vector<1x16xf32>,
            %swap3A_466 = vector.shape_cast %swap3A_465 : vector<1x16xf32> to vector<16xf32>
            %swap3A_467 = vector.shape_cast %broadcast_in_dim3A_3 : vector<16xf32> to vector<1x16xf32>
            tpu.vector_store %arg9[%swap3A_463, %swap3A_464], %swap3A_467 {strides = array<i32>} : memref<800x64xf32, #tpu.memory_space<vmem>>, vector<1x16xf32>,
            %mul3A_468 = arith.constant 16 : i32
            %mul3A_469 = arith.muli %scan3A_325, %mul3A_468 : i32
            %add3A_470 = arith.constant 1 : i32
            %add3A_471 = arith.addi %mul3A_469, %add3A_470 : i32
            %swap3A_472 = arith.index_cast %add3A_471 : i32 to index
            %swap3A_473 = arith.constant 48 : index
            %swap3A_474 = tpu.vector_load %arg9[%swap3A_472, %swap3A_473] {strides = array<i32>} : memref<800x64xf32, #tpu.memory_space<vmem>>, vector<1x16xf32>,
            %swap3A_475 = vector.shape_cast %swap3A_474 : vector<1x16xf32> to vector<16xf32>
            %swap3A_476 = vector.shape_cast %broadcast_in_dim3A_3 : vector<16xf32> to vector<1x16xf32>
            tpu.vector_store %arg9[%swap3A_472, %swap3A_473], %swap3A_476 {strides = array<i32>} : memref<800x64xf32, #tpu.memory_space<vmem>>, vector<1x16xf32>,
          } else {
          }
          %slice3A_344 = vector.extract_strided_slice %get3A_329 {offsets = [2], sizes = [1], strides = [1]} : vector<16xi32> to vector<1xi32>
          %squeeze3A_345 = vector.extract %slice3A_344[0] : i32 from vector<1xi32>
          %eq3A_346 = arith.constant 0 : i32
          %eq3A_347 = arith.cmpi eq, %squeeze3A_345, %eq3A_346 : i32
          %convert_element_type3A_348 = arith.extui %eq3A_347 : i1 to i32
          %cond3A_349 = arith.constant 0 : i32
          %cond3A_350 = arith.cmpi ne, %convert_element_type3A_348, %cond3A_349 : i32
          scf.if %cond3A_350 {
            %mul3A_442 = arith.constant 16 : i32
            %mul3A_443 = arith.muli %scan3A_325, %mul3A_442 : i32
            %add3A_444 = arith.constant 2 : i32
            %add3A_445 = arith.addi %mul3A_443, %add3A_444 : i32
            %swap3A = arith.index_cast %add3A_445 : i32 to index
            %swap3A_446 = arith.constant 0 : index
            %swap3A_447 = tpu.vector_load %arg9[%swap3A, %swap3A_446] {strides = array<i32>} : memref<800x64xf32, #tpu.memory_space<vmem>>, vector<1x16xf32>,
            %swap3A_448 = vector.shape_cast %swap3A_447 : vector<1x16xf32> to vector<16xf32>
            %swap3A_449 = vector.shape_cast %broadcast_in_dim3A_3 : vector<16xf32> to vector<1x16xf32>
            tpu.vector_store %arg9[%swap3A, %swap3A_446], %swap3A_449 {strides = array<i32>} : memref<800x64xf32, #tpu.memory_space<vmem>>, vector<1x16xf32>,
            %mul3A_450 = arith.constant 16 : i32
            %mul3A_451 = arith.muli %scan3A_325, %mul3A_450 : i32
            %add3A_452 = arith.constant 2 : i32
            %add3A_453 = arith.addi %mul3A_451, %add3A_452 : i32
            %swap3A_454 = arith.index_cast %add3A_453 : i32 to index
            %swap3A_455 = arith.constant 16 : index
            %swap3A_456 = tpu.vector_load %arg9[%swap3A_454, %swap3A_455] {strides = array<i32>} : memref<800x64xf32, #tpu.memory_space<vmem>>, vector<1x16xf32>,
            %swap3A_457 = vector.shape_cast %swap3A_456 : vector<1x16xf32> to vector<16xf32>
            %swap3A_458 = vector.shape_cast %broadcast_in_dim3A_3 : vector<16xf32> to vector<1x16xf32>
            tpu.vector_store %arg9[%swap3A_454, %swap3A_455], %swap3A_458 {strides = array<i32>} : memref<800x64xf32, #tpu.memory_space<vmem>>, vector<1x16xf32>,
            %mul3A_459 = arith.constant 16 : i32
            %mul3A_460 = arith.muli %scan3A_325, %mul3A_459 : i32
            %add3A_461 = arith.constant 2 : i32
            %add3A_462 = arith.addi %mul3A_460, %add3A_461 : i32
            %swap3A_463 = arith.index_cast %add3A_462 : i32 to index
            %swap3A_464 = arith.constant 32 : index
            %swap3A_465 = tpu.vector_load %arg9[%swap3A_463, %swap3A_464] {strides = array<i32>} : memref<800x64xf32, #tpu.memory_space<vmem>>, vector<1x16xf32>,
            %swap3A_466 = vector.shape_cast %swap3A_465 : vector<1x16xf32> to vector<16xf32>
            %swap3A_467 = vector.shape_cast %broadcast_in_dim3A_3 : vector<16xf32> to vector<1x16xf32>
            tpu.vector_store %arg9[%swap3A_463, %swap3A_464], %swap3A_467 {strides = array<i32>} : memref<800x64xf32, #tpu.memory_space<vmem>>, vector<1x16xf32>,
            %mul3A_468 = arith.constant 16 : i32
            %mul3A_469 = arith.muli %scan3A_325, %mul3A_468 : i32
            %add3A_470 = arith.constant 2 : i32
            %add3A_471 = arith.addi %mul3A_469, %add3A_470 : i32
            %swap3A_472 = arith.index_cast %add3A_471 : i32 to index
            %swap3A_473 = arith.constant 48 : index
            %swap3A_474 = tpu.vector_load %arg9[%swap3A_472, %swap3A_473] {strides = array<i32>} : memref<800x64xf32, #tpu.memory_space<vmem>>, vector<1x16xf32>,
            %swap3A_475 = vector.shape_cast %swap3A_474 : vector<1x16xf32> to vector<16xf32>
            %swap3A_476 = vector.shape_cast %broadcast_in_dim3A_3 : vector<16xf32> to vector<1x16xf32>
            tpu.vector_store %arg9[%swap3A_472, %swap3A_473], %swap3A_476 {strides = array<i32>} : memref<800x64xf32, #tpu.memory_space<vmem>>, vector<1x16xf32>,
          } else {
          }
          %slice3A_351 = vector.extract_strided_slice %get3A_329 {offsets = [3], sizes = [1], strides = [1]} : vector<16xi32> to vector<1xi32>
          %squeeze3A_352 = vector.extract %slice3A_351[0] : i32 from vector<1xi32>
          %eq3A_353 = arith.constant 0 : i32
          %eq3A_354 = arith.cmpi eq, %squeeze3A_352, %eq3A_353 : i32
          %convert_element_type3A_355 = arith.extui %eq3A_354 : i1 to i32
          %cond3A_356 = arith.constant 0 : i32
          %cond3A_357 = arith.cmpi ne, %convert_element_type3A_355, %cond3A_356 : i32
          scf.if %cond3A_357 {
            %mul3A_442 = arith.constant 16 : i32
            %mul3A_443 = arith.muli %scan3A_325, %mul3A_442 : i32
            %add3A_444 = arith.constant 3 : i32
            %add3A_445 = arith.addi %mul3A_443, %add3A_444 : i32
            %swap3A = arith.index_cast %add3A_445 : i32 to index
            %swap3A_446 = arith.constant 0 : index
            %swap3A_447 = tpu.vector_load %arg9[%swap3A, %swap3A_446] {strides = array<i32>} : memref<800x64xf32, #tpu.memory_space<vmem>>, vector<1x16xf32>,
            %swap3A_448 = vector.shape_cast %swap3A_447 : vector<1x16xf32> to vector<16xf32>
            %swap3A_449 = vector.shape_cast %broadcast_in_dim3A_3 : vector<16xf32> to vector<1x16xf32>
            tpu.vector_store %arg9[%swap3A, %swap3A_446], %swap3A_449 {strides = array<i32>} : memref<800x64xf32, #tpu.memory_space<vmem>>, vector<1x16xf32>,
            %mul3A_450 = arith.constant 16 : i32
            %mul3A_451 = arith.muli %scan3A_325, %mul3A_450 : i32
            %add3A_452 = arith.constant 3 : i32
            %add3A_453 = arith.addi %mul3A_451, %add3A_452 : i32
            %swap3A_454 = arith.index_cast %add3A_453 : i32 to index
            %swap3A_455 = arith.constant 16 : index
            %swap3A_456 = tpu.vector_load %arg9[%swap3A_454, %swap3A_455] {strides = array<i32>} : memref<800x64xf32, #tpu.memory_space<vmem>>, vector<1x16xf32>,
            %swap3A_457 = vector.shape_cast %swap3A_456 : vector<1x16xf32> to vector<16xf32>
            %swap3A_458 = vector.shape_cast %broadcast_in_dim3A_3 : vector<16xf32> to vector<1x16xf32>
            tpu.vector_store %arg9[%swap3A_454, %swap3A_455], %swap3A_458 {strides = array<i32>} : memref<800x64xf32, #tpu.memory_space<vmem>>, vector<1x16xf32>,
            %mul3A_459 = arith.constant 16 : i32
            %mul3A_460 = arith.muli %scan3A_325, %mul3A_459 : i32
            %add3A_461 = arith.constant 3 : i32
            %add3A_462 = arith.addi %mul3A_460, %add3A_461 : i32
            %swap3A_463 = arith.index_cast %add3A_462 : i32 to index
            %swap3A_464 = arith.constant 32 : index
            %swap3A_465 = tpu.vector_load %arg9[%swap3A_463, %swap3A_464] {strides = array<i32>} : memref<800x64xf32, #tpu.memory_space<vmem>>, vector<1x16xf32>,
            %swap3A_466 = vector.shape_cast %swap3A_465 : vector<1x16xf32> to vector<16xf32>
            %swap3A_467 = vector.shape_cast %broadcast_in_dim3A_3 : vector<16xf32> to vector<1x16xf32>
            tpu.vector_store %arg9[%swap3A_463, %swap3A_464], %swap3A_467 {strides = array<i32>} : memref<800x64xf32, #tpu.memory_space<vmem>>, vector<1x16xf32>,
            %mul3A_468 = arith.constant 16 : i32
            %mul3A_469 = arith.muli %scan3A_325, %mul3A_468 : i32
            %add3A_470 = arith.constant 3 : i32
            %add3A_471 = arith.addi %mul3A_469, %add3A_470 : i32
            %swap3A_472 = arith.index_cast %add3A_471 : i32 to index
            %swap3A_473 = arith.constant 48 : index
            %swap3A_474 = tpu.vector_load %arg9[%swap3A_472, %swap3A_473] {strides = array<i32>} : memref<800x64xf32, #tpu.memory_space<vmem>>, vector<1x16xf32>,
            %swap3A_475 = vector.shape_cast %swap3A_474 : vector<1x16xf32> to vector<16xf32>
            %swap3A_476 = vector.shape_cast %broadcast_in_dim3A_3 : vector<16xf32> to vector<1x16xf32>
            tpu.vector_store %arg9[%swap3A_472, %swap3A_473], %swap3A_476 {strides = array<i32>} : memref<800x64xf32, #tpu.memory_space<vmem>>, vector<1x16xf32>,
          } else {
          }
          %slice3A_358 = vector.extract_strided_slice %get3A_329 {offsets = [4], sizes = [1], strides = [1]} : vector<16xi32> to vector<1xi32>
          %squeeze3A_359 = vector.extract %slice3A_358[0] : i32 from vector<1xi32>
          %eq3A_360 = arith.constant 0 : i32
          %eq3A_361 = arith.cmpi eq, %squeeze3A_359, %eq3A_360 : i32
          %convert_element_type3A_362 = arith.extui %eq3A_361 : i1 to i32
          %cond3A_363 = arith.constant 0 : i32
          %cond3A_364 = arith.cmpi ne, %convert_element_type3A_362, %cond3A_363 : i32
          scf.if %cond3A_364 {
            %mul3A_442 = arith.constant 16 : i32
            %mul3A_443 = arith.muli %scan3A_325, %mul3A_442 : i32
            %add3A_444 = arith.constant 4 : i32
            %add3A_445 = arith.addi %mul3A_443, %add3A_444 : i32
            %swap3A = arith.index_cast %add3A_445 : i32 to index
            %swap3A_446 = arith.constant 0 : index
            %swap3A_447 = tpu.vector_load %arg9[%swap3A, %swap3A_446] {strides = array<i32>} : memref<800x64xf32, #tpu.memory_space<vmem>>, vector<1x16xf32>,
            %swap3A_448 = vector.shape_cast %swap3A_447 : vector<1x16xf32> to vector<16xf32>
            %swap3A_449 = vector.shape_cast %broadcast_in_dim3A_3 : vector<16xf32> to vector<1x16xf32>
            tpu.vector_store %arg9[%swap3A, %swap3A_446], %swap3A_449 {strides = array<i32>} : memref<800x64xf32, #tpu.memory_space<vmem>>, vector<1x16xf32>,
            %mul3A_450 = arith.constant 16 : i32
            %mul3A_451 = arith.muli %scan3A_325, %mul3A_450 : i32
            %add3A_452 = arith.constant 4 : i32
            %add3A_453 = arith.addi %mul3A_451, %add3A_452 : i32
            %swap3A_454 = arith.index_cast %add3A_453 : i32 to index
            %swap3A_455 = arith.constant 16 : index
            %swap3A_456 = tpu.vector_load %arg9[%swap3A_454, %swap3A_455] {strides = array<i32>} : memref<800x64xf32, #tpu.memory_space<vmem>>, vector<1x16xf32>,
            %swap3A_457 = vector.shape_cast %swap3A_456 : vector<1x16xf32> to vector<16xf32>
            %swap3A_458 = vector.shape_cast %broadcast_in_dim3A_3 : vector<16xf32> to vector<1x16xf32>
            tpu.vector_store %arg9[%swap3A_454, %swap3A_455], %swap3A_458 {strides = array<i32>} : memref<800x64xf32, #tpu.memory_space<vmem>>, vector<1x16xf32>,
            %mul3A_459 = arith.constant 16 : i32
            %mul3A_460 = arith.muli %scan3A_325, %mul3A_459 : i32
            %add3A_461 = arith.constant 4 : i32
            %add3A_462 = arith.addi %mul3A_460, %add3A_461 : i32
            %swap3A_463 = arith.index_cast %add3A_462 : i32 to index
            %swap3A_464 = arith.constant 32 : index
            %swap3A_465 = tpu.vector_load %arg9[%swap3A_463, %swap3A_464] {strides = array<i32>} : memref<800x64xf32, #tpu.memory_space<vmem>>, vector<1x16xf32>,
            %swap3A_466 = vector.shape_cast %swap3A_465 : vector<1x16xf32> to vector<16xf32>
            %swap3A_467 = vector.shape_cast %broadcast_in_dim3A_3 : vector<16xf32> to vector<1x16xf32>
            tpu.vector_store %arg9[%swap3A_463, %swap3A_464], %swap3A_467 {strides = array<i32>} : memref<800x64xf32, #tpu.memory_space<vmem>>, vector<1x16xf32>,
            %mul3A_468 = arith.constant 16 : i32
            %mul3A_469 = arith.muli %scan3A_325, %mul3A_468 : i32
            %add3A_470 = arith.constant 4 : i32
            %add3A_471 = arith.addi %mul3A_469, %add3A_470 : i32
            %swap3A_472 = arith.index_cast %add3A_471 : i32 to index
            %swap3A_473 = arith.constant 48 : index
            %swap3A_474 = tpu.vector_load %arg9[%swap3A_472, %swap3A_473] {strides = array<i32>} : memref<800x64xf32, #tpu.memory_space<vmem>>, vector<1x16xf32>,
            %swap3A_475 = vector.shape_cast %swap3A_474 : vector<1x16xf32> to vector<16xf32>
            %swap3A_476 = vector.shape_cast %broadcast_in_dim3A_3 : vector<16xf32> to vector<1x16xf32>
            tpu.vector_store %arg9[%swap3A_472, %swap3A_473], %swap3A_476 {strides = array<i32>} : memref<800x64xf32, #tpu.memory_space<vmem>>, vector<1x16xf32>,
          } else {
          }
          %slice3A_365 = vector.extract_strided_slice %get3A_329 {offsets = [5], sizes = [1], strides = [1]} : vector<16xi32> to vector<1xi32>
          %squeeze3A_366 = vector.extract %slice3A_365[0] : i32 from vector<1xi32>
          %eq3A_367 = arith.constant 0 : i32
          %eq3A_368 = arith.cmpi eq, %squeeze3A_366, %eq3A_367 : i32
          %convert_element_type3A_369 = arith.extui %eq3A_368 : i1 to i32
          %cond3A_370 = arith.constant 0 : i32
          %cond3A_371 = arith.cmpi ne, %convert_element_type3A_369, %cond3A_370 : i32
          scf.if %cond3A_371 {
            %mul3A_442 = arith.constant 16 : i32
            %mul3A_443 = arith.muli %scan3A_325, %mul3A_442 : i32
            %add3A_444 = arith.constant 5 : i32
            %add3A_445 = arith.addi %mul3A_443, %add3A_444 : i32
            %swap3A = arith.index_cast %add3A_445 : i32 to index
            %swap3A_446 = arith.constant 0 : index
            %swap3A_447 = tpu.vector_load %arg9[%swap3A, %swap3A_446] {strides = array<i32>} : memref<800x64xf32, #tpu.memory_space<vmem>>, vector<1x16xf32>,
            %swap3A_448 = vector.shape_cast %swap3A_447 : vector<1x16xf32> to vector<16xf32>
            %swap3A_449 = vector.shape_cast %broadcast_in_dim3A_3 : vector<16xf32> to vector<1x16xf32>
            tpu.vector_store %arg9[%swap3A, %swap3A_446], %swap3A_449 {strides = array<i32>} : memref<800x64xf32, #tpu.memory_space<vmem>>, vector<1x16xf32>,
            %mul3A_450 = arith.constant 16 : i32
            %mul3A_451 = arith.muli %scan3A_325, %mul3A_450 : i32
            %add3A_452 = arith.constant 5 : i32
            %add3A_453 = arith.addi %mul3A_451, %add3A_452 : i32
            %swap3A_454 = arith.index_cast %add3A_453 : i32 to index
            %swap3A_455 = arith.constant 16 : index
            %swap3A_456 = tpu.vector_load %arg9[%swap3A_454, %swap3A_455] {strides = array<i32>} : memref<800x64xf32, #tpu.memory_space<vmem>>, vector<1x16xf32>,
            %swap3A_457 = vector.shape_cast %swap3A_456 : vector<1x16xf32> to vector<16xf32>
            %swap3A_458 = vector.shape_cast %broadcast_in_dim3A_3 : vector<16xf32> to vector<1x16xf32>
            tpu.vector_store %arg9[%swap3A_454, %swap3A_455], %swap3A_458 {strides = array<i32>} : memref<800x64xf32, #tpu.memory_space<vmem>>, vector<1x16xf32>,
            %mul3A_459 = arith.constant 16 : i32
            %mul3A_460 = arith.muli %scan3A_325, %mul3A_459 : i32
            %add3A_461 = arith.constant 5 : i32
            %add3A_462 = arith.addi %mul3A_460, %add3A_461 : i32
            %swap3A_463 = arith.index_cast %add3A_462 : i32 to index
            %swap3A_464 = arith.constant 32 : index
            %swap3A_465 = tpu.vector_load %arg9[%swap3A_463, %swap3A_464] {strides = array<i32>} : memref<800x64xf32, #tpu.memory_space<vmem>>, vector<1x16xf32>,
            %swap3A_466 = vector.shape_cast %swap3A_465 : vector<1x16xf32> to vector<16xf32>
            %swap3A_467 = vector.shape_cast %broadcast_in_dim3A_3 : vector<16xf32> to vector<1x16xf32>
            tpu.vector_store %arg9[%swap3A_463, %swap3A_464], %swap3A_467 {strides = array<i32>} : memref<800x64xf32, #tpu.memory_space<vmem>>, vector<1x16xf32>,
            %mul3A_468 = arith.constant 16 : i32
            %mul3A_469 = arith.muli %scan3A_325, %mul3A_468 : i32
            %add3A_470 = arith.constant 5 : i32
            %add3A_471 = arith.addi %mul3A_469, %add3A_470 : i32
            %swap3A_472 = arith.index_cast %add3A_471 : i32 to index
            %swap3A_473 = arith.constant 48 : index
            %swap3A_474 = tpu.vector_load %arg9[%swap3A_472, %swap3A_473] {strides = array<i32>} : memref<800x64xf32, #tpu.memory_space<vmem>>, vector<1x16xf32>,
            %swap3A_475 = vector.shape_cast %swap3A_474 : vector<1x16xf32> to vector<16xf32>
            %swap3A_476 = vector.shape_cast %broadcast_in_dim3A_3 : vector<16xf32> to vector<1x16xf32>
            tpu.vector_store %arg9[%swap3A_472, %swap3A_473], %swap3A_476 {strides = array<i32>} : memref<800x64xf32, #tpu.memory_space<vmem>>, vector<1x16xf32>,
          } else {
          }
          %slice3A_372 = vector.extract_strided_slice %get3A_329 {offsets = [6], sizes = [1], strides = [1]} : vector<16xi32> to vector<1xi32>
          %squeeze3A_373 = vector.extract %slice3A_372[0] : i32 from vector<1xi32>
          %eq3A_374 = arith.constant 0 : i32
          %eq3A_375 = arith.cmpi eq, %squeeze3A_373, %eq3A_374 : i32
          %convert_element_type3A_376 = arith.extui %eq3A_375 : i1 to i32
          %cond3A_377 = arith.constant 0 : i32
          %cond3A_378 = arith.cmpi ne, %convert_element_type3A_376, %cond3A_377 : i32
          scf.if %cond3A_378 {
            %mul3A_442 = arith.constant 16 : i32
            %mul3A_443 = arith.muli %scan3A_325, %mul3A_442 : i32
            %add3A_444 = arith.constant 6 : i32
            %add3A_445 = arith.addi %mul3A_443, %add3A_444 : i32
            %swap3A = arith.index_cast %add3A_445 : i32 to index
            %swap3A_446 = arith.constant 0 : index
            %swap3A_447 = tpu.vector_load %arg9[%swap3A, %swap3A_446] {strides = array<i32>} : memref<800x64xf32, #tpu.memory_space<vmem>>, vector<1x16xf32>,
            %swap3A_448 = vector.shape_cast %swap3A_447 : vector<1x16xf32> to vector<16xf32>
            %swap3A_449 = vector.shape_cast %broadcast_in_dim3A_3 : vector<16xf32> to vector<1x16xf32>
            tpu.vector_store %arg9[%swap3A, %swap3A_446], %swap3A_449 {strides = array<i32>} : memref<800x64xf32, #tpu.memory_space<vmem>>, vector<1x16xf32>,
            %mul3A_450 = arith.constant 16 : i32
            %mul3A_451 = arith.muli %scan3A_325, %mul3A_450 : i32
            %add3A_452 = arith.constant 6 : i32
            %add3A_453 = arith.addi %mul3A_451, %add3A_452 : i32
            %swap3A_454 = arith.index_cast %add3A_453 : i32 to index
            %swap3A_455 = arith.constant 16 : index
            %swap3A_456 = tpu.vector_load %arg9[%swap3A_454, %swap3A_455] {strides = array<i32>} : memref<800x64xf32, #tpu.memory_space<vmem>>, vector<1x16xf32>,
            %swap3A_457 = vector.shape_cast %swap3A_456 : vector<1x16xf32> to vector<16xf32>
            %swap3A_458 = vector.shape_cast %broadcast_in_dim3A_3 : vector<16xf32> to vector<1x16xf32>
            tpu.vector_store %arg9[%swap3A_454, %swap3A_455], %swap3A_458 {strides = array<i32>} : memref<800x64xf32, #tpu.memory_space<vmem>>, vector<1x16xf32>,
            %mul3A_459 = arith.constant 16 : i32
            %mul3A_460 = arith.muli %scan3A_325, %mul3A_459 : i32
            %add3A_461 = arith.constant 6 : i32
            %add3A_462 = arith.addi %mul3A_460, %add3A_461 : i32
            %swap3A_463 = arith.index_cast %add3A_462 : i32 to index
            %swap3A_464 = arith.constant 32 : index
            %swap3A_465 = tpu.vector_load %arg9[%swap3A_463, %swap3A_464] {strides = array<i32>} : memref<800x64xf32, #tpu.memory_space<vmem>>, vector<1x16xf32>,
            %swap3A_466 = vector.shape_cast %swap3A_465 : vector<1x16xf32> to vector<16xf32>
            %swap3A_467 = vector.shape_cast %broadcast_in_dim3A_3 : vector<16xf32> to vector<1x16xf32>
            tpu.vector_store %arg9[%swap3A_463, %swap3A_464], %swap3A_467 {strides = array<i32>} : memref<800x64xf32, #tpu.memory_space<vmem>>, vector<1x16xf32>,
            %mul3A_468 = arith.constant 16 : i32
            %mul3A_469 = arith.muli %scan3A_325, %mul3A_468 : i32
            %add3A_470 = arith.constant 6 : i32
            %add3A_471 = arith.addi %mul3A_469, %add3A_470 : i32
            %swap3A_472 = arith.index_cast %add3A_471 : i32 to index
            %swap3A_473 = arith.constant 48 : index
            %swap3A_474 = tpu.vector_load %arg9[%swap3A_472, %swap3A_473] {strides = array<i32>} : memref<800x64xf32, #tpu.memory_space<vmem>>, vector<1x16xf32>,
            %swap3A_475 = vector.shape_cast %swap3A_474 : vector<1x16xf32> to vector<16xf32>
            %swap3A_476 = vector.shape_cast %broadcast_in_dim3A_3 : vector<16xf32> to vector<1x16xf32>
            tpu.vector_store %arg9[%swap3A_472, %swap3A_473], %swap3A_476 {strides = array<i32>} : memref<800x64xf32, #tpu.memory_space<vmem>>, vector<1x16xf32>,
          } else {
          }
          %slice3A_379 = vector.extract_strided_slice %get3A_329 {offsets = [7], sizes = [1], strides = [1]} : vector<16xi32> to vector<1xi32>
          %squeeze3A_380 = vector.extract %slice3A_379[0] : i32 from vector<1xi32>
          %eq3A_381 = arith.constant 0 : i32
          %eq3A_382 = arith.cmpi eq, %squeeze3A_380, %eq3A_381 : i32
          %convert_element_type3A_383 = arith.extui %eq3A_382 : i1 to i32
          %cond3A_384 = arith.constant 0 : i32
          %cond3A_385 = arith.cmpi ne, %convert_element_type3A_383, %cond3A_384 : i32
          scf.if %cond3A_385 {
            %mul3A_442 = arith.constant 16 : i32
            %mul3A_443 = arith.muli %scan3A_325, %mul3A_442 : i32
            %add3A_444 = arith.constant 7 : i32
            %add3A_445 = arith.addi %mul3A_443, %add3A_444 : i32
            %swap3A = arith.index_cast %add3A_445 : i32 to index
            %swap3A_446 = arith.constant 0 : index
            %swap3A_447 = tpu.vector_load %arg9[%swap3A, %swap3A_446] {strides = array<i32>} : memref<800x64xf32, #tpu.memory_space<vmem>>, vector<1x16xf32>,
            %swap3A_448 = vector.shape_cast %swap3A_447 : vector<1x16xf32> to vector<16xf32>
            %swap3A_449 = vector.shape_cast %broadcast_in_dim3A_3 : vector<16xf32> to vector<1x16xf32>
            tpu.vector_store %arg9[%swap3A, %swap3A_446], %swap3A_449 {strides = array<i32>} : memref<800x64xf32, #tpu.memory_space<vmem>>, vector<1x16xf32>,
            %mul3A_450 = arith.constant 16 : i32
            %mul3A_451 = arith.muli %scan3A_325, %mul3A_450 : i32
            %add3A_452 = arith.constant 7 : i32
            %add3A_453 = arith.addi %mul3A_451, %add3A_452 : i32
            %swap3A_454 = arith.index_cast %add3A_453 : i32 to index
            %swap3A_455 = arith.constant 16 : index
            %swap3A_456 = tpu.vector_load %arg9[%swap3A_454, %swap3A_455] {strides = array<i32>} : memref<800x64xf32, #tpu.memory_space<vmem>>, vector<1x16xf32>,
            %swap3A_457 = vector.shape_cast %swap3A_456 : vector<1x16xf32> to vector<16xf32>
            %swap3A_458 = vector.shape_cast %broadcast_in_dim3A_3 : vector<16xf32> to vector<1x16xf32>
            tpu.vector_store %arg9[%swap3A_454, %swap3A_455], %swap3A_458 {strides = array<i32>} : memref<800x64xf32, #tpu.memory_space<vmem>>, vector<1x16xf32>,
            %mul3A_459 = arith.constant 16 : i32
            %mul3A_460 = arith.muli %scan3A_325, %mul3A_459 : i32
            %add3A_461 = arith.constant 7 : i32
            %add3A_462 = arith.addi %mul3A_460, %add3A_461 : i32
            %swap3A_463 = arith.index_cast %add3A_462 : i32 to index
            %swap3A_464 = arith.constant 32 : index
            %swap3A_465 = tpu.vector_load %arg9[%swap3A_463, %swap3A_464] {strides = array<i32>} : memref<800x64xf32, #tpu.memory_space<vmem>>, vector<1x16xf32>,
            %swap3A_466 = vector.shape_cast %swap3A_465 : vector<1x16xf32> to vector<16xf32>
            %swap3A_467 = vector.shape_cast %broadcast_in_dim3A_3 : vector<16xf32> to vector<1x16xf32>
            tpu.vector_store %arg9[%swap3A_463, %swap3A_464], %swap3A_467 {strides = array<i32>} : memref<800x64xf32, #tpu.memory_space<vmem>>, vector<1x16xf32>,
            %mul3A_468 = arith.constant 16 : i32
            %mul3A_469 = arith.muli %scan3A_325, %mul3A_468 : i32
            %add3A_470 = arith.constant 7 : i32
            %add3A_471 = arith.addi %mul3A_469, %add3A_470 : i32
            %swap3A_472 = arith.index_cast %add3A_471 : i32 to index
            %swap3A_473 = arith.constant 48 : index
            %swap3A_474 = tpu.vector_load %arg9[%swap3A_472, %swap3A_473] {strides = array<i32>} : memref<800x64xf32, #tpu.memory_space<vmem>>, vector<1x16xf32>,
            %swap3A_475 = vector.shape_cast %swap3A_474 : vector<1x16xf32> to vector<16xf32>
            %swap3A_476 = vector.shape_cast %broadcast_in_dim3A_3 : vector<16xf32> to vector<1x16xf32>
            tpu.vector_store %arg9[%swap3A_472, %swap3A_473], %swap3A_476 {strides = array<i32>} : memref<800x64xf32, #tpu.memory_space<vmem>>, vector<1x16xf32>,
          } else {
          }
          %slice3A_386 = vector.extract_strided_slice %get3A_329 {offsets = [8], sizes = [1], strides = [1]} : vector<16xi32> to vector<1xi32>
          %squeeze3A_387 = vector.extract %slice3A_386[0] : i32 from vector<1xi32>
          %eq3A_388 = arith.constant 0 : i32
          %eq3A_389 = arith.cmpi eq, %squeeze3A_387, %eq3A_388 : i32
          %convert_element_type3A_390 = arith.extui %eq3A_389 : i1 to i32
          %cond3A_391 = arith.constant 0 : i32
          %cond3A_392 = arith.cmpi ne, %convert_element_type3A_390, %cond3A_391 : i32
          scf.if %cond3A_392 {
            %mul3A_442 = arith.constant 16 : i32
            %mul3A_443 = arith.muli %scan3A_325, %mul3A_442 : i32
            %add3A_444 = arith.constant 8 : i32
            %add3A_445 = arith.addi %mul3A_443, %add3A_444 : i32
            %swap3A = arith.index_cast %add3A_445 : i32 to index
            %swap3A_446 = arith.constant 0 : index
            %swap3A_447 = tpu.vector_load %arg9[%swap3A, %swap3A_446] {strides = array<i32>} : memref<800x64xf32, #tpu.memory_space<vmem>>, vector<1x16xf32>,
            %swap3A_448 = vector.shape_cast %swap3A_447 : vector<1x16xf32> to vector<16xf32>
            %swap3A_449 = vector.shape_cast %broadcast_in_dim3A_3 : vector<16xf32> to vector<1x16xf32>
            tpu.vector_store %arg9[%swap3A, %swap3A_446], %swap3A_449 {strides = array<i32>} : memref<800x64xf32, #tpu.memory_space<vmem>>, vector<1x16xf32>,
            %mul3A_450 = arith.constant 16 : i32
            %mul3A_451 = arith.muli %scan3A_325, %mul3A_450 : i32
            %add3A_452 = arith.constant 8 : i32
            %add3A_453 = arith.addi %mul3A_451, %add3A_452 : i32
            %swap3A_454 = arith.index_cast %add3A_453 : i32 to index
            %swap3A_455 = arith.constant 16 : index
            %swap3A_456 = tpu.vector_load %arg9[%swap3A_454, %swap3A_455] {strides = array<i32>} : memref<800x64xf32, #tpu.memory_space<vmem>>, vector<1x16xf32>,
            %swap3A_457 = vector.shape_cast %swap3A_456 : vector<1x16xf32> to vector<16xf32>
            %swap3A_458 = vector.shape_cast %broadcast_in_dim3A_3 : vector<16xf32> to vector<1x16xf32>
            tpu.vector_store %arg9[%swap3A_454, %swap3A_455], %swap3A_458 {strides = array<i32>} : memref<800x64xf32, #tpu.memory_space<vmem>>, vector<1x16xf32>,
            %mul3A_459 = arith.constant 16 : i32
            %mul3A_460 = arith.muli %scan3A_325, %mul3A_459 : i32
            %add3A_461 = arith.constant 8 : i32
            %add3A_462 = arith.addi %mul3A_460, %add3A_461 : i32
            %swap3A_463 = arith.index_cast %add3A_462 : i32 to index
            %swap3A_464 = arith.constant 32 : index
            %swap3A_465 = tpu.vector_load %arg9[%swap3A_463, %swap3A_464] {strides = array<i32>} : memref<800x64xf32, #tpu.memory_space<vmem>>, vector<1x16xf32>,
            %swap3A_466 = vector.shape_cast %swap3A_465 : vector<1x16xf32> to vector<16xf32>
            %swap3A_467 = vector.shape_cast %broadcast_in_dim3A_3 : vector<16xf32> to vector<1x16xf32>
            tpu.vector_store %arg9[%swap3A_463, %swap3A_464], %swap3A_467 {strides = array<i32>} : memref<800x64xf32, #tpu.memory_space<vmem>>, vector<1x16xf32>,
            %mul3A_468 = arith.constant 16 : i32
            %mul3A_469 = arith.muli %scan3A_325, %mul3A_468 : i32
            %add3A_470 = arith.constant 8 : i32
            %add3A_471 = arith.addi %mul3A_469, %add3A_470 : i32
            %swap3A_472 = arith.index_cast %add3A_471 : i32 to index
            %swap3A_473 = arith.constant 48 : index
            %swap3A_474 = tpu.vector_load %arg9[%swap3A_472, %swap3A_473] {strides = array<i32>} : memref<800x64xf32, #tpu.memory_space<vmem>>, vector<1x16xf32>,
            %swap3A_475 = vector.shape_cast %swap3A_474 : vector<1x16xf32> to vector<16xf32>
            %swap3A_476 = vector.shape_cast %broadcast_in_dim3A_3 : vector<16xf32> to vector<1x16xf32>
            tpu.vector_store %arg9[%swap3A_472, %swap3A_473], %swap3A_476 {strides = array<i32>} : memref<800x64xf32, #tpu.memory_space<vmem>>, vector<1x16xf32>,
          } else {
          }
          %slice3A_393 = vector.extract_strided_slice %get3A_329 {offsets = [9], sizes = [1], strides = [1]} : vector<16xi32> to vector<1xi32>
          %squeeze3A_394 = vector.extract %slice3A_393[0] : i32 from vector<1xi32>
          %eq3A_395 = arith.constant 0 : i32
          %eq3A_396 = arith.cmpi eq, %squeeze3A_394, %eq3A_395 : i32
          %convert_element_type3A_397 = arith.extui %eq3A_396 : i1 to i32
          %cond3A_398 = arith.constant 0 : i32
          %cond3A_399 = arith.cmpi ne, %convert_element_type3A_397, %cond3A_398 : i32
          scf.if %cond3A_399 {
            %mul3A_442 = arith.constant 16 : i32
            %mul3A_443 = arith.muli %scan3A_325, %mul3A_442 : i32
            %add3A_444 = arith.constant 9 : i32
            %add3A_445 = arith.addi %mul3A_443, %add3A_444 : i32
            %swap3A = arith.index_cast %add3A_445 : i32 to index
            %swap3A_446 = arith.constant 0 : index
            %swap3A_447 = tpu.vector_load %arg9[%swap3A, %swap3A_446] {strides = array<i32>} : memref<800x64xf32, #tpu.memory_space<vmem>>, vector<1x16xf32>,
            %swap3A_448 = vector.shape_cast %swap3A_447 : vector<1x16xf32> to vector<16xf32>
            %swap3A_449 = vector.shape_cast %broadcast_in_dim3A_3 : vector<16xf32> to vector<1x16xf32>
            tpu.vector_store %arg9[%swap3A, %swap3A_446], %swap3A_449 {strides = array<i32>} : memref<800x64xf32, #tpu.memory_space<vmem>>, vector<1x16xf32>,
            %mul3A_450 = arith.constant 16 : i32
            %mul3A_451 = arith.muli %scan3A_325, %mul3A_450 : i32
            %add3A_452 = arith.constant 9 : i32
            %add3A_453 = arith.addi %mul3A_451, %add3A_452 : i32
            %swap3A_454 = arith.index_cast %add3A_453 : i32 to index
            %swap3A_455 = arith.constant 16 : index
            %swap3A_456 = tpu.vector_load %arg9[%swap3A_454, %swap3A_455] {strides = array<i32>} : memref<800x64xf32, #tpu.memory_space<vmem>>, vector<1x16xf32>,
            %swap3A_457 = vector.shape_cast %swap3A_456 : vector<1x16xf32> to vector<16xf32>
            %swap3A_458 = vector.shape_cast %broadcast_in_dim3A_3 : vector<16xf32> to vector<1x16xf32>
            tpu.vector_store %arg9[%swap3A_454, %swap3A_455], %swap3A_458 {strides = array<i32>} : memref<800x64xf32, #tpu.memory_space<vmem>>, vector<1x16xf32>,
            %mul3A_459 = arith.constant 16 : i32
            %mul3A_460 = arith.muli %scan3A_325, %mul3A_459 : i32
            %add3A_461 = arith.constant 9 : i32
            %add3A_462 = arith.addi %mul3A_460, %add3A_461 : i32
            %swap3A_463 = arith.index_cast %add3A_462 : i32 to index
            %swap3A_464 = arith.constant 32 : index
            %swap3A_465 = tpu.vector_load %arg9[%swap3A_463, %swap3A_464] {strides = array<i32>} : memref<800x64xf32, #tpu.memory_space<vmem>>, vector<1x16xf32>,
            %swap3A_466 = vector.shape_cast %swap3A_465 : vector<1x16xf32> to vector<16xf32>
            %swap3A_467 = vector.shape_cast %broadcast_in_dim3A_3 : vector<16xf32> to vector<1x16xf32>
            tpu.vector_store %arg9[%swap3A_463, %swap3A_464], %swap3A_467 {strides = array<i32>} : memref<800x64xf32, #tpu.memory_space<vmem>>, vector<1x16xf32>,
            %mul3A_468 = arith.constant 16 : i32
            %mul3A_469 = arith.muli %scan3A_325, %mul3A_468 : i32
            %add3A_470 = arith.constant 9 : i32
            %add3A_471 = arith.addi %mul3A_469, %add3A_470 : i32
            %swap3A_472 = arith.index_cast %add3A_471 : i32 to index
            %swap3A_473 = arith.constant 48 : index
            %swap3A_474 = tpu.vector_load %arg9[%swap3A_472, %swap3A_473] {strides = array<i32>} : memref<800x64xf32, #tpu.memory_space<vmem>>, vector<1x16xf32>,
            %swap3A_475 = vector.shape_cast %swap3A_474 : vector<1x16xf32> to vector<16xf32>
            %swap3A_476 = vector.shape_cast %broadcast_in_dim3A_3 : vector<16xf32> to vector<1x16xf32>
            tpu.vector_store %arg9[%swap3A_472, %swap3A_473], %swap3A_476 {strides = array<i32>} : memref<800x64xf32, #tpu.memory_space<vmem>>, vector<1x16xf32>,
          } else {
          }
          %slice3A_400 = vector.extract_strided_slice %get3A_329 {offsets = [10], sizes = [1], strides = [1]} : vector<16xi32> to vector<1xi32>
          %squeeze3A_401 = vector.extract %slice3A_400[0] : i32 from vector<1xi32>
          %eq3A_402 = arith.constant 0 : i32
          %eq3A_403 = arith.cmpi eq, %squeeze3A_401, %eq3A_402 : i32
          %convert_element_type3A_404 = arith.extui %eq3A_403 : i1 to i32
          %cond3A_405 = arith.constant 0 : i32
          %cond3A_406 = arith.cmpi ne, %convert_element_type3A_404, %cond3A_405 : i32
          scf.if %cond3A_406 {
            %mul3A_442 = arith.constant 16 : i32
            %mul3A_443 = arith.muli %scan3A_325, %mul3A_442 : i32
            %add3A_444 = arith.constant 10 : i32
            %add3A_445 = arith.addi %mul3A_443, %add3A_444 : i32
            %swap3A = arith.index_cast %add3A_445 : i32 to index
            %swap3A_446 = arith.constant 0 : index
            %swap3A_447 = tpu.vector_load %arg9[%swap3A, %swap3A_446] {strides = array<i32>} : memref<800x64xf32, #tpu.memory_space<vmem>>, vector<1x16xf32>,
            %swap3A_448 = vector.shape_cast %swap3A_447 : vector<1x16xf32> to vector<16xf32>
            %swap3A_449 = vector.shape_cast %broadcast_in_dim3A_3 : vector<16xf32> to vector<1x16xf32>
            tpu.vector_store %arg9[%swap3A, %swap3A_446], %swap3A_449 {strides = array<i32>} : memref<800x64xf32, #tpu.memory_space<vmem>>, vector<1x16xf32>,
            %mul3A_450 = arith.constant 16 : i32
            %mul3A_451 = arith.muli %scan3A_325, %mul3A_450 : i32
            %add3A_452 = arith.constant 10 : i32
            %add3A_453 = arith.addi %mul3A_451, %add3A_452 : i32
            %swap3A_454 = arith.index_cast %add3A_453 : i32 to index
            %swap3A_455 = arith.constant 16 : index
            %swap3A_456 = tpu.vector_load %arg9[%swap3A_454, %swap3A_455] {strides = array<i32>} : memref<800x64xf32, #tpu.memory_space<vmem>>, vector<1x16xf32>,
            %swap3A_457 = vector.shape_cast %swap3A_456 : vector<1x16xf32> to vector<16xf32>
            %swap3A_458 = vector.shape_cast %broadcast_in_dim3A_3 : vector<16xf32> to vector<1x16xf32>
            tpu.vector_store %arg9[%swap3A_454, %swap3A_455], %swap3A_458 {strides = array<i32>} : memref<800x64xf32, #tpu.memory_space<vmem>>, vector<1x16xf32>,
            %mul3A_459 = arith.constant 16 : i32
            %mul3A_460 = arith.muli %scan3A_325, %mul3A_459 : i32
            %add3A_461 = arith.constant 10 : i32
            %add3A_462 = arith.addi %mul3A_460, %add3A_461 : i32
            %swap3A_463 = arith.index_cast %add3A_462 : i32 to index
            %swap3A_464 = arith.constant 32 : index
            %swap3A_465 = tpu.vector_load %arg9[%swap3A_463, %swap3A_464] {strides = array<i32>} : memref<800x64xf32, #tpu.memory_space<vmem>>, vector<1x16xf32>,
            %swap3A_466 = vector.shape_cast %swap3A_465 : vector<1x16xf32> to vector<16xf32>
            %swap3A_467 = vector.shape_cast %broadcast_in_dim3A_3 : vector<16xf32> to vector<1x16xf32>
            tpu.vector_store %arg9[%swap3A_463, %swap3A_464], %swap3A_467 {strides = array<i32>} : memref<800x64xf32, #tpu.memory_space<vmem>>, vector<1x16xf32>,
            %mul3A_468 = arith.constant 16 : i32
            %mul3A_469 = arith.muli %scan3A_325, %mul3A_468 : i32
            %add3A_470 = arith.constant 10 : i32
            %add3A_471 = arith.addi %mul3A_469, %add3A_470 : i32
            %swap3A_472 = arith.index_cast %add3A_471 : i32 to index
            %swap3A_473 = arith.constant 48 : index
            %swap3A_474 = tpu.vector_load %arg9[%swap3A_472, %swap3A_473] {strides = array<i32>} : memref<800x64xf32, #tpu.memory_space<vmem>>, vector<1x16xf32>,
            %swap3A_475 = vector.shape_cast %swap3A_474 : vector<1x16xf32> to vector<16xf32>
            %swap3A_476 = vector.shape_cast %broadcast_in_dim3A_3 : vector<16xf32> to vector<1x16xf32>
            tpu.vector_store %arg9[%swap3A_472, %swap3A_473], %swap3A_476 {strides = array<i32>} : memref<800x64xf32, #tpu.memory_space<vmem>>, vector<1x16xf32>,
          } else {
          }
          %slice3A_407 = vector.extract_strided_slice %get3A_329 {offsets = [11], sizes = [1], strides = [1]} : vector<16xi32> to vector<1xi32>
          %squeeze3A_408 = vector.extract %slice3A_407[0] : i32 from vector<1xi32>
          %eq3A_409 = arith.constant 0 : i32
          %eq3A_410 = arith.cmpi eq, %squeeze3A_408, %eq3A_409 : i32
          %convert_element_type3A_411 = arith.extui %eq3A_410 : i1 to i32
          %cond3A_412 = arith.constant 0 : i32
          %cond3A_413 = arith.cmpi ne, %convert_element_type3A_411, %cond3A_412 : i32
          scf.if %cond3A_413 {
            %mul3A_442 = arith.constant 16 : i32
            %mul3A_443 = arith.muli %scan3A_325, %mul3A_442 : i32
            %add3A_444 = arith.constant 11 : i32
            %add3A_445 = arith.addi %mul3A_443, %add3A_444 : i32
            %swap3A = arith.index_cast %add3A_445 : i32 to index
            %swap3A_446 = arith.constant 0 : index
            %swap3A_447 = tpu.vector_load %arg9[%swap3A, %swap3A_446] {strides = array<i32>} : memref<800x64xf32, #tpu.memory_space<vmem>>, vector<1x16xf32>,
            %swap3A_448 = vector.shape_cast %swap3A_447 : vector<1x16xf32> to vector<16xf32>
            %swap3A_449 = vector.shape_cast %broadcast_in_dim3A_3 : vector<16xf32> to vector<1x16xf32>
            tpu.vector_store %arg9[%swap3A, %swap3A_446], %swap3A_449 {strides = array<i32>} : memref<800x64xf32, #tpu.memory_space<vmem>>, vector<1x16xf32>,
            %mul3A_450 = arith.constant 16 : i32
            %mul3A_451 = arith.muli %scan3A_325, %mul3A_450 : i32
            %add3A_452 = arith.constant 11 : i32
            %add3A_453 = arith.addi %mul3A_451, %add3A_452 : i32
            %swap3A_454 = arith.index_cast %add3A_453 : i32 to index
            %swap3A_455 = arith.constant 16 : index
            %swap3A_456 = tpu.vector_load %arg9[%swap3A_454, %swap3A_455] {strides = array<i32>} : memref<800x64xf32, #tpu.memory_space<vmem>>, vector<1x16xf32>,
            %swap3A_457 = vector.shape_cast %swap3A_456 : vector<1x16xf32> to vector<16xf32>
            %swap3A_458 = vector.shape_cast %broadcast_in_dim3A_3 : vector<16xf32> to vector<1x16xf32>
            tpu.vector_store %arg9[%swap3A_454, %swap3A_455], %swap3A_458 {strides = array<i32>} : memref<800x64xf32, #tpu.memory_space<vmem>>, vector<1x16xf32>,
            %mul3A_459 = arith.constant 16 : i32
            %mul3A_460 = arith.muli %scan3A_325, %mul3A_459 : i32
            %add3A_461 = arith.constant 11 : i32
            %add3A_462 = arith.addi %mul3A_460, %add3A_461 : i32
            %swap3A_463 = arith.index_cast %add3A_462 : i32 to index
            %swap3A_464 = arith.constant 32 : index
            %swap3A_465 = tpu.vector_load %arg9[%swap3A_463, %swap3A_464] {strides = array<i32>} : memref<800x64xf32, #tpu.memory_space<vmem>>, vector<1x16xf32>,
            %swap3A_466 = vector.shape_cast %swap3A_465 : vector<1x16xf32> to vector<16xf32>
            %swap3A_467 = vector.shape_cast %broadcast_in_dim3A_3 : vector<16xf32> to vector<1x16xf32>
            tpu.vector_store %arg9[%swap3A_463, %swap3A_464], %swap3A_467 {strides = array<i32>} : memref<800x64xf32, #tpu.memory_space<vmem>>, vector<1x16xf32>,
            %mul3A_468 = arith.constant 16 : i32
            %mul3A_469 = arith.muli %scan3A_325, %mul3A_468 : i32
            %add3A_470 = arith.constant 11 : i32
            %add3A_471 = arith.addi %mul3A_469, %add3A_470 : i32
            %swap3A_472 = arith.index_cast %add3A_471 : i32 to index
            %swap3A_473 = arith.constant 48 : index
            %swap3A_474 = tpu.vector_load %arg9[%swap3A_472, %swap3A_473] {strides = array<i32>} : memref<800x64xf32, #tpu.memory_space<vmem>>, vector<1x16xf32>,
            %swap3A_475 = vector.shape_cast %swap3A_474 : vector<1x16xf32> to vector<16xf32>
            %swap3A_476 = vector.shape_cast %broadcast_in_dim3A_3 : vector<16xf32> to vector<1x16xf32>
            tpu.vector_store %arg9[%swap3A_472, %swap3A_473], %swap3A_476 {strides = array<i32>} : memref<800x64xf32, #tpu.memory_space<vmem>>, vector<1x16xf32>,
          } else {
          }
          %slice3A_414 = vector.extract_strided_slice %get3A_329 {offsets = [12], sizes = [1], strides = [1]} : vector<16xi32> to vector<1xi32>
          %squeeze3A_415 = vector.extract %slice3A_414[0] : i32 from vector<1xi32>
          %eq3A_416 = arith.constant 0 : i32
          %eq3A_417 = arith.cmpi eq, %squeeze3A_415, %eq3A_416 : i32
          %convert_element_type3A_418 = arith.extui %eq3A_417 : i1 to i32
          %cond3A_419 = arith.constant 0 : i32
          %cond3A_420 = arith.cmpi ne, %convert_element_type3A_418, %cond3A_419 : i32
          scf.if %cond3A_420 {
            %mul3A_442 = arith.constant 16 : i32
            %mul3A_443 = arith.muli %scan3A_325, %mul3A_442 : i32
            %add3A_444 = arith.constant 12 : i32
            %add3A_445 = arith.addi %mul3A_443, %add3A_444 : i32
            %swap3A = arith.index_cast %add3A_445 : i32 to index
            %swap3A_446 = arith.constant 0 : index
            %swap3A_447 = tpu.vector_load %arg9[%swap3A, %swap3A_446] {strides = array<i32>} : memref<800x64xf32, #tpu.memory_space<vmem>>, vector<1x16xf32>,
            %swap3A_448 = vector.shape_cast %swap3A_447 : vector<1x16xf32> to vector<16xf32>
            %swap3A_449 = vector.shape_cast %broadcast_in_dim3A_3 : vector<16xf32> to vector<1x16xf32>
            tpu.vector_store %arg9[%swap3A, %swap3A_446], %swap3A_449 {strides = array<i32>} : memref<800x64xf32, #tpu.memory_space<vmem>>, vector<1x16xf32>,
            %mul3A_450 = arith.constant 16 : i32
            %mul3A_451 = arith.muli %scan3A_325, %mul3A_450 : i32
            %add3A_452 = arith.constant 12 : i32
            %add3A_453 = arith.addi %mul3A_451, %add3A_452 : i32
            %swap3A_454 = arith.index_cast %add3A_453 : i32 to index
            %swap3A_455 = arith.constant 16 : index
            %swap3A_456 = tpu.vector_load %arg9[%swap3A_454, %swap3A_455] {strides = array<i32>} : memref<800x64xf32, #tpu.memory_space<vmem>>, vector<1x16xf32>,
            %swap3A_457 = vector.shape_cast %swap3A_456 : vector<1x16xf32> to vector<16xf32>
            %swap3A_458 = vector.shape_cast %broadcast_in_dim3A_3 : vector<16xf32> to vector<1x16xf32>
            tpu.vector_store %arg9[%swap3A_454, %swap3A_455], %swap3A_458 {strides = array<i32>} : memref<800x64xf32, #tpu.memory_space<vmem>>, vector<1x16xf32>,
            %mul3A_459 = arith.constant 16 : i32
            %mul3A_460 = arith.muli %scan3A_325, %mul3A_459 : i32
            %add3A_461 = arith.constant 12 : i32
            %add3A_462 = arith.addi %mul3A_460, %add3A_461 : i32
            %swap3A_463 = arith.index_cast %add3A_462 : i32 to index
            %swap3A_464 = arith.constant 32 : index
            %swap3A_465 = tpu.vector_load %arg9[%swap3A_463, %swap3A_464] {strides = array<i32>} : memref<800x64xf32, #tpu.memory_space<vmem>>, vector<1x16xf32>,
            %swap3A_466 = vector.shape_cast %swap3A_465 : vector<1x16xf32> to vector<16xf32>
            %swap3A_467 = vector.shape_cast %broadcast_in_dim3A_3 : vector<16xf32> to vector<1x16xf32>
            tpu.vector_store %arg9[%swap3A_463, %swap3A_464], %swap3A_467 {strides = array<i32>} : memref<800x64xf32, #tpu.memory_space<vmem>>, vector<1x16xf32>,
            %mul3A_468 = arith.constant 16 : i32
            %mul3A_469 = arith.muli %scan3A_325, %mul3A_468 : i32
            %add3A_470 = arith.constant 12 : i32
            %add3A_471 = arith.addi %mul3A_469, %add3A_470 : i32
            %swap3A_472 = arith.index_cast %add3A_471 : i32 to index
            %swap3A_473 = arith.constant 48 : index
            %swap3A_474 = tpu.vector_load %arg9[%swap3A_472, %swap3A_473] {strides = array<i32>} : memref<800x64xf32, #tpu.memory_space<vmem>>, vector<1x16xf32>,
            %swap3A_475 = vector.shape_cast %swap3A_474 : vector<1x16xf32> to vector<16xf32>
            %swap3A_476 = vector.shape_cast %broadcast_in_dim3A_3 : vector<16xf32> to vector<1x16xf32>
            tpu.vector_store %arg9[%swap3A_472, %swap3A_473], %swap3A_476 {strides = array<i32>} : memref<800x64xf32, #tpu.memory_space<vmem>>, vector<1x16xf32>,
          } else {
          }
          %slice3A_421 = vector.extract_strided_slice %get3A_329 {offsets = [13], sizes = [1], strides = [1]} : vector<16xi32> to vector<1xi32>
          %squeeze3A_422 = vector.extract %slice3A_421[0] : i32 from vector<1xi32>
          %eq3A_423 = arith.constant 0 : i32
          %eq3A_424 = arith.cmpi eq, %squeeze3A_422, %eq3A_423 : i32
          %convert_element_type3A_425 = arith.extui %eq3A_424 : i1 to i32
          %cond3A_426 = arith.constant 0 : i32
          %cond3A_427 = arith.cmpi ne, %convert_element_type3A_425, %cond3A_426 : i32
          scf.if %cond3A_427 {
            %mul3A_442 = arith.constant 16 : i32
            %mul3A_443 = arith.muli %scan3A_325, %mul3A_442 : i32
            %add3A_444 = arith.constant 13 : i32
            %add3A_445 = arith.addi %mul3A_443, %add3A_444 : i32
            %swap3A = arith.index_cast %add3A_445 : i32 to index
            %swap3A_446 = arith.constant 0 : index
            %swap3A_447 = tpu.vector_load %arg9[%swap3A, %swap3A_446] {strides = array<i32>} : memref<800x64xf32, #tpu.memory_space<vmem>>, vector<1x16xf32>,
            %swap3A_448 = vector.shape_cast %swap3A_447 : vector<1x16xf32> to vector<16xf32>
            %swap3A_449 = vector.shape_cast %broadcast_in_dim3A_3 : vector<16xf32> to vector<1x16xf32>
            tpu.vector_store %arg9[%swap3A, %swap3A_446], %swap3A_449 {strides = array<i32>} : memref<800x64xf32, #tpu.memory_space<vmem>>, vector<1x16xf32>,
            %mul3A_450 = arith.constant 16 : i32
            %mul3A_451 = arith.muli %scan3A_325, %mul3A_450 : i32
            %add3A_452 = arith.constant 13 : i32
            %add3A_453 = arith.addi %mul3A_451, %add3A_452 : i32
            %swap3A_454 = arith.index_cast %add3A_453 : i32 to index
            %swap3A_455 = arith.constant 16 : index
            %swap3A_456 = tpu.vector_load %arg9[%swap3A_454, %swap3A_455] {strides = array<i32>} : memref<800x64xf32, #tpu.memory_space<vmem>>, vector<1x16xf32>,
            %swap3A_457 = vector.shape_cast %swap3A_456 : vector<1x16xf32> to vector<16xf32>
            %swap3A_458 = vector.shape_cast %broadcast_in_dim3A_3 : vector<16xf32> to vector<1x16xf32>
            tpu.vector_store %arg9[%swap3A_454, %swap3A_455], %swap3A_458 {strides = array<i32>} : memref<800x64xf32, #tpu.memory_space<vmem>>, vector<1x16xf32>,
            %mul3A_459 = arith.constant 16 : i32
            %mul3A_460 = arith.muli %scan3A_325, %mul3A_459 : i32
            %add3A_461 = arith.constant 13 : i32
            %add3A_462 = arith.addi %mul3A_460, %add3A_461 : i32
            %swap3A_463 = arith.index_cast %add3A_462 : i32 to index
            %swap3A_464 = arith.constant 32 : index
            %swap3A_465 = tpu.vector_load %arg9[%swap3A_463, %swap3A_464] {strides = array<i32>} : memref<800x64xf32, #tpu.memory_space<vmem>>, vector<1x16xf32>,
            %swap3A_466 = vector.shape_cast %swap3A_465 : vector<1x16xf32> to vector<16xf32>
            %swap3A_467 = vector.shape_cast %broadcast_in_dim3A_3 : vector<16xf32> to vector<1x16xf32>
            tpu.vector_store %arg9[%swap3A_463, %swap3A_464], %swap3A_467 {strides = array<i32>} : memref<800x64xf32, #tpu.memory_space<vmem>>, vector<1x16xf32>,
            %mul3A_468 = arith.constant 16 : i32
            %mul3A_469 = arith.muli %scan3A_325, %mul3A_468 : i32
            %add3A_470 = arith.constant 13 : i32
            %add3A_471 = arith.addi %mul3A_469, %add3A_470 : i32
            %swap3A_472 = arith.index_cast %add3A_471 : i32 to index
            %swap3A_473 = arith.constant 48 : index
            %swap3A_474 = tpu.vector_load %arg9[%swap3A_472, %swap3A_473] {strides = array<i32>} : memref<800x64xf32, #tpu.memory_space<vmem>>, vector<1x16xf32>,
            %swap3A_475 = vector.shape_cast %swap3A_474 : vector<1x16xf32> to vector<16xf32>
            %swap3A_476 = vector.shape_cast %broadcast_in_dim3A_3 : vector<16xf32> to vector<1x16xf32>
            tpu.vector_store %arg9[%swap3A_472, %swap3A_473], %swap3A_476 {strides = array<i32>} : memref<800x64xf32, #tpu.memory_space<vmem>>, vector<1x16xf32>,
          } else {
          }
          %slice3A_428 = vector.extract_strided_slice %get3A_329 {offsets = [14], sizes = [1], strides = [1]} : vector<16xi32> to vector<1xi32>
          %squeeze3A_429 = vector.extract %slice3A_428[0] : i32 from vector<1xi32>
          %eq3A_430 = arith.constant 0 : i32
          %eq3A_431 = arith.cmpi eq, %squeeze3A_429, %eq3A_430 : i32
          %convert_element_type3A_432 = arith.extui %eq3A_431 : i1 to i32
          %cond3A_433 = arith.constant 0 : i32
          %cond3A_434 = arith.cmpi ne, %convert_element_type3A_432, %cond3A_433 : i32
          scf.if %cond3A_434 {
            %mul3A_442 = arith.constant 16 : i32
            %mul3A_443 = arith.muli %scan3A_325, %mul3A_442 : i32
            %add3A_444 = arith.constant 14 : i32
            %add3A_445 = arith.addi %mul3A_443, %add3A_444 : i32
            %swap3A = arith.index_cast %add3A_445 : i32 to index
            %swap3A_446 = arith.constant 0 : index
            %swap3A_447 = tpu.vector_load %arg9[%swap3A, %swap3A_446] {strides = array<i32>} : memref<800x64xf32, #tpu.memory_space<vmem>>, vector<1x16xf32>,
            %swap3A_448 = vector.shape_cast %swap3A_447 : vector<1x16xf32> to vector<16xf32>
            %swap3A_449 = vector.shape_cast %broadcast_in_dim3A_3 : vector<16xf32> to vector<1x16xf32>
            tpu.vector_store %arg9[%swap3A, %swap3A_446], %swap3A_449 {strides = array<i32>} : memref<800x64xf32, #tpu.memory_space<vmem>>, vector<1x16xf32>,
            %mul3A_450 = arith.constant 16 : i32
            %mul3A_451 = arith.muli %scan3A_325, %mul3A_450 : i32
            %add3A_452 = arith.constant 14 : i32
            %add3A_453 = arith.addi %mul3A_451, %add3A_452 : i32
            %swap3A_454 = arith.index_cast %add3A_453 : i32 to index
            %swap3A_455 = arith.constant 16 : index
            %swap3A_456 = tpu.vector_load %arg9[%swap3A_454, %swap3A_455] {strides = array<i32>} : memref<800x64xf32, #tpu.memory_space<vmem>>, vector<1x16xf32>,
            %swap3A_457 = vector.shape_cast %swap3A_456 : vector<1x16xf32> to vector<16xf32>
            %swap3A_458 = vector.shape_cast %broadcast_in_dim3A_3 : vector<16xf32> to vector<1x16xf32>
            tpu.vector_store %arg9[%swap3A_454, %swap3A_455], %swap3A_458 {strides = array<i32>} : memref<800x64xf32, #tpu.memory_space<vmem>>, vector<1x16xf32>,
            %mul3A_459 = arith.constant 16 : i32
            %mul3A_460 = arith.muli %scan3A_325, %mul3A_459 : i32
            %add3A_461 = arith.constant 14 : i32
            %add3A_462 = arith.addi %mul3A_460, %add3A_461 : i32
            %swap3A_463 = arith.index_cast %add3A_462 : i32 to index
            %swap3A_464 = arith.constant 32 : index
            %swap3A_465 = tpu.vector_load %arg9[%swap3A_463, %swap3A_464] {strides = array<i32>} : memref<800x64xf32, #tpu.memory_space<vmem>>, vector<1x16xf32>,
            %swap3A_466 = vector.shape_cast %swap3A_465 : vector<1x16xf32> to vector<16xf32>
            %swap3A_467 = vector.shape_cast %broadcast_in_dim3A_3 : vector<16xf32> to vector<1x16xf32>
            tpu.vector_store %arg9[%swap3A_463, %swap3A_464], %swap3A_467 {strides = array<i32>} : memref<800x64xf32, #tpu.memory_space<vmem>>, vector<1x16xf32>,
            %mul3A_468 = arith.constant 16 : i32
            %mul3A_469 = arith.muli %scan3A_325, %mul3A_468 : i32
            %add3A_470 = arith.constant 14 : i32
            %add3A_471 = arith.addi %mul3A_469, %add3A_470 : i32
            %swap3A_472 = arith.index_cast %add3A_471 : i32 to index
            %swap3A_473 = arith.constant 48 : index
            %swap3A_474 = tpu.vector_load %arg9[%swap3A_472, %swap3A_473] {strides = array<i32>} : memref<800x64xf32, #tpu.memory_space<vmem>>, vector<1x16xf32>,
            %swap3A_475 = vector.shape_cast %swap3A_474 : vector<1x16xf32> to vector<16xf32>
            %swap3A_476 = vector.shape_cast %broadcast_in_dim3A_3 : vector<16xf32> to vector<1x16xf32>
            tpu.vector_store %arg9[%swap3A_472, %swap3A_473], %swap3A_476 {strides = array<i32>} : memref<800x64xf32, #tpu.memory_space<vmem>>, vector<1x16xf32>,
          } else {
          }
          %slice3A_435 = vector.extract_strided_slice %get3A_329 {offsets = [15], sizes = [1], strides = [1]} : vector<16xi32> to vector<1xi32>
          %squeeze3A_436 = vector.extract %slice3A_435[0] : i32 from vector<1xi32>
          %eq3A_437 = arith.constant 0 : i32
          %eq3A_438 = arith.cmpi eq, %squeeze3A_436, %eq3A_437 : i32
          %convert_element_type3A_439 = arith.extui %eq3A_438 : i1 to i32
          %cond3A_440 = arith.constant 0 : i32
          %cond3A_441 = arith.cmpi ne, %convert_element_type3A_439, %cond3A_440 : i32
          scf.if %cond3A_441 {
            %mul3A_442 = arith.constant 16 : i32
            %mul3A_443 = arith.muli %scan3A_325, %mul3A_442 : i32
            %add3A_444 = arith.constant 15 : i32
            %add3A_445 = arith.addi %mul3A_443, %add3A_444 : i32
            %swap3A = arith.index_cast %add3A_445 : i32 to index
            %swap3A_446 = arith.constant 0 : index
            %swap3A_447 = tpu.vector_load %arg9[%swap3A, %swap3A_446] {strides = array<i32>} : memref<800x64xf32, #tpu.memory_space<vmem>>, vector<1x16xf32>,
            %swap3A_448 = vector.shape_cast %swap3A_447 : vector<1x16xf32> to vector<16xf32>
            %swap3A_449 = vector.shape_cast %broadcast_in_dim3A_3 : vector<16xf32> to vector<1x16xf32>
            tpu.vector_store %arg9[%swap3A, %swap3A_446], %swap3A_449 {strides = array<i32>} : memref<800x64xf32, #tpu.memory_space<vmem>>, vector<1x16xf32>,
            %mul3A_450 = arith.constant 16 : i32
            %mul3A_451 = arith.muli %scan3A_325, %mul3A_450 : i32
            %add3A_452 = arith.constant 15 : i32
            %add3A_453 = arith.addi %mul3A_451, %add3A_452 : i32
            %swap3A_454 = arith.index_cast %add3A_453 : i32 to index
            %swap3A_455 = arith.constant 16 : index
            %swap3A_456 = tpu.vector_load %arg9[%swap3A_454, %swap3A_455] {strides = array<i32>} : memref<800x64xf32, #tpu.memory_space<vmem>>, vector<1x16xf32>,
            %swap3A_457 = vector.shape_cast %swap3A_456 : vector<1x16xf32> to vector<16xf32>
            %swap3A_458 = vector.shape_cast %broadcast_in_dim3A_3 : vector<16xf32> to vector<1x16xf32>
            tpu.vector_store %arg9[%swap3A_454, %swap3A_455], %swap3A_458 {strides = array<i32>} : memref<800x64xf32, #tpu.memory_space<vmem>>, vector<1x16xf32>,
            %mul3A_459 = arith.constant 16 : i32
            %mul3A_460 = arith.muli %scan3A_325, %mul3A_459 : i32
            %add3A_461 = arith.constant 15 : i32
            %add3A_462 = arith.addi %mul3A_460, %add3A_461 : i32
            %swap3A_463 = arith.index_cast %add3A_462 : i32 to index
            %swap3A_464 = arith.constant 32 : index
            %swap3A_465 = tpu.vector_load %arg9[%swap3A_463, %swap3A_464] {strides = array<i32>} : memref<800x64xf32, #tpu.memory_space<vmem>>, vector<1x16xf32>,
            %swap3A_466 = vector.shape_cast %swap3A_465 : vector<1x16xf32> to vector<16xf32>
            %swap3A_467 = vector.shape_cast %broadcast_in_dim3A_3 : vector<16xf32> to vector<1x16xf32>
            tpu.vector_store %arg9[%swap3A_463, %swap3A_464], %swap3A_467 {strides = array<i32>} : memref<800x64xf32, #tpu.memory_space<vmem>>, vector<1x16xf32>,
            %mul3A_468 = arith.constant 16 : i32
            %mul3A_469 = arith.muli %scan3A_325, %mul3A_468 : i32
            %add3A_470 = arith.constant 15 : i32
            %add3A_471 = arith.addi %mul3A_469, %add3A_470 : i32
            %swap3A_472 = arith.index_cast %add3A_471 : i32 to index
            %swap3A_473 = arith.constant 48 : index
            %swap3A_474 = tpu.vector_load %arg9[%swap3A_472, %swap3A_473] {strides = array<i32>} : memref<800x64xf32, #tpu.memory_space<vmem>>, vector<1x16xf32>,
            %swap3A_475 = vector.shape_cast %swap3A_474 : vector<1x16xf32> to vector<16xf32>
            %swap3A_476 = vector.shape_cast %broadcast_in_dim3A_3 : vector<16xf32> to vector<1x16xf32>
            tpu.vector_store %arg9[%swap3A_472, %swap3A_473], %swap3A_476 {strides = array<i32>} : memref<800x64xf32, #tpu.memory_space<vmem>>, vector<1x16xf32>,
          } else {
          }
        }
        %scan3A_324 = arith.constant 50 : i32
      } else {
      }
      %lt3A_304 = arith.constant 15 : i32
      %lt3A_305 = arith.cmpi slt, %scan3A_87, %lt3A_304 : i32
      %convert_element_type3A_306 = arith.extui %lt3A_305 : i1 to i32
      %cond3A_307 = arith.constant 0 : i32
      %cond3A_308 = arith.cmpi ne, %convert_element_type3A_306, %cond3A_307 : i32
      scf.if %cond3A_308 {
        %add3A_319 = arith.constant 3 : i32
        %add3A_320 = arith.addi %add3A_90, %add3A_319 : i32
        %dma_start3A_321 = arith.constant 0 : i32
        %dma_start3A_322 = tpu.memref_slice %arg2[%add3A_320, %dma_start3A_321] : memref<1024x800xi32, #tpu.memory_space<hbm>> -> memref<1x800xi32, #tpu.memory_space<hbm>>
        %dma_start3A_323 = tpu.memref_squeeze %dma_start3A_322 : memref<1x800xi32, #tpu.memory_space<hbm>> -> memref<800xi32, #tpu.memory_space<hbm>>
        %dma_start3A_324 = arith.constant 0 : i32
        %dma_start3A_325 = tpu.memref_slice %arg2[%add3A_320, %dma_start3A_324] : memref<1024x800xi32, #tpu.memory_space<hbm>> -> memref<1x800xi32, #tpu.memory_space<hbm>>
        %dma_start3A_326 = tpu.memref_squeeze %dma_start3A_325 : memref<1x800xi32, #tpu.memory_space<hbm>> -> memref<800xi32, #tpu.memory_space<hbm>>
        tpu.enqueue_dma source(%dma_start3A_326 : memref<800xi32, #tpu.memory_space<hbm>>) target(%arg7 : memref<800xi32, #tpu.memory_space<vmem>>) target_semaphore(%arg15 : memref<!tpu.dma_semaphore, #tpu.memory_space<semaphore_mem>>)
      } else {
      }
      %add3A_309 = arith.constant 1 : i32
      %add3A_310 = arith.addi %add3A_90, %add3A_309 : i32
      %dma_start3A_311 = arith.constant 0 : i32
      %dma_start3A_312 = arith.constant 0 : i32
      %dma_start3A_313 = tpu.memref_slice %arg5[%add3A_310, %dma_start3A_311, %dma_start3A_312] : memref<1024x800x64xf32, #tpu.memory_space<hbm>> -> memref<1x800x64xf32, #tpu.memory_space<hbm>>
      %dma_start3A_314 = tpu.memref_squeeze %dma_start3A_313 : memref<1x800x64xf32, #tpu.memory_space<hbm>> -> memref<800x64xf32, #tpu.memory_space<hbm>>
      %dma_start3A_315 = arith.constant 0 : i32
      %dma_start3A_316 = arith.constant 0 : i32
      %dma_start3A_317 = tpu.memref_slice %arg5[%add3A_310, %dma_start3A_315, %dma_start3A_316] : memref<1024x800x64xf32, #tpu.memory_space<hbm>> -> memref<1x800x64xf32, #tpu.memory_space<hbm>>
      %dma_start3A_318 = tpu.memref_squeeze %dma_start3A_317 : memref<1x800x64xf32, #tpu.memory_space<hbm>> -> memref<800x64xf32, #tpu.memory_space<hbm>>
      tpu.enqueue_dma source(%arg9 : memref<800x64xf32, #tpu.memory_space<vmem>>) target(%dma_start3A_318 : memref<800x64xf32, #tpu.memory_space<hbm>>) target_semaphore(%arg13 : memref<!tpu.dma_semaphore, #tpu.memory_space<semaphore_mem>>)
    }
    %scan3A_71 = arith.constant 16 : i32
    %dma_wait3A = arith.constant 0 : i32
    %dma_wait3A_72 = arith.constant 0 : i32
    %dma_wait3A_73 = tpu.memref_slice %arg5[%mul3A_2, %dma_wait3A, %dma_wait3A_72] : memref<1024x800x64xf32, #tpu.memory_space<hbm>> -> memref<1x800x64xf32, #tpu.memory_space<hbm>>
    %dma_wait3A_74 = tpu.memref_squeeze %dma_wait3A_73 : memref<1x800x64xf32, #tpu.memory_space<hbm>> -> memref<800x64xf32, #tpu.memory_space<hbm>>
    %dma_wait3A_75 = arith.constant 0 : i32
    %dma_wait3A_76 = arith.constant 0 : i32
    %dma_wait3A_77 = tpu.memref_slice %arg5[%mul3A_2, %dma_wait3A_75, %dma_wait3A_76] : memref<1024x800x64xf32, #tpu.memory_space<hbm>> -> memref<1x800x64xf32, #tpu.memory_space<hbm>>
    %dma_wait3A_78 = tpu.memref_squeeze %dma_wait3A_77 : memref<1x800x64xf32, #tpu.memory_space<hbm>> -> memref<800x64xf32, #tpu.memory_space<hbm>>
    tpu.wait_dma2 semaphore(%arg12 : memref<!tpu.dma_semaphore, #tpu.memory_space<semaphore_mem>>) src(%dma_wait3A_78 : memref<800x64xf32, #tpu.memory_space<hbm>>) dst(%arg8 : memref<800x64xf32, #tpu.memory_space<vmem>>)
    %dma_wait3A_79 = arith.constant 0 : i32
    %dma_wait3A_80 = arith.constant 0 : i32
    %dma_wait3A_81 = tpu.memref_slice %arg5[%mul3A_2, %dma_wait3A_79, %dma_wait3A_80] : memref<1024x800x64xf32, #tpu.memory_space<hbm>> -> memref<1x800x64xf32, #tpu.memory_space<hbm>>
    %dma_wait3A_82 = tpu.memref_squeeze %dma_wait3A_81 : memref<1x800x64xf32, #tpu.memory_space<hbm>> -> memref<800x64xf32, #tpu.memory_space<hbm>>
    %dma_wait3A_83 = arith.constant 0 : i32
    %dma_wait3A_84 = arith.constant 0 : i32
    %dma_wait3A_85 = tpu.memref_slice %arg5[%mul3A_2, %dma_wait3A_83, %dma_wait3A_84] : memref<1024x800x64xf32, #tpu.memory_space<hbm>> -> memref<1x800x64xf32, #tpu.memory_space<hbm>>
    %dma_wait3A_86 = tpu.memref_squeeze %dma_wait3A_85 : memref<1x800x64xf32, #tpu.memory_space<hbm>> -> memref<800x64xf32, #tpu.memory_space<hbm>>
    tpu.wait_dma2 semaphore(%arg13 : memref<!tpu.dma_semaphore, #tpu.memory_space<semaphore_mem>>) src(%dma_wait3A_86 : memref<800x64xf32, #tpu.memory_space<hbm>>) dst(%arg9 : memref<800x64xf32, #tpu.memory_space<vmem>>)
    return
  }
}

</mosaic_0001>

<sc_bundles>
// kernel: kernel.3.cloned.1.call-start
scs
__scs_entry_jumppad:
0x0: {  	(pc) =	sbr.rel $0x88, $3  }
0x1: {  	(tag) =	ssettag $0x0;
	lr =	simm.s32 $0x1  }
0x2: {  	[smem:$0x3F9E] =	sst lr;
	_ =	strace $0xD0000000  }
0x3: {  	_ = 	snop  }
0x4: {  	_ = 	snop  }
0x5: {  	_ = 	snop  }
0x6: {  	_ = 	snop  }
0x7: {  	_ = 	snop  }
__scs_overlays_trampoline_lowered:
0x8: {  	[smem:$0x3FAD] =	sst s0  }
0x9: {  	[smem:$0x3FAE] =	sst s1  }
0xa: {  	[smem:$0x3FAF] =	sst s2  }
0xb: {  	[smem:$0x3FB0] =	sst s3  }
0xc: {  	[smem:$0x3FB1] =	sst s4  }
0xd: {  	[smem:$0x3FB2] =	sst s5  }
0xe: {  	[smem:$0x3FB3] =	sst s6  }
0xf: {  	[smem:$0x3FB4] =	sst s7  }
0x10: {  	[smem:$0x3FB5] =	sst s8  }
0x11: {  	[smem:$0x3FB6] =	sst s9;
	s0 =	simm.s32 @!p0 $0x0  }
0x12: {  	s1 =	sld [smem:$0x3F9C];
	s0 =	simm.s32 @p0 $0x1  }
0x13: {  	[smem:$0x3FB7] =	sst s0;
	s0 =	simm.s32 @!p1 $0x0  }
0x14: {  	s2 =	sld [smem:$0x3F9B];
	s0 =	simm.s32 @p1 $0x1  }
0x15: {  	[smem:$0x3FB8] =	sst s0;
	s0 =	simm.s32 @!p2 $0x0  }
0x16: {  	s3 =	sld [smem:$0x3FDB];
	s0 =	simm.s32 @p2 $0x1  }
0x17: {  	s4 =	simm.s32 $0x1BF5;
	[smem:$0x3FBA] =	sst s0  }
0x18: {  	s0 =	sld [smem:$0x3F9D];
	_ =	swait.ge [sflag:s4], $0x0  }
0x19: {  	s7 =	sld [smem:$0x3F9E]  }
0x1a: {  	s8 =	sadd.s32 $0xFFFFE003, lr  }
0x1b: {  	s9 =	sadd.s32 $0xFFFFFEF7, lr;
	s5 =	simm.s32 $0xFFFFFFFF;
	p2 =	slt.u32 s8, $0xFFFFF086  }
0x1c: {  	p1 =	slt.u32 s9, $0xF7A;
	s5 =	simm.s32 @!p2 $0x0  }
0x1d: {  	s5 =	simm.s32 @p1 $0x1;
	p0 =	seq.s32 s7, s2  }
0x1e: {  	s7 =	smul.u32 @!p0 $0xF7A, s2;
	p2 =	seq.s32 @!p0 s5, $0x0  }
0x1f: {  	s9 =	smul.u32 $0xF7A, s1;
	s8 =	simm.s32 @!p0 $0x1BF5;
	p2 =	por !p2, p0  }
0x20: {  	[sflag:s8] =	ssyncset.s32 @!p0 $0xFFFFF086;
	s6 =	sadd.s32 @!p0 s3, s7;
	s7 =	simm.s32 @!p0 $0x108  }
0x21: {  	s3 =	sadd.s32 s3, s9;
	s6 =	sadd.s32 @!p0 $0x88, s6;
	s7 =	simm.s32 @p2 $0x1082  }
0x22: {  	[simem:s7], [sflag:s8] =	dma.local @!p0 [hbm:s6], $0xF7A  }
0x23: {  	s9 =	sor.u32 $0xD0000000, s2;
	s6 =	simm.s32 $0x108;
	_ =	swait.ge @!p0 [sflag:s8], $0x0  }
0x24: {  	s3 =	sadd.s32 $0x88, s3;
	s6 =	simm.s32 @!p1 $0x1082;
	[sflag:s4] =	ssyncset.s32 $0xFFFFF086  }
0x25: {  	[simem:s6], [sflag:s4] =	dma.local [hbm:s3], $0xF7A  }
0x26: {  	[smem:$0x3F9E] =	sst s1;
	(tag) =	ssettag s2;
	_ =	strace s9  }
0x27: {  	s1 =	sld [smem:$0x3FAE]  }
0x28: {  	s2 =	sld [smem:$0x3FAF]  }
0x29: {  	s4 =	sld [smem:$0x3FB1]  }
0x2a: {  	p0 =	seq.s32 s5, $0x0;
	s5 =	sld [smem:$0x3FB2]  }
0x2b: {  	s6 =	sld [smem:$0x3FB3]  }
0x2c: {  	s7 =	sld [smem:$0x3FB4]  }
0x2d: {  	s3 =	simm.s32 $0x108;
	s8 =	sld [smem:$0x3FB5]  }
0x2e: {  	s3 =	simm.s32 @!p0 $0x1082;
	s9 =	sld [smem:$0x3FB6]  }
0x2f: {  	lr =	sadd.s32 s0, s3;
	s0 =	sld [smem:$0x3FAD]  }
0x30: {  	s3 =	sld [smem:$0x3FB0]  }
0x31: {  	[smem:$0x3FB9] =	sst s10  }
0x32: {  	s10 =	sld [smem:$0x3FB7];
	_ =	sdelay $0x3  }
0x33: {  	p0 =	seq.s32 s10, $0x1;
	s10 =	sld [smem:$0x3FB9];
	_ =	sdelay $0x3  }
0x34: {  	[smem:$0x3FB9] =	sst s10  }
0x35: {  	s10 =	sld [smem:$0x3FB8];
	_ =	sdelay $0x3  }
0x36: {  	p1 =	seq.s32 s10, $0x1;
	s10 =	sld [smem:$0x3FB9];
	_ =	sdelay $0x3  }
0x37: {  	[smem:$0x3FB9] =	sst s10  }
0x38: {  	s10 =	sld [smem:$0x3FBA]  }
0x39: {  	_ = 	snop;
	(pc) =	sbr.ind lr, $3  }
0x3a: {  	_ = 	snop  }
0x3b: {  	_ = 	snop  }
0x3c: {  	p2 =	seq.s32 s10, $0x1;
	s10 =	sld [smem:$0x3FB9]  }
0x3d: {  	_ =	shalt  }
0x3e: {  	_ =	shalt  }
0x3f: {  	_ =	shalt  }
0x40: {  	_ =	shalt  }
0x41: {  	_ =	shalt  }
0x42: {  	_ =	shalt  }
0x43: {  	_ =	shalt  }
0x44: {  	_ =	shalt  }
0x45: {  	_ =	shalt  }
0x46: {  	_ =	shalt  }
0x47: {  	_ =	shalt  }
0x48: {  	_ =	shalt  }
0x49: {  	_ =	shalt  }
0x4a: {  	_ =	shalt  }
0x4b: {  	_ =	shalt  }
0x4c: {  	_ =	shalt  }
0x4d: {  	_ =	shalt  }
0x4e: {  	_ =	shalt  }
0x4f: {  	_ =	shalt  }
0x50: {  	_ =	shalt  }
0x51: {  	_ =	shalt  }
0x52: {  	_ =	shalt  }
0x53: {  	_ =	shalt  }
0x54: {  	_ =	shalt  }
0x55: {  	_ =	shalt  }
0x56: {  	_ =	shalt  }
0x57: {  	_ =	shalt  }
0x58: {  	_ =	shalt  }
0x59: {  	_ =	shalt  }
0x5a: {  	_ =	shalt  }
0x5b: {  	_ =	shalt  }
0x5c: {  	_ =	shalt  }
0x5d: {  	_ =	shalt  }
0x5e: {  	_ =	shalt  }
0x5f: {  	_ =	shalt  }
0x60: {  	_ =	shalt  }
0x61: {  	_ =	shalt  }
0x62: {  	_ =	shalt  }
0x63: {  	_ =	shalt  }
0x64: {  	_ =	shalt  }
0x65: {  	_ =	shalt  }
0x66: {  	_ =	shalt  }
0x67: {  	_ =	shalt  }
0x68: {  	_ =	shalt  }
0x69: {  	_ =	shalt  }
0x6a: {  	_ =	shalt  }
0x6b: {  	_ =	shalt  }
0x6c: {  	_ =	shalt  }
0x6d: {  	_ =	shalt  }
0x6e: {  	_ =	shalt  }
0x6f: {  	_ =	shalt  }
0x70: {  	_ =	shalt  }
0x71: {  	_ =	shalt  }
0x72: {  	_ =	shalt  }
0x73: {  	_ =	shalt  }
0x74: {  	_ =	shalt  }
0x75: {  	_ =	shalt  }
0x76: {  	_ =	shalt  }
0x77: {  	_ =	shalt  }
0x78: {  	_ =	shalt  }
0x79: {  	_ =	shalt  }
0x7a: {  	_ =	shalt  }
0x7b: {  	_ =	shalt  }
0x7c: {  	_ =	shalt  }
0x7d: {  	_ =	shalt  }
0x7e: {  	_ =	shalt  }
0x7f: {  	_ =	shalt  }
0x80: {  	_ =	shalt  }
0x81: {  	_ =	shalt  }
0x82: {  	_ =	shalt  }
0x83: {  	_ =	shalt  }
0x84: {  	_ =	shalt  }
0x85: {  	_ =	shalt  }
0x86: {  	_ =	shalt  }
0x87: {  	_ =	shalt  }
.Lfunc_end0:
.L_simem_size_0:
called_computation.1_lowered:
.L_overlay_start_0:
0x88: {  	s2 =	sld [smem:$0x3FD9]  }
0x89: {  	s3 =	sld [smem:$0x3FFE];
	_ =	sdelay $0x1  }
0x8a: {  	s1 =	srdreg.scid  }
0x8b: {  	s0 =	sand.u32 $0x1, s1  }
0x8c: {  	s17 =	sshll.u32 s0, $0xA;
	s2 =	sadd.s32 s3, s2  }
0x8d: {  	s2 =	sadd.s32 s2, s17  }
0x8e: {  	[smem:$0x3FC5] =	sst s2  }
0x8f: {  	_ = 	snop  }
0x90: {  	s2 =	sld [smem:$0x3FD0];
	(tm) =	ssettm $0x1  }
0x91: {  	s18 =	sld [smem:$0x3FFB];
	_ =	sdelay $0x3  }
0x92: {  	_ =	strace s18  }
0x93: {  	s3 =	sld [smem:$0x3FFC];
	_ =	sdelay $0x3  }
0x94: {  	_ =	strace s3  }
0x95: {  	s3 =	sld [smem:$0x3FFD];
	_ =	sdelay $0x3  }
0x96: {  	_ =	strace s3  }
0x97: {  	_ =	strace $0x8FFFFFFF  }
0x98: {  	s19 =	sld [smem:$0x3FDB];
	_ =	sdelay $0x1  }
0x99: {  	s4 =	simm.s32 $_scs_section_size  }
0x9a: {  	s5 =	simm.s32 $_size__tile_overlayer_lowered;
	s6 =	simm.s32 $_tile_overlayer_lowered  }
0x9b: {  	s22 =	simm.s32 $0x1BFF;
	s21 =	sshll.u32 s6, $0x1;
	s3 =	sadd.s32 s4, s19  }
0x9c: {  	s7 =	simm.s32 $0x0;
	s20 =	sshll.u32 s5, $0x1;
	s5 =	sadd.s32 s21, s3  }
0x9d: {  	[timem:s7], [sflag:s22] =	dma.local [hbm:s5], s20  }
0x9e: {  	_ =	swait.ge [sflag:s22], s20  }
0x9f: {  	s4 =	ssub.s32 $0x0, s20;
	[sflag:s22] =	ssyncset.done $0x0  }
0xa0: {  	[sflag:s22] =	ssyncadd.s32 s4;
	_ =	sdelay $0x1  }
0xa1: {  	s23 =	simm.s32 $0x1B8B  }
0xa2: {  	_ =	swait.ge [sflag:s23], $0x1  }
0xa3: {  	[sflag:s23] =	ssyncset.done $0x0  }
0xa4: {  	s25 =	simm.s32 $0x1B8E;
	s24 =	sld [smem:$0x3FFE];
	[sflag:s23] =	ssyncadd.s32 $0xFFFFFFFF  }
0xa5: {  	s26 =	simm.s32 $execute0_lowered;
	[smem:$0x3FD2] =	sst s25  }
0xa6: {  	s5 =	sshll.u32 s26, $0x1;
	_ =	strace $0x80000046;
	[dreg:$0x1] =	wrdreg $0xFFFFFFFF  }
0xa7: {  	s28 =	simm.s32 $_size_execute0_lowered;
	s3 =	sadd.s32 s3, s5;
	[dreg:$0x0] =	wrdreg $0x0  }
0xa8: {  	s5 =	sshll.u32 s28, $0x1;
	[dreg:$0x2] =	wrdreg s3  }
0xa9: {  	[dreg:$0x3] =	wrdreg s5  }
0xaa: {  	[dreg:$0x4] =	wrdreg $0xC0  }
0xab: {  	_ =	task [dreg:s7], $0x5FFFF  }
0xac: {  	[dreg:$0x1] =	wrdreg $0xFFFFFFFF  }
0xad: {  	[dreg:$0x0] =	wrdreg $0x60  }
0xae: {  	[dreg:$0x2] =	wrdreg s24  }
0xaf: {  	[dreg:$0x3] =	wrdreg s2  }
0xb0: {  	[dreg:$0x4] =	wrdreg $0x9  }
0xb1: {  	_ =	task.clear_ibuf [dreg:s7], $0x5FFFF;
	_ =	strace $0x90000046  }
0xb2: {  	s29 =	simm.s32 $0x9;
	_ =	strace $0x80000048  }
0xb3: {  	_ =	swait.ge [sflag:s29], $0x1  }
0xb4: {  	[sflag:s29] =	ssyncadd.s32 $0xFFFFFFFF  }
0xb5: {  	_ =	strace $0x90000048  }
0xb6: {  	_ =	sfence  }
0xb7: {  	s30 =	sld [smem:$0x0];
	_ =	sdelay $0x2  }
0xb8: {  	s31 =	sshll.u32 s1, $0xD;
	s1 =	sshrl.u32 s1, $0x2  }
0xb9: {  	s3 =	sand.u32 $0x4000, s31;
	s1 =	sadd.s32 s1, s30  }
0xba: {  	s0 =	sor.u32 s3, s0;
	s1 =	sshll.u32 s1, $0x11  }
0xbb: {  	s0 =	sor.u32 s1, s0  }
0xbc: {  	s0 =	sadd.s32 $0x8F2B, s0  }
0xbd: {  	[sflag:s0] =	ssyncadd.remote.s32 $0x1  }
0xbe: {  	_ =	sfence.sel $0xFFFF  }
0xbf: {  	[dreg:$0x0] =	wrdreg $0xFFFFFFFF;
	(pc) =	sbr.abs _section_cstart, $3  }
0xc0: {  	[dreg:$0x1] =	wrdreg $0xFFFFFFFF  }
0xc1: {  	_ =	task.clear_ibuf [dreg:s7], $0x2FFFF;
	_ =	strace $0x9FFFFFFF  }
0xc2: {  	(tm) =	ssettm $0x7FFFFFFF  }
0xc3: {  	_ =	shalt  }
tec
execute0_lowered:
.L_overlay_start_1:
0x0: {  	(tag) =	ssettag $0x1  }
0x1: {  	s0 =	srdreg.scid  }
0x2: {  	s1 =	rddreg [dreg:$0x0];
	s2 =	stileid.u32  }
0x3: {  	s3 =	rddreg [dreg:$0x1];
	s26 =	simm.s32 $0x0;
	s12 =	simm.s32 $0x80  }
0x4: {  	s29 =	simm.s32 $0x6;
	s30 =	simm.s32 $0xCE40;
	s0 =	sand.u32 $0x1, s0  }
0x5: {  	s25 =	simm.s32 $0x1;
	s4 =	sshll.u32 s2, $0x6;
	s5 =	sshll.u32 s0, $0x5  }
0x6: {  	[smem:$0x7FF] =	sst s26;
	s0 =	ssub.s32 $0x2, s0;
	s4 =	sor.u32 s5, s4  }
0x7: {  	s28 =	sadd.s32 $0x2400, s1;
	s8 =	sshrl.u32 s0, $0x1;
	s7 =	smul.u32 $0x64, s4  }
.Ltmp0:
0x8: {  	[dreg:$0x3] =	wrdreg s4;
	s0 =	ssub.s32 s0, s8;
	(pc) =	sbr.rel .LBB2_1-.Ltmp0, $4  }
0x9: {  	_ =	strace $0x80000047;
	[dreg:$0x4] =	wrdreg s28;
	s0 =	smax.u32 s0, $0x1  }
0xa: {  	s6 =	sadd.s32 $0x1B400, s1;
	s2 =	sadd.s32 s28, s7;
	[dreg:$0x7] =	wrdreg s0  }
0xb: {  	s26 =	simm.s32 $0x2;
	[dreg:$0x5] =	wrdreg s2;
	s31 =	sadd.s32 $0x64, s2  }
0xc: {  	s8 =	sadd.s32 $0xDEA00, s1;
	s2 =	simm.s32 $0x0;
	[dreg:$0x6] =	wrdreg s31  }
.LBB2_15:
0xd: {  	s0 =	simm.s32 $0x3  }
0xe: {  	_ =	swait.ge [sflag:s0], $0xC800  }
0xf: {  	[sflag:s0] =	ssyncset.done $0x0  }
0x10: {  	s1 =	simm.s32 $0x4;
	[sflag:s0] =	ssyncadd.s32 $0xFFFF3800  }
0x11: {  	_ =	swait.ge [sflag:s1], $0xC800  }
0x12: {  	s2 =	rddreg [dreg:$0x8]  }
0x13: {  	s31 =	rddreg [dreg:$0x7];
	s2 =	sadd.s32 $0x1, s2  }
0x14: {  	p0 =	sne.s32 s2, s31  }
.Ltmp1:
0x15: {  	_ = 	snop;
	(pc) =	sbr.rel @!p0 .LBB2_16-.Ltmp1, $3  }
0x16: {  	_ =	sdelay $0x1  }
0x17: {  	[sflag:s1] =	ssyncset.done $0x0  }
0x18: {  	[sflag:s1] =	ssyncadd.s32 $0xFFFF3800  }
.LBB2_1:
0x19: {  	[dreg:$0x8] =	wrdreg s2  }
0x1a: {  	s0 =	simm.s32 $0x0;
	s1 =	rddreg [dreg:$0x5];
	s10 =	simm.s32 $0x7  }
0x1b: {  	[tilespmem:s0], [sflag:$0x7] =	stream.linear.gather [hbm4b:s1+s0], $0x320, $0x38;
	[tilespmem:$0x19640] =	vst v63  }
0x1c: {  	_ =	swait.ge [sflag:s10], $0x320  }
0x1d: {  	[sflag:s10] =	ssyncset.done $0x0  }
0x1e: {  	s11 =	simm.s32 $0x640;
	[sflag:s10] =	ssyncadd.s32 $0xFFFFFCE0  }
0x1f: {  	[tilespmem:s11], [sflag:$0x1] =	stream.indirect.gather [hbm4b:s6+s12], $0x40, s0, s12, $0xb8;
	[tilespmem:$0x19640] =	vst v63  }
0x20: {  	s13 =	simm.s32 $0x48;
	s14 =	simm.s32 $0x2640  }
0x21: {  	[tilespmem:s14], [sflag:$0x1] =	stream.indirect.gather [hbm4b:s6+s13], $0x40, s12, s13, $0xb8;
	[tilespmem:$0x19640] =	vst v63  }
0x22: {  	s15 =	simm.s32 $0xC8;
	s16 =	simm.s32 $0x3840  }
0x23: {  	[tilespmem:s16], [sflag:$0x1] =	stream.indirect.gather [hbm4b:s8+s12], $0x40, s15, s12, $0xb8;
	[tilespmem:$0x19640] =	vst v63  }
0x24: {  	s17 =	simm.s32 $0x148;
	s18 =	simm.s32 $0x5840  }
0x25: {  	[tilespmem:s18], [sflag:$0x1] =	stream.indirect.gather [hbm4b:s8+s12], $0x40, s17, s12, $0xb8;
	[tilespmem:$0x19640] =	vst v63  }
0x26: {  	s19 =	simm.s32 $0x1C8;
	s20 =	simm.s32 $0x7840  }
0x27: {  	[tilespmem:s20], [sflag:$0x1] =	stream.indirect.gather [hbm4b:s8+s12], $0x40, s19, s12, $0xb8;
	[tilespmem:$0x19640] =	vst v63  }
0x28: {  	s21 =	simm.s32 $0x248;
	s22 =	simm.s32 $0x9840  }
0x29: {  	[tilespmem:s22], [sflag:$0x1] =	stream.indirect.gather [hbm4b:s8+s12], $0x40, s21, s12, $0xb8;
	[tilespmem:$0x19640] =	vst v63  }
.Ltmp2:
0x2a: {  	_ = 	snop;
	(pc) =	sbr.rel .LBB2_2-.Ltmp2, $4  }
0x2b: {  	s23 =	simm.s32 $0x58;
	s24 =	simm.s32 $0x2C8;
	s4 =	simm.s32 $0xB840  }
0x2c: {  	[tilespmem:s4], [sflag:$0x1] =	stream.indirect.gather [hbm4b:s8+s23], $0x40, s24, s23, $0xb8;
	[tilespmem:$0x19640] =	vst v63  }
0x2d: {  	s31 =	simm.s32 $0x320;
	s28 =	rddreg [dreg:$0x6];
	s11 =	simm.s32 $0x0  }
0x2e: {  	[tilespmem:s31], [sflag:$0x6] =	stream.linear.gather [hbm4b:s28+s0], $0x320, $0x38;
	[tilespmem:$0x19640] =	vst v63  }
.LBB2_14:
0x2f: {  	s0 =	sadd.s32 @!p1 $0x12C, s10;
	s1 =	simm.s32 @!p1 $0x320;
	s11 =	sadd.s32 $0x1, s11  }
0x30: {  	[tilespmem:s1], [sflag:$0x6] =	stream.linear.gather @!p1 [hbm4b:s0+s7], $0x320, $0x38;
	[tilespmem:$0x19640] =	vst v63  }
0x31: {  	s2 =	smul.u32 $0xC800, s9;
	p0 =	sne.s32 s11, $0x10  }
.Ltmp3:
0x32: {  	_ = 	snop;
	(pc) =	sbr.rel @!p0 .LBB2_15-.Ltmp3, $4  }
0x33: {  	s28 =	sshrl.u32 s2, $0x3  }
0x34: {  	s0 =	sadd.s32 s3, s28  }
0x35: {  	s31 =	simm.s32 $0x0;
	s0 =	sadd.s32 $0x1900, s0  }
0x36: {  	[hbm4b:s0+s31] =	stream.linear.scatter [tilespmem:s30], [sflag:$0x4], $0xC800, $0x38;
	[tilespmem:$0x19640] =	vst v63  }
.LBB2_2:
0x37: {  	s7 =	simm.s32 $0x0  }
0x38: {  	v0 =	vimm.s32 $0x1;
	s1 =	simm.s32 $0x40;
	v1 =	vld [tilespmem:s7+$0x0]  }
.LBB2_3:
0x39: {  	p0 =	sne.s32 s1, $0xC40  }
.Ltmp4:
0x3a: {  	_ = 	snop;
	(pc) =	sbr.rel @p0 .LBB2_3-.Ltmp4, $3  }
0x3b: {  	_ =	sdelay $0x1  }
0x3c: {  	s7 =	sshra.s32 s1, $0x2;
	s1 =	sadd.s32 $0x40, s1;
	vm0 =	vlt.s32 v0, v1  }
0x3d: {  	v0 =	vsel vm0, v0, v1;
	v1 =	vld [tilespmem:s7+$0x0]  }
0x3e: {  	_ =	sdelay $0x3  }
0x3f: {  	vm0 =	vlt.s32 v0, v1  }
0x40: {  	v0 =	vsel vm0, v0, v1  }
0x41: {  	(v2sf) =	vpush v0, $0x0  }
0x42: {  	(v2sf) =	vpush v0, $0x1;
	_ =	sdelay $0x1  }
0x43: {  	(v2sf) =	vpush v0, $0x2;
	_ =	sdelay $0x1  }
0x44: {  	(v2sf) =	vpush v0, $0x3;
	_ =	sdelay $0x1  }
0x45: {  	(v2sf) =	vpush v0, $0x4  }
0x46: {  	(v2sf) =	vpush v0, $0x5  }
0x47: {  	(v2sf) =	vpush v0, $0x6  }
0x48: {  	(v2sf) =	vpush v0, $0x7  }
0x49: {  	(v2sf) =	vpush v0, $0x8  }
0x4a: {  	(v2sf) =	vpush v0, $0x9  }
0x4b: {  	(v2sf) =	vpush v0, $0xA  }
0x4c: {  	(v2sf) =	vpush v0, $0xB  }
0x4d: {  	s1 =	spop (v2sf);
	(v2sf) =	vpush v0, $0xC  }
0x4e: {  	s7 =	spop (v2sf);
	(v2sf) =	vpush v0, $0xD  }
0x4f: {  	p0 =	slt.s32 s1, s7;
	(v2sf) =	vpush v0, $0xE  }
0x50: {  	s7 =	smov.u32 @p0 s1;
	s1 =	spop (v2sf);
	(v2sf) =	vpush v0, $0xF  }
0x51: {  	p0 =	slt.s32 s7, s1  }
0x52: {  	s9 =	spop (v2sf);
	s1 =	smov.u32 @p0 s7  }
0x53: {  	p0 =	slt.s32 s1, s9  }
0x54: {  	s7 =	spop (v2sf);
	s9 =	smov.u32 @p0 s1  }
0x55: {  	s1 =	spop (v2sf);
	p0 =	slt.s32 s9, s7  }
0x56: {  	s10 =	spop (v2sf);
	s7 =	smov.u32 @p0 s9  }
0x57: {  	s9 =	spop (v2sf);
	p0 =	slt.s32 s7, s1  }
0x58: {  	s31 =	spop (v2sf);
	s1 =	smov.u32 @p0 s7  }
0x59: {  	s7 =	spop (v2sf);
	p0 =	slt.s32 s1, s10  }
0x5a: {  	s0 =	spop (v2sf);
	s10 =	smov.u32 @p0 s1  }
0x5b: {  	s1 =	spop (v2sf);
	p0 =	slt.s32 s10, s9  }
0x5c: {  	s15 =	spop (v2sf);
	s9 =	smov.u32 @p0 s10  }
0x5d: {  	s10 =	spop (v2sf);
	p0 =	slt.s32 s9, s31  }
0x5e: {  	s16 =	spop (v2sf);
	s31 =	smov.u32 @p0 s9  }
0x5f: {  	p0 =	slt.s32 s31, s7;
	s9 =	spop (v2sf)  }
0x60: {  	s7 =	smov.u32 @p0 s31;
	_ =	swait.ge [sflag:s29], $0x320  }
0x61: {  	p1 =	seq.s32 s11, $0x0;
	p0 =	slt.s32 s7, s0;
	[sflag:s29] =	ssyncset.done $0x0  }
0x62: {  	s0 =	smov.u32 @p0 s7;
	[sflag:s29] =	ssyncadd.s32 $0xFFFFFCE0;
	s7 =	simm.s32 @!p1 $0x4  }
0x63: {  	p0 =	slt.s32 s0, s1;
	_ =	swait.ge @!p1 [sflag:s7], $0xC800  }
0x64: {  	s1 =	smov.u32 @p0 s0;
	[sflag:s7] =	ssyncset.done @!p1 $0x0  }
0x65: {  	s5 =	simm.s32 $0x320;
	[sflag:s7] =	ssyncadd.s32 @!p1 $0xFFFF3800;
	p0 =	slt.s32 s1, s15  }
0x66: {  	[tilespmem:s30], [sflag:$0x2] =	stream.indirect.gather [hbm4b:s6+s12], $0x40, s5, s12, $0xb8;
	[tilespmem:$0x19640] =	vst v63  }
0x67: {  	s13 =	simm.s32 $0x3A0;
	s15 =	smov.u32 @p0 s1  }
0x68: {  	s2 =	simm.s32 $0xEE40;
	s7 =	simm.s32 $0x48;
	p0 =	slt.s32 s15, s10  }
0x69: {  	[tilespmem:s2], [sflag:$0x2] =	stream.indirect.gather [hbm4b:s6+s7], $0x40, s13, s7, $0xb8;
	[tilespmem:$0x19640] =	vst v63  }
0x6a: {  	s10 =	smov.u32 @p0 s15  }
0x6b: {  	s14 =	simm.s32 $0x3E8;
	s17 =	simm.s32 $0x10040;
	p0 =	slt.s32 s10, s16  }
0x6c: {  	[tilespmem:s17], [sflag:$0x2] =	stream.indirect.gather [hbm4b:s8+s12], $0x40, s14, s12, $0xb8;
	[tilespmem:$0x19640] =	vst v63  }
0x6d: {  	s18 =	simm.s32 $0x468;
	s16 =	smov.u32 @p0 s10  }
0x6e: {  	s19 =	simm.s32 $0x12040;
	s20 =	simm.s32 $0x4E8;
	p0 =	slt.s32 s16, s9  }
0x6f: {  	[tilespmem:s19], [sflag:$0x2] =	stream.indirect.gather [hbm4b:s8+s12], $0x40, s18, s12, $0xb8;
	[tilespmem:$0x19640] =	vst v63  }
0x70: {  	s21 =	simm.s32 $0x14040;
	s22 =	simm.s32 $0x568;
	s9 =	smov.u32 @p0 s16  }
0x71: {  	[tilespmem:s21], [sflag:$0x2] =	stream.indirect.gather [hbm4b:s8+s12], $0x40, s20, s12, $0xb8;
	[tilespmem:$0x19640] =	vst v63  }
0x72: {  	s23 =	simm.s32 $0x16040;
	s24 =	simm.s32 $0x58;
	p0 =	sne.s32 s9, $0x0  }
0x73: {  	[tilespmem:s23], [sflag:$0x2] =	stream.indirect.gather [hbm4b:s8+s12], $0x40, s22, s12, $0xb8;
	[tilespmem:$0x19640] =	vst v63  }
.Ltmp5:
0x74: {  	s28 =	simm.s32 $0x5E8;
	s31 =	simm.s32 $0x18040;
	(pc) =	sbr.rel @p0 .LBB2_8-.Ltmp5, $4  }
0x75: {  	[tilespmem:s31], [sflag:$0x2] =	stream.indirect.gather [hbm4b:s8+s24], $0x40, s28, s24, $0xb8;
	[tilespmem:$0x19640] =	vst v63  }
0x76: {  	_ =	swait.ge [sflag:s25], $0xC800  }
0x77: {  	[sflag:s25] =	ssyncset.done $0x0  }
0x78: {  	[sflag:s25] =	ssyncadd.s32 $0xFFFF3800  }
0x79: {  	s0 =	simm.s32 $0x0  }
0x7a: {  	v0 =	vld [tilespmem:s0+$0x0];
	_ =	sdelay $0x4  }
0x7b: {  	(v2sf) =	vpush v0, $0x0;
	_ =	sdelay $0x3  }
0x7c: {  	(v2sf) =	vpush v0, $0x1;
	_ =	sdelay $0x3  }
0x7d: {  	(v2sf) =	vpush v0, $0x2;
	_ =	sdelay $0x3  }
0x7e: {  	(v2sf) =	vpush v0, $0x3;
	_ =	sdelay $0x2  }
0x7f: {  	s9 =	spop (v2sf)  }
0x80: {  	(v2sf) =	vpush v0, $0x4;
	p0 =	sne.s32 s9, $0x0  }
0x81: {  	s7 =	simm.s32 $0x840;
	v1 =	vimm.f32 @!p0 $0.0e+00  }
0x82: {  	[tilespmem:s7+$0xFFFFFE00] =	vst @!p0 v1  }
0x83: {  	s10 =	spop (v2sf);
	[tilespmem:s7+$0xFFFFFE10] =	vst @!p0 v1  }
0x84: {  	(v2sf) =	vpush v0, $0x5;
	p1 =	sne.s32 s10, $0x0;
	[tilespmem:s7+$0xFFFFFE20] =	vst @!p0 v1  }
0x85: {  	v2 =	vimm.f32 @!p1 $0.0e+00;
	[tilespmem:s7+$0xFFFFFE30] =	vst @!p0 v1  }
0x86: {  	[tilespmem:s7+$0xFFFFFE40] =	vst @!p1 v2  }
0x87: {  	s13 =	spop (v2sf);
	[tilespmem:s7+$0xFFFFFE50] =	vst @!p1 v2  }
0x88: {  	(v2sf) =	vpush v0, $0x6;
	p0 =	sne.s32 s13, $0x0;
	[tilespmem:s7+$0xFFFFFE60] =	vst @!p1 v2  }
0x89: {  	v1 =	vimm.f32 @!p0 $0.0e+00;
	[tilespmem:s7+$0xFFFFFE70] =	vst @!p1 v2  }
0x8a: {  	[tilespmem:s7+$0xFFFFFE80] =	vst @!p0 v1  }
0x8b: {  	s14 =	spop (v2sf);
	[tilespmem:s7+$0xFFFFFE90] =	vst @!p0 v1  }
0x8c: {  	(v2sf) =	vpush v0, $0x7;
	p1 =	sne.s32 s14, $0x0;
	[tilespmem:s7+$0xFFFFFEA0] =	vst @!p0 v1  }
0x8d: {  	v2 =	vimm.f32 @!p1 $0.0e+00;
	[tilespmem:s7+$0xFFFFFEB0] =	vst @!p0 v1  }
0x8e: {  	[tilespmem:s7+$0xFFFFFEC0] =	vst @!p1 v2  }
0x8f: {  	[tilespmem:s7+$0xFFFFFED0] =	vst @!p1 v2;
	s15 =	spop (v2sf)  }
0x90: {  	[tilespmem:s7+$0xFFFFFEE0] =	vst @!p1 v2;
	(v2sf) =	vpush v0, $0x8;
	p0 =	sne.s32 s15, $0x0  }
0x91: {  	[tilespmem:s7+$0xFFFFFEF0] =	vst @!p1 v2;
	v1 =	vimm.f32 @!p0 $0.0e+00  }
0x92: {  	[tilespmem:s7+$0xFFFFFF00] =	vst @!p0 v1  }
0x93: {  	s16 =	spop (v2sf);
	[tilespmem:s7+$0xFFFFFF10] =	vst @!p0 v1  }
0x94: {  	(v2sf) =	vpush v0, $0x9;
	p1 =	sne.s32 s16, $0x0;
	[tilespmem:s7+$0xFFFFFF20] =	vst @!p0 v1  }
0x95: {  	v2 =	vimm.f32 @!p1 $0.0e+00;
	[tilespmem:s7+$0xFFFFFF30] =	vst @!p0 v1  }
0x96: {  	[tilespmem:s7+$0xFFFFFF40] =	vst @!p1 v2  }
0x97: {  	s17 =	spop (v2sf);
	[tilespmem:s7+$0xFFFFFF50] =	vst @!p1 v2  }
0x98: {  	(v2sf) =	vpush v0, $0xA;
	p0 =	sne.s32 s17, $0x0;
	[tilespmem:s7+$0xFFFFFF60] =	vst @!p1 v2  }
0x99: {  	v1 =	vimm.f32 @!p0 $0.0e+00;
	[tilespmem:s7+$0xFFFFFF70] =	vst @!p1 v2  }
0x9a: {  	[tilespmem:s7+$0xFFFFFF80] =	vst @!p0 v1  }
0x9b: {  	s18 =	spop (v2sf);
	[tilespmem:s7+$0xFFFFFF90] =	vst @!p0 v1  }
0x9c: {  	(v2sf) =	vpush v0, $0xB;
	p1 =	sne.s32 s18, $0x0;
	[tilespmem:s7+$0xFFFFFFA0] =	vst @!p0 v1  }
0x9d: {  	v2 =	vimm.f32 @!p1 $0.0e+00;
	[tilespmem:s7+$0xFFFFFFB0] =	vst @!p0 v1  }
0x9e: {  	[tilespmem:s7+$0xFFFFFFC0] =	vst @!p1 v2  }
0x9f: {  	[tilespmem:s7+$0xFFFFFFD0] =	vst @!p1 v2;
	s19 =	spop (v2sf)  }
0xa0: {  	[tilespmem:s7+$0xFFFFFFE0] =	vst @!p1 v2;
	(v2sf) =	vpush v0, $0xC;
	p0 =	sne.s32 s19, $0x0  }
0xa1: {  	[tilespmem:s7+$0xFFFFFFF0] =	vst @!p1 v2;
	v1 =	vimm.f32 @!p0 $0.0e+00  }
0xa2: {  	[tilespmem:s7+$0x0] =	vst @!p0 v1  }
0xa3: {  	s20 =	spop (v2sf);
	[tilespmem:s7+$0x10] =	vst @!p0 v1  }
0xa4: {  	(v2sf) =	vpush v0, $0xD;
	p1 =	sne.s32 s20, $0x0;
	[tilespmem:s7+$0x20] =	vst @!p0 v1  }
0xa5: {  	v2 =	vimm.f32 @!p1 $0.0e+00;
	[tilespmem:s7+$0x30] =	vst @!p0 v1  }
0xa6: {  	[tilespmem:s7+$0x40] =	vst @!p1 v2  }
0xa7: {  	s21 =	spop (v2sf);
	[tilespmem:s7+$0x50] =	vst @!p1 v2  }
0xa8: {  	(v2sf) =	vpush v0, $0xE;
	p0 =	sne.s32 s21, $0x0;
	[tilespmem:s7+$0x60] =	vst @!p1 v2  }
0xa9: {  	v1 =	vimm.f32 @!p0 $0.0e+00;
	[tilespmem:s7+$0x70] =	vst @!p1 v2  }
0xaa: {  	[tilespmem:s7+$0x80] =	vst @!p0 v1  }
0xab: {  	s22 =	spop (v2sf);
	[tilespmem:s7+$0x90] =	vst @!p0 v1  }
0xac: {  	(v2sf) =	vpush v0, $0xF;
	p1 =	sne.s32 s22, $0x0;
	[tilespmem:s7+$0xA0] =	vst @!p0 v1  }
0xad: {  	v0 =	vimm.f32 @!p1 $0.0e+00;
	[tilespmem:s7+$0xB0] =	vst @!p0 v1  }
0xae: {  	[tilespmem:s7+$0xC0] =	vst @!p1 v0  }
0xaf: {  	[tilespmem:s7+$0xD0] =	vst @!p1 v0;
	s23 =	spop (v2sf)  }
0xb0: {  	[tilespmem:s7+$0xE0] =	vst @!p1 v0;
	p0 =	sne.s32 s23, $0x0  }
0xb1: {  	[tilespmem:s7+$0xF0] =	vst @!p1 v0;
	v1 =	vimm.f32 @!p0 $0.0e+00  }
0xb2: {  	[tilespmem:s7+$0x100] =	vst @!p0 v1  }
0xb3: {  	s24 =	spop (v2sf);
	[tilespmem:s7+$0x110] =	vst @!p0 v1  }
0xb4: {  	p1 =	sne.s32 s24, $0x0;
	[tilespmem:s7+$0x120] =	vst @!p0 v1  }
0xb5: {  	v0 =	vimm.f32 @!p1 $0.0e+00;
	[tilespmem:s7+$0x130] =	vst @!p0 v1  }
0xb6: {  	[tilespmem:s7+$0x140] =	vst @!p1 v0  }
0xb7: {  	s28 =	spop (v2sf);
	[tilespmem:s7+$0x150] =	vst @!p1 v0  }
0xb8: {  	p0 =	sne.s32 s28, $0x0;
	[tilespmem:s7+$0x160] =	vst @!p1 v0  }
0xb9: {  	v1 =	vimm.f32 @!p0 $0.0e+00;
	[tilespmem:s7+$0x170] =	vst @!p1 v0  }
0xba: {  	[tilespmem:s7+$0x180] =	vst @!p0 v1  }
0xbb: {  	s31 =	spop (v2sf);
	[tilespmem:s7+$0x190] =	vst @!p0 v1  }
0xbc: {  	p3 =	sne.s32 s31, $0x0;
	[tilespmem:s7+$0x1A0] =	vst @!p0 v1  }
0xbd: {  	[tilespmem:s7+$0x1B0] =	vst @!p0 v1;
	v0 =	vimm.f32 @!p3 $0.0e+00  }
0xbe: {  	[tilespmem:s7+$0x1C0] =	vst @!p3 v0  }
0xbf: {  	[tilespmem:s7+$0x1D0] =	vst @!p3 v0  }
0xc0: {  	s9 =	simm.s32 $0x40;
	[tilespmem:s7+$0x1E0] =	vst @!p3 v0  }
.LBB2_6:
0xc1: {  	s0 =	sshra.s32 s9, $0x2;
	[tilespmem:s7+$0x1F0] =	vst @!p3 v0  }
0xc2: {  	v0 =	vld [tilespmem:s0+$0x0];
	_ =	sdelay $0x4  }
0xc3: {  	(v2sf) =	vpush v0, $0x0;
	_ =	sdelay $0x2  }
0xc4: {  	(v2sf) =	vpush v0, $0x1  }
0xc5: {  	(v2sf) =	vpush v0, $0x2  }
0xc6: {  	(v2sf) =	vpush v0, $0x3  }
0xc7: {  	(v2sf) =	vpush v0, $0x4  }
0xc8: {  	(v2sf) =	vpush v0, $0x5  }
0xc9: {  	(v2sf) =	vpush v0, $0x6  }
0xca: {  	(v2sf) =	vpush v0, $0x7  }
0xcb: {  	(v2sf) =	vpush v0, $0x8  }
0xcc: {  	(v2sf) =	vpush v0, $0x9  }
0xcd: {  	(v2sf) =	vpush v0, $0xA  }
0xce: {  	(v2sf) =	vpush v0, $0xB  }
0xcf: {  	(v2sf) =	vpush v0, $0xC  }
0xd0: {  	(v2sf) =	vpush v0, $0xD;
	s23 =	spop (v2sf)  }
0xd1: {  	(v2sf) =	vpush v0, $0xE;
	p1 =	sne.s32 s23, $0x0  }
0xd2: {  	s7 =	sadd.s32 $0x400, s7;
	(v2sf) =	vpush v0, $0xF;
	v0 =	vimm.f32 @!p1 $0.0e+00  }
0xd3: {  	[tilespmem:s7+$0xFFFFFE00] =	vst @!p1 v0  }
0xd4: {  	s24 =	spop (v2sf);
	[tilespmem:s7+$0xFFFFFE10] =	vst @!p1 v0  }
0xd5: {  	p2 =	sne.s32 s24, $0x0;
	[tilespmem:s7+$0xFFFFFE20] =	vst @!p1 v0  }
0xd6: {  	v1 =	vimm.f32 @!p2 $0.0e+00;
	[tilespmem:s7+$0xFFFFFE30] =	vst @!p1 v0  }
0xd7: {  	[tilespmem:s7+$0xFFFFFE40] =	vst @!p2 v1  }
0xd8: {  	s28 =	spop (v2sf);
	[tilespmem:s7+$0xFFFFFE50] =	vst @!p2 v1  }
0xd9: {  	p3 =	sne.s32 s28, $0x0;
	[tilespmem:s7+$0xFFFFFE60] =	vst @!p2 v1  }
0xda: {  	v2 =	vimm.f32 @!p3 $0.0e+00;
	[tilespmem:s7+$0xFFFFFE70] =	vst @!p2 v1  }
0xdb: {  	[tilespmem:s7+$0xFFFFFE80] =	vst @!p3 v2  }
0xdc: {  	s31 =	spop (v2sf);
	[tilespmem:s7+$0xFFFFFE90] =	vst @!p3 v2  }
0xdd: {  	p6 =	sne.s32 s31, $0x0;
	[tilespmem:s7+$0xFFFFFEA0] =	vst @!p3 v2  }
0xde: {  	v3 =	vimm.f32 @!p6 $0.0e+00;
	[tilespmem:s7+$0xFFFFFEB0] =	vst @!p3 v2  }
0xdf: {  	[tilespmem:s7+$0xFFFFFEC0] =	vst @!p6 v3  }
0xe0: {  	s1 =	spop (v2sf);
	[tilespmem:s7+$0xFFFFFED0] =	vst @!p6 v3  }
0xe1: {  	p5 =	sne.s32 s1, $0x0;
	[tilespmem:s7+$0xFFFFFEE0] =	vst @!p6 v3  }
0xe2: {  	v4 =	vimm.f32 @!p5 $0.0e+00;
	[tilespmem:s7+$0xFFFFFEF0] =	vst @!p6 v3  }
0xe3: {  	[tilespmem:s7+$0xFFFFFF00] =	vst @!p5 v4  }
0xe4: {  	s2 =	spop (v2sf);
	[tilespmem:s7+$0xFFFFFF10] =	vst @!p5 v4  }
0xe5: {  	p4 =	sne.s32 s2, $0x0;
	[tilespmem:s7+$0xFFFFFF20] =	vst @!p5 v4  }
0xe6: {  	v5 =	vimm.f32 @!p4 $0.0e+00;
	[tilespmem:s7+$0xFFFFFF30] =	vst @!p5 v4  }
0xe7: {  	[tilespmem:s7+$0xFFFFFF40] =	vst @!p4 v5  }
0xe8: {  	s9 =	sadd.s32 $0x40, s9;
	s4 =	spop (v2sf);
	[tilespmem:s7+$0xFFFFFF50] =	vst @!p4 v5  }
0xe9: {  	p0 =	sne.s32 s9, $0xC80;
	p1 =	sne.s32 s4, $0x0;
	[tilespmem:s7+$0xFFFFFF60] =	vst @!p4 v5  }
0xea: {  	s0 =	simm.s32 @!p0 $0x0;
	s5 =	spop (v2sf);
	v6 =	vimm.f32 @!p1 $0.0e+00;
	[tilespmem:s7+$0xFFFFFF70] =	vst @!p4 v5  }
0xeb: {  	s0 =	simm.s32 @p0 $0x1;
	p0 =	sne.s32 s5, $0x0;
	s10 =	spop (v2sf);
	[tilespmem:s7+$0xFFFFFF80] =	vst @!p1 v6  }
0xec: {  	[smem:$0x7FD] =	sst s0;
	s0 =	simm.s32 @!p0 $0x0;
	s13 =	spop (v2sf);
	[tilespmem:s7+$0xFFFFFF90] =	vst @!p1 v6  }
0xed: {  	[tilespmem:s7+$0xFFFFFFA0] =	vst @!p1 v6;
	s0 =	simm.s32 @p0 $0x1;
	p2 =	sne.s32 s13, $0x0  }
0xee: {  	[tilespmem:s7+$0xFFFFFFB0] =	vst @!p1 v6;
	[smem:$0x7F7] =	sst s0;
	v8 =	vimm.f32 @!p2 $0.0e+00  }
0xef: {  	v7 =	vimm.f32 @!p0 $0.0e+00;
	p0 =	sne.s32 s10, $0x0;
	s20 =	sld [smem:$0x7F7];
	[tilespmem:s7+$0x40] =	vst @!p2 v8  }
0xf0: {  	s0 =	simm.s32 @!p0 $0x0;
	[tilespmem:s7+$0x50] =	vst @!p2 v8  }
0xf1: {  	s0 =	simm.s32 @p0 $0x1;
	[tilespmem:s7+$0x60] =	vst @!p2 v8  }
0xf2: {  	[tilespmem:s7+$0x70] =	vst @!p2 v8;
	[smem:$0x7F8] =	sst s0;
	p1 =	seq.s32 s20, $0x1  }
0xf3: {  	s14 =	spop (v2sf);
	s21 =	sld [smem:$0x7F8];
	[tilespmem:s7+$0xFFFFFFC0] =	vst @!p1 v7  }
0xf4: {  	s15 =	spop (v2sf);
	[tilespmem:s7+$0xFFFFFFD0] =	vst @!p1 v7  }
0xf5: {  	s16 =	spop (v2sf);
	[tilespmem:s7+$0xFFFFFFE0] =	vst @!p1 v7  }
0xf6: {  	v1 =	vimm.f32 @!p0 $0.0e+00;
	p0 =	sne.s32 s14, $0x0;
	s17 =	spop (v2sf);
	[tilespmem:s7+$0xFFFFFFF0] =	vst @!p1 v7;
	p1 =	seq.s32 s21, $0x1  }
0xf7: {  	s0 =	simm.s32 @!p0 $0x0;
	s18 =	spop (v2sf);
	[tilespmem:s7+$0x0] =	vst @!p1 v1  }
0xf8: {  	s0 =	simm.s32 @p0 $0x1;
	s19 =	spop (v2sf);
	[tilespmem:s7+$0x10] =	vst @!p1 v1  }
0xf9: {  	[smem:$0x7F9] =	sst s0;
	p3 =	sne.s32 s19, $0x0;
	[tilespmem:s7+$0x20] =	vst @!p1 v1  }
0xfa: {  	v9 =	vimm.f32 @!p0 $0.0e+00;
	p0 =	sne.s32 s15, $0x0;
	s22 =	sld [smem:$0x7F9];
	v0 =	vimm.f32 @!p3 $0.0e+00;
	[tilespmem:s7+$0x30] =	vst @!p1 v1  }
0xfb: {  	s0 =	simm.s32 @!p0 $0x0;
	[tilespmem:s7+$0x1C0] =	vst @!p3 v0  }
0xfc: {  	s0 =	simm.s32 @p0 $0x1;
	[tilespmem:s7+$0x1D0] =	vst @!p3 v0  }
0xfd: {  	[smem:$0x7FA] =	sst s0;
	[tilespmem:s7+$0x1E0] =	vst @!p3 v0;
	p1 =	seq.s32 s22, $0x1  }
0xfe: {  	s23 =	sld [smem:$0x7FA];
	[tilespmem:s7+$0x80] =	vst @!p1 v9  }
0xff: {  	[tilespmem:s7+$0x90] =	vst @!p1 v9  }
0x100: {  	v10 =	vimm.f32 @!p0 $0.0e+00;
	p0 =	sne.s32 s16, $0x0;
	[tilespmem:s7+$0xA0] =	vst @!p1 v9  }
0x101: {  	s0 =	simm.s32 @!p0 $0x0;
	[tilespmem:s7+$0xB0] =	vst @!p1 v9;
	p1 =	seq.s32 s23, $0x1  }
0x102: {  	v2 =	vimm.f32 @!p0 $0.0e+00;
	s0 =	simm.s32 @p0 $0x1;
	p0 =	sne.s32 s17, $0x0;
	[tilespmem:s7+$0xC0] =	vst @!p1 v10  }
0x103: {  	[smem:$0x7FB] =	sst s0;
	s0 =	simm.s32 @!p0 $0x0;
	[tilespmem:s7+$0xD0] =	vst @!p1 v10  }
0x104: {  	v11 =	vimm.f32 @!p0 $0.0e+00;
	s0 =	simm.s32 @p0 $0x1;
	p0 =	sne.s32 s18, $0x0;
	[tilespmem:s7+$0xE0] =	vst @!p1 v10  }
0x105: {  	v12 =	vimm.f32 @!p0 $0.0e+00;
	[tilespmem:s7+$0xF0] =	vst @!p1 v10  }
0x106: {  	s24 =	sld [smem:$0x7FB];
	[tilespmem:s7+$0x180] =	vst @!p0 v12  }
0x107: {  	[tilespmem:s7+$0x190] =	vst @!p0 v12  }
0x108: {  	s31 =	sld [smem:$0x7FD];
	[tilespmem:s7+$0x1A0] =	vst @!p0 v12  }
0x109: {  	[smem:$0x7FC] =	sst s0;
	[tilespmem:s7+$0x1B0] =	vst @!p0 v12;
	p1 =	seq.s32 s24, $0x1  }
0x10a: {  	s28 =	sld [smem:$0x7FC];
	[tilespmem:s7+$0x100] =	vst @!p1 v2  }
0x10b: {  	[tilespmem:s7+$0x110] =	vst @!p1 v2  }
0x10c: {  	p0 =	seq.s32 s31, $0x1;
	[tilespmem:s7+$0x120] =	vst @!p1 v2  }
.Ltmp6:
0x10d: {  	[tilespmem:s7+$0x130] =	vst @!p1 v2;
	p1 =	seq.s32 s28, $0x1;
	(pc) =	sbr.rel @p0 .LBB2_6-.Ltmp6, $4  }
0x10e: {  	[tilespmem:s7+$0x140] =	vst @!p1 v11  }
0x10f: {  	[tilespmem:s7+$0x150] =	vst @!p1 v11  }
0x110: {  	[tilespmem:s7+$0x160] =	vst @!p1 v11  }
0x111: {  	[tilespmem:s7+$0x170] =	vst @!p1 v11  }
0x112: {  	[tilespmem:s7+$0x1F0] =	vst @!p3 v0  }
.LBB2_8:
0x113: {  	s0 =	sshll.u32 s11, $0x1;
	s1 =	rddreg [dreg:$0x3]  }
0x114: {  	p1 =	seq.s32 s11, $0xF;
	s9 =	sadd.s32 s1, s0  }
0x115: {  	s0 =	smul.u32 @!p1 $0x320, s9;
	_ =	sdelay $0x1  }
0x116: {  	s1 =	rddreg [dreg:$0x4];
	s0 =	sshrl.u32 @!p1 s0, $0x3  }
0x117: {  	s28 =	simm.s32 $0x0;
	s10 =	sadd.s32 @!p1 s1, s0  }
0x118: {  	s7 =	smul.u32 $0x1900, s9;
	s1 =	simm.s32 @!p1 $0x0;
	s0 =	sadd.s32 @!p1 $0xC8, s10  }
0x119: {  	[tilespmem:s1], [sflag:$0x5] =	stream.linear.gather @!p1 [hbm4b:s0+s1], $0x320, $0x38;
	[tilespmem:$0x19640] =	vst v63  }
0x11a: {  	s2 =	simm.s32 $0x640;
	s31 =	simm.s32 $0x0;
	s24 =	sadd.s32 s3, s7  }
0x11b: {  	[hbm4b:s24+s28] =	stream.linear.scatter [tilespmem:s2], [sflag:$0x3], $0xC800, $0x38;
	[tilespmem:$0x19640] =	vst v63  }
0x11c: {  	s5 =	smov.u32 s3;
	v0 =	vimm.s32 $0x1;
	s1 =	simm.s32 $0x40;
	v1 =	vld [tilespmem:s31+$0x320]  }
.LBB2_9:
0x11d: {  	p0 =	sne.s32 s1, $0xC40  }
.Ltmp7:
0x11e: {  	_ = 	snop;
	(pc) =	sbr.rel @p0 .LBB2_9-.Ltmp7, $3  }
0x11f: {  	_ =	sdelay $0x1  }
0x120: {  	s0 =	sshra.s32 s1, $0x2;
	s1 =	sadd.s32 $0x40, s1;
	vm0 =	vlt.s32 v0, v1  }
0x121: {  	v0 =	vsel vm0, v0, v1;
	v1 =	vld [tilespmem:s0+$0x320]  }
0x122: {  	_ =	sdelay $0x3  }
0x123: {  	vm0 =	vlt.s32 v0, v1  }
0x124: {  	v0 =	vsel vm0, v0, v1  }
0x125: {  	(v2sf) =	vpush v0, $0x0  }
0x126: {  	(v2sf) =	vpush v0, $0x1  }
0x127: {  	(v2sf) =	vpush v0, $0x2  }
0x128: {  	(v2sf) =	vpush v0, $0x3  }
0x129: {  	(v2sf) =	vpush v0, $0x4  }
0x12a: {  	(v2sf) =	vpush v0, $0x5  }
0x12b: {  	(v2sf) =	vpush v0, $0x6  }
0x12c: {  	(v2sf) =	vpush v0, $0x7  }
0x12d: {  	(v2sf) =	vpush v0, $0x8  }
0x12e: {  	(v2sf) =	vpush v0, $0x9  }
0x12f: {  	(v2sf) =	vpush v0, $0xA  }
0x130: {  	(v2sf) =	vpush v0, $0xB  }
0x131: {  	(v2sf) =	vpush v0, $0xC  }
0x132: {  	(v2sf) =	vpush v0, $0xD  }
0x133: {  	(v2sf) =	vpush v0, $0xE  }
0x134: {  	s0 =	spop (v2sf);
	(v2sf) =	vpush v0, $0xF  }
0x135: {  	s15 =	spop (v2sf)  }
0x136: {  	s16 =	spop (v2sf);
	p0 =	slt.s32 s0, s15  }
0x137: {  	s31 =	spop (v2sf);
	s15 =	smov.u32 @p0 s0  }
0x138: {  	s17 =	spop (v2sf);
	p0 =	slt.s32 s15, s16  }
0x139: {  	s18 =	spop (v2sf);
	s16 =	smov.u32 @p0 s15  }
0x13a: {  	s19 =	spop (v2sf);
	p0 =	slt.s32 s16, s31  }
0x13b: {  	s20 =	spop (v2sf);
	s31 =	smov.u32 @p0 s16  }
0x13c: {  	s21 =	spop (v2sf);
	p0 =	slt.s32 s31, s17  }
0x13d: {  	s22 =	spop (v2sf);
	s17 =	smov.u32 @p0 s31  }
0x13e: {  	s23 =	spop (v2sf);
	p0 =	slt.s32 s17, s18  }
0x13f: {  	s13 =	spop (v2sf);
	s18 =	smov.u32 @p0 s17  }
0x140: {  	s14 =	spop (v2sf);
	p0 =	slt.s32 s18, s19  }
0x141: {  	s24 =	spop (v2sf);
	s19 =	smov.u32 @p0 s18  }
0x142: {  	s28 =	spop (v2sf);
	p0 =	slt.s32 s19, s20  }
0x143: {  	s7 =	simm.s32 @!p1 $0x5;
	s1 =	spop (v2sf);
	s20 =	smov.u32 @p0 s19  }
0x144: {  	_ =	swait.ge @!p1 [sflag:s7], $0x320;
	p0 =	slt.s32 s20, s21  }
0x145: {  	[sflag:s7] =	ssyncset.done @!p1 $0x0;
	s21 =	smov.u32 @p0 s20  }
0x146: {  	[sflag:s7] =	ssyncadd.s32 @!p1 $0xFFFFFCE0;
	s7 =	simm.s32 @!p1 $0x3;
	p0 =	slt.s32 s21, s22  }
0x147: {  	s3 =	simm.s32 @!p1 $0x80;
	_ =	swait.ge @!p1 [sflag:s7], $0xC800;
	s22 =	smov.u32 @p0 s21  }
0x148: {  	s2 =	simm.s32 @!p1 $0x640;
	[sflag:s7] =	ssyncset.done @!p1 $0x0;
	p0 =	slt.s32 s22, s23  }
0x149: {  	[sflag:s7] =	ssyncadd.s32 @!p1 $0xFFFF3800;
	s7 =	simm.s32 @!p1 $0x0;
	s23 =	smov.u32 @p0 s22  }
0x14a: {  	[tilespmem:s2], [sflag:$0x1] =	stream.indirect.gather @!p1 [hbm4b:s6+s3], $0x40, s7, s3, $0xb8;
	[tilespmem:$0x19640] =	vst v63  }
0x14b: {  	p0 =	slt.s32 s23, s13  }
0x14c: {  	s4 =	simm.s32 @!p1 $0x2640;
	s2 =	simm.s32 @!p1 $0x48;
	s13 =	smov.u32 @p0 s23  }
0x14d: {  	[tilespmem:s4], [sflag:$0x1] =	stream.indirect.gather @!p1 [hbm4b:s6+s2], $0x40, s3, s2, $0xb8;
	[tilespmem:$0x19640] =	vst v63  }
0x14e: {  	p0 =	slt.s32 s13, s14  }
0x14f: {  	s2 =	simm.s32 @!p1 $0xC8;
	s4 =	simm.s32 @!p1 $0x3840;
	s14 =	smov.u32 @p0 s13  }
0x150: {  	[tilespmem:s4], [sflag:$0x1] =	stream.indirect.gather @!p1 [hbm4b:s8+s3], $0x40, s2, s3, $0xb8;
	[tilespmem:$0x19640] =	vst v63  }
0x151: {  	p0 =	slt.s32 s14, s24  }
0x152: {  	s2 =	simm.s32 @!p1 $0x148;
	s4 =	simm.s32 @!p1 $0x5840;
	s24 =	smov.u32 @p0 s14  }
0x153: {  	[tilespmem:s4], [sflag:$0x1] =	stream.indirect.gather @!p1 [hbm4b:s8+s3], $0x40, s2, s3, $0xb8;
	[tilespmem:$0x19640] =	vst v63  }
0x154: {  	p0 =	slt.s32 s24, s28  }
0x155: {  	s2 =	simm.s32 @!p1 $0x1C8;
	s4 =	simm.s32 @!p1 $0x7840;
	s28 =	smov.u32 @p0 s24  }
0x156: {  	[tilespmem:s4], [sflag:$0x1] =	stream.indirect.gather @!p1 [hbm4b:s8+s3], $0x40, s2, s3, $0xb8;
	[tilespmem:$0x19640] =	vst v63  }
0x157: {  	p0 =	slt.s32 s28, s1  }
0x158: {  	s2 =	simm.s32 @!p1 $0x248;
	s4 =	simm.s32 @!p1 $0x9840;
	s1 =	smov.u32 @p0 s28  }
0x159: {  	[tilespmem:s4], [sflag:$0x1] =	stream.indirect.gather @!p1 [hbm4b:s8+s3], $0x40, s2, s3, $0xb8;
	[tilespmem:$0x19640] =	vst v63  }
0x15a: {  	s2 =	simm.s32 @!p1 $0x58;
	p0 =	sne.s32 s1, $0x0  }
.Ltmp8:
0x15b: {  	s3 =	simm.s32 @!p1 $0x2C8;
	s4 =	simm.s32 @!p1 $0xB840;
	(pc) =	sbr.rel @p0 .LBB2_14-.Ltmp8, $4  }
0x15c: {  	[tilespmem:s4], [sflag:$0x1] =	stream.indirect.gather @!p1 [hbm4b:s8+s2], $0x40, s3, s2, $0xb8;
	[tilespmem:$0x19640] =	vst v63  }
0x15d: {  	_ =	swait.ge [sflag:s26], $0xC800  }
0x15e: {  	[sflag:s26] =	ssyncset.done $0x0  }
0x15f: {  	s3 =	smov.u32 s5;
	[sflag:s26] =	ssyncadd.s32 $0xFFFF3800  }
0x160: {  	s1 =	simm.s32 $0x0  }
0x161: {  	v0 =	vld [tilespmem:s1+$0x320];
	_ =	sdelay $0x4  }
0x162: {  	(v2sf) =	vpush v0, $0x0;
	_ =	sdelay $0x3  }
0x163: {  	(v2sf) =	vpush v0, $0x1;
	_ =	sdelay $0x3  }
0x164: {  	(v2sf) =	vpush v0, $0x2;
	_ =	sdelay $0x3  }
0x165: {  	(v2sf) =	vpush v0, $0x3;
	_ =	sdelay $0x2  }
0x166: {  	s2 =	spop (v2sf)  }
0x167: {  	(v2sf) =	vpush v0, $0x4;
	p0 =	sne.s32 s2, $0x0  }
0x168: {  	s31 =	simm.s32 $0xD040;
	v1 =	vimm.f32 @!p0 $0.0e+00  }
0x169: {  	[tilespmem:s31+$0xFFFFFE00] =	vst @!p0 v1  }
0x16a: {  	s0 =	simm.s32 @!p1 $0x0;
	s4 =	spop (v2sf);
	[tilespmem:s31+$0xFFFFFE10] =	vst @!p0 v1  }
0x16b: {  	s0 =	simm.s32 @p1 $0x1;
	(v2sf) =	vpush v0, $0x5;
	p1 =	sne.s32 s4, $0x0;
	[tilespmem:s31+$0xFFFFFE20] =	vst @!p0 v1  }
0x16c: {  	v2 =	vimm.f32 @!p1 $0.0e+00;
	[tilespmem:s31+$0xFFFFFE30] =	vst @!p0 v1  }
0x16d: {  	[tilespmem:s31+$0xFFFFFE40] =	vst @!p1 v2  }
0x16e: {  	s5 =	spop (v2sf);
	[tilespmem:s31+$0xFFFFFE50] =	vst @!p1 v2  }
0x16f: {  	(v2sf) =	vpush v0, $0x6;
	p0 =	sne.s32 s5, $0x0;
	[tilespmem:s31+$0xFFFFFE60] =	vst @!p1 v2  }
0x170: {  	v1 =	vimm.f32 @!p0 $0.0e+00;
	[tilespmem:s31+$0xFFFFFE70] =	vst @!p1 v2  }
0x171: {  	[tilespmem:s31+$0xFFFFFE80] =	vst @!p0 v1  }
0x172: {  	s13 =	spop (v2sf);
	[tilespmem:s31+$0xFFFFFE90] =	vst @!p0 v1  }
0x173: {  	(v2sf) =	vpush v0, $0x7;
	p1 =	sne.s32 s13, $0x0;
	[tilespmem:s31+$0xFFFFFEA0] =	vst @!p0 v1  }
0x174: {  	v2 =	vimm.f32 @!p1 $0.0e+00;
	[tilespmem:s31+$0xFFFFFEB0] =	vst @!p0 v1  }
0x175: {  	[tilespmem:s31+$0xFFFFFEC0] =	vst @!p1 v2  }
0x176: {  	[tilespmem:s31+$0xFFFFFED0] =	vst @!p1 v2;
	s14 =	spop (v2sf)  }
0x177: {  	[tilespmem:s31+$0xFFFFFEE0] =	vst @!p1 v2;
	(v2sf) =	vpush v0, $0x8;
	p0 =	sne.s32 s14, $0x0  }
0x178: {  	[tilespmem:s31+$0xFFFFFEF0] =	vst @!p1 v2;
	v1 =	vimm.f32 @!p0 $0.0e+00  }
0x179: {  	[tilespmem:s31+$0xFFFFFF00] =	vst @!p0 v1  }
0x17a: {  	s15 =	spop (v2sf);
	[tilespmem:s31+$0xFFFFFF10] =	vst @!p0 v1  }
0x17b: {  	(v2sf) =	vpush v0, $0x9;
	p1 =	sne.s32 s15, $0x0;
	[tilespmem:s31+$0xFFFFFF20] =	vst @!p0 v1  }
0x17c: {  	v2 =	vimm.f32 @!p1 $0.0e+00;
	[tilespmem:s31+$0xFFFFFF30] =	vst @!p0 v1  }
0x17d: {  	[tilespmem:s31+$0xFFFFFF40] =	vst @!p1 v2  }
0x17e: {  	s16 =	spop (v2sf);
	[tilespmem:s31+$0xFFFFFF50] =	vst @!p1 v2  }
0x17f: {  	(v2sf) =	vpush v0, $0xA;
	p0 =	sne.s32 s16, $0x0;
	[tilespmem:s31+$0xFFFFFF60] =	vst @!p1 v2  }
0x180: {  	v1 =	vimm.f32 @!p0 $0.0e+00;
	[tilespmem:s31+$0xFFFFFF70] =	vst @!p1 v2  }
0x181: {  	[tilespmem:s31+$0xFFFFFF80] =	vst @!p0 v1  }
0x182: {  	s17 =	spop (v2sf);
	[tilespmem:s31+$0xFFFFFF90] =	vst @!p0 v1  }
0x183: {  	(v2sf) =	vpush v0, $0xB;
	p1 =	sne.s32 s17, $0x0;
	[tilespmem:s31+$0xFFFFFFA0] =	vst @!p0 v1  }
0x184: {  	v2 =	vimm.f32 @!p1 $0.0e+00;
	[tilespmem:s31+$0xFFFFFFB0] =	vst @!p0 v1  }
0x185: {  	[tilespmem:s31+$0xFFFFFFC0] =	vst @!p1 v2  }
0x186: {  	[tilespmem:s31+$0xFFFFFFD0] =	vst @!p1 v2;
	s18 =	spop (v2sf)  }
0x187: {  	[tilespmem:s31+$0xFFFFFFE0] =	vst @!p1 v2;
	(v2sf) =	vpush v0, $0xC;
	p0 =	sne.s32 s18, $0x0  }
0x188: {  	[tilespmem:s31+$0xFFFFFFF0] =	vst @!p1 v2;
	v1 =	vimm.f32 @!p0 $0.0e+00  }
0x189: {  	[tilespmem:s31+$0x0] =	vst @!p0 v1  }
0x18a: {  	s19 =	spop (v2sf);
	[tilespmem:s31+$0x10] =	vst @!p0 v1  }
0x18b: {  	(v2sf) =	vpush v0, $0xD;
	p1 =	sne.s32 s19, $0x0;
	[tilespmem:s31+$0x20] =	vst @!p0 v1  }
0x18c: {  	v2 =	vimm.f32 @!p1 $0.0e+00;
	[tilespmem:s31+$0x30] =	vst @!p0 v1  }
0x18d: {  	[tilespmem:s31+$0x40] =	vst @!p1 v2  }
0x18e: {  	s20 =	spop (v2sf);
	[tilespmem:s31+$0x50] =	vst @!p1 v2  }
0x18f: {  	(v2sf) =	vpush v0, $0xE;
	p0 =	sne.s32 s20, $0x0;
	[tilespmem:s31+$0x60] =	vst @!p1 v2  }
0x190: {  	v1 =	vimm.f32 @!p0 $0.0e+00;
	[tilespmem:s31+$0x70] =	vst @!p1 v2  }
0x191: {  	[tilespmem:s31+$0x80] =	vst @!p0 v1  }
0x192: {  	s21 =	spop (v2sf);
	[tilespmem:s31+$0x90] =	vst @!p0 v1  }
0x193: {  	(v2sf) =	vpush v0, $0xF;
	p1 =	sne.s32 s21, $0x0;
	[tilespmem:s31+$0xA0] =	vst @!p0 v1  }
0x194: {  	v0 =	vimm.f32 @!p1 $0.0e+00;
	[tilespmem:s31+$0xB0] =	vst @!p0 v1  }
0x195: {  	[tilespmem:s31+$0xC0] =	vst @!p1 v0  }
0x196: {  	[tilespmem:s31+$0xD0] =	vst @!p1 v0;
	s22 =	spop (v2sf)  }
0x197: {  	[tilespmem:s31+$0xE0] =	vst @!p1 v0;
	p0 =	sne.s32 s22, $0x0  }
0x198: {  	[tilespmem:s31+$0xF0] =	vst @!p1 v0;
	v1 =	vimm.f32 @!p0 $0.0e+00  }
0x199: {  	[tilespmem:s31+$0x100] =	vst @!p0 v1  }
0x19a: {  	s23 =	spop (v2sf);
	[tilespmem:s31+$0x110] =	vst @!p0 v1  }
0x19b: {  	p1 =	sne.s32 s23, $0x0;
	[tilespmem:s31+$0x120] =	vst @!p0 v1  }
0x19c: {  	v0 =	vimm.f32 @!p1 $0.0e+00;
	[tilespmem:s31+$0x130] =	vst @!p0 v1  }
0x19d: {  	[tilespmem:s31+$0x140] =	vst @!p1 v0  }
0x19e: {  	s24 =	spop (v2sf);
	[tilespmem:s31+$0x150] =	vst @!p1 v0  }
0x19f: {  	p0 =	sne.s32 s24, $0x0;
	[tilespmem:s31+$0x160] =	vst @!p1 v0  }
0x1a0: {  	v1 =	vimm.f32 @!p0 $0.0e+00;
	[tilespmem:s31+$0x170] =	vst @!p1 v0  }
0x1a1: {  	[tilespmem:s31+$0x180] =	vst @!p0 v1  }
0x1a2: {  	s28 =	spop (v2sf);
	[tilespmem:s31+$0x190] =	vst @!p0 v1  }
0x1a3: {  	p3 =	sne.s32 s28, $0x0;
	[tilespmem:s31+$0x1A0] =	vst @!p0 v1  }
0x1a4: {  	[tilespmem:s31+$0x1B0] =	vst @!p0 v1;
	v0 =	vimm.f32 @!p3 $0.0e+00  }
0x1a5: {  	[tilespmem:s31+$0x1C0] =	vst @!p3 v0  }
0x1a6: {  	[tilespmem:s31+$0x1D0] =	vst @!p3 v0  }
0x1a7: {  	s1 =	simm.s32 $0x40;
	[smem:$0x7F6] =	sst s0;
	[tilespmem:s31+$0x1E0] =	vst @!p3 v0  }
.LBB2_12:
0x1a8: {  	s0 =	sshra.s32 s1, $0x2;
	[tilespmem:s31+$0x1F0] =	vst @!p3 v0  }
0x1a9: {  	v0 =	vld [tilespmem:s0+$0x320];
	_ =	sdelay $0x4  }
0x1aa: {  	(v2sf) =	vpush v0, $0x0;
	_ =	sdelay $0x2  }
0x1ab: {  	(v2sf) =	vpush v0, $0x1  }
0x1ac: {  	(v2sf) =	vpush v0, $0x2  }
0x1ad: {  	(v2sf) =	vpush v0, $0x3  }
0x1ae: {  	(v2sf) =	vpush v0, $0x4  }
0x1af: {  	(v2sf) =	vpush v0, $0x5  }
0x1b0: {  	(v2sf) =	vpush v0, $0x6  }
0x1b1: {  	(v2sf) =	vpush v0, $0x7  }
0x1b2: {  	(v2sf) =	vpush v0, $0x8  }
0x1b3: {  	(v2sf) =	vpush v0, $0x9  }
0x1b4: {  	(v2sf) =	vpush v0, $0xA  }
0x1b5: {  	(v2sf) =	vpush v0, $0xB  }
0x1b6: {  	(v2sf) =	vpush v0, $0xC  }
0x1b7: {  	(v2sf) =	vpush v0, $0xD;
	s19 =	spop (v2sf)  }
0x1b8: {  	(v2sf) =	vpush v0, $0xE;
	p1 =	sne.s32 s19, $0x0  }
0x1b9: {  	s31 =	sadd.s32 $0x400, s31;
	(v2sf) =	vpush v0, $0xF;
	v0 =	vimm.f32 @!p1 $0.0e+00  }
0x1ba: {  	[tilespmem:s31+$0xFFFFFE00] =	vst @!p1 v0  }
0x1bb: {  	s20 =	spop (v2sf);
	[tilespmem:s31+$0xFFFFFE10] =	vst @!p1 v0  }
0x1bc: {  	p2 =	sne.s32 s20, $0x0;
	[tilespmem:s31+$0xFFFFFE20] =	vst @!p1 v0  }
0x1bd: {  	v1 =	vimm.f32 @!p2 $0.0e+00;
	[tilespmem:s31+$0xFFFFFE30] =	vst @!p1 v0  }
0x1be: {  	[tilespmem:s31+$0xFFFFFE40] =	vst @!p2 v1  }
0x1bf: {  	s21 =	spop (v2sf);
	[tilespmem:s31+$0xFFFFFE50] =	vst @!p2 v1  }
0x1c0: {  	p3 =	sne.s32 s21, $0x0;
	[tilespmem:s31+$0xFFFFFE60] =	vst @!p2 v1  }
0x1c1: {  	v2 =	vimm.f32 @!p3 $0.0e+00;
	[tilespmem:s31+$0xFFFFFE70] =	vst @!p2 v1  }
0x1c2: {  	[tilespmem:s31+$0xFFFFFE80] =	vst @!p3 v2  }
0x1c3: {  	s22 =	spop (v2sf);
	[tilespmem:s31+$0xFFFFFE90] =	vst @!p3 v2  }
0x1c4: {  	p4 =	sne.s32 s22, $0x0;
	[tilespmem:s31+$0xFFFFFEA0] =	vst @!p3 v2  }
0x1c5: {  	v3 =	vimm.f32 @!p4 $0.0e+00;
	[tilespmem:s31+$0xFFFFFEB0] =	vst @!p3 v2  }
0x1c6: {  	[tilespmem:s31+$0xFFFFFEC0] =	vst @!p4 v3  }
0x1c7: {  	s23 =	spop (v2sf);
	[tilespmem:s31+$0xFFFFFED0] =	vst @!p4 v3  }
0x1c8: {  	p6 =	sne.s32 s23, $0x0;
	[tilespmem:s31+$0xFFFFFEE0] =	vst @!p4 v3  }
0x1c9: {  	v4 =	vimm.f32 @!p6 $0.0e+00;
	[tilespmem:s31+$0xFFFFFEF0] =	vst @!p4 v3  }
0x1ca: {  	[tilespmem:s31+$0xFFFFFF00] =	vst @!p6 v4  }
0x1cb: {  	s24 =	spop (v2sf);
	[tilespmem:s31+$0xFFFFFF10] =	vst @!p6 v4  }
0x1cc: {  	p5 =	sne.s32 s24, $0x0;
	[tilespmem:s31+$0xFFFFFF20] =	vst @!p6 v4  }
0x1cd: {  	v5 =	vimm.f32 @!p5 $0.0e+00;
	[tilespmem:s31+$0xFFFFFF30] =	vst @!p6 v4  }
0x1ce: {  	[tilespmem:s31+$0xFFFFFF40] =	vst @!p5 v5  }
0x1cf: {  	s1 =	sadd.s32 $0x40, s1;
	s28 =	spop (v2sf);
	[tilespmem:s31+$0xFFFFFF50] =	vst @!p5 v5  }
0x1d0: {  	p0 =	sne.s32 s1, $0xC80;
	p1 =	sne.s32 s28, $0x0;
	[tilespmem:s31+$0xFFFFFF60] =	vst @!p5 v5  }
0x1d1: {  	s0 =	simm.s32 @!p0 $0x0;
	s2 =	spop (v2sf);
	v6 =	vimm.f32 @!p1 $0.0e+00;
	[tilespmem:s31+$0xFFFFFF70] =	vst @!p5 v5  }
0x1d2: {  	s0 =	simm.s32 @p0 $0x1;
	p0 =	sne.s32 s2, $0x0;
	s4 =	spop (v2sf);
	[tilespmem:s31+$0xFFFFFF80] =	vst @!p1 v6  }
0x1d3: {  	[smem:$0x7F5] =	sst s0;
	s0 =	simm.s32 @!p0 $0x0;
	s5 =	spop (v2sf);
	[tilespmem:s31+$0xFFFFFF90] =	vst @!p1 v6  }
0x1d4: {  	[tilespmem:s31+$0xFFFFFFA0] =	vst @!p1 v6;
	s0 =	simm.s32 @p0 $0x1;
	p2 =	sne.s32 s5, $0x0  }
0x1d5: {  	[tilespmem:s31+$0xFFFFFFB0] =	vst @!p1 v6;
	[smem:$0x7EF] =	sst s0;
	v8 =	vimm.f32 @!p2 $0.0e+00  }
0x1d6: {  	v7 =	vimm.f32 @!p0 $0.0e+00;
	p0 =	sne.s32 s4, $0x0;
	s19 =	sld [smem:$0x7EF];
	[tilespmem:s31+$0x40] =	vst @!p2 v8  }
0x1d7: {  	s0 =	simm.s32 @!p0 $0x0;
	[tilespmem:s31+$0x50] =	vst @!p2 v8  }
0x1d8: {  	s0 =	simm.s32 @p0 $0x1;
	[tilespmem:s31+$0x60] =	vst @!p2 v8  }
0x1d9: {  	[tilespmem:s31+$0x70] =	vst @!p2 v8;
	[smem:$0x7F0] =	sst s0;
	p1 =	seq.s32 s19, $0x1  }
0x1da: {  	s13 =	spop (v2sf);
	s20 =	sld [smem:$0x7F0];
	[tilespmem:s31+$0xFFFFFFC0] =	vst @!p1 v7  }
0x1db: {  	s14 =	spop (v2sf);
	[tilespmem:s31+$0xFFFFFFD0] =	vst @!p1 v7  }
0x1dc: {  	s15 =	spop (v2sf);
	[tilespmem:s31+$0xFFFFFFE0] =	vst @!p1 v7  }
0x1dd: {  	v1 =	vimm.f32 @!p0 $0.0e+00;
	p0 =	sne.s32 s13, $0x0;
	s16 =	spop (v2sf);
	[tilespmem:s31+$0xFFFFFFF0] =	vst @!p1 v7;
	p1 =	seq.s32 s20, $0x1  }
0x1de: {  	s0 =	simm.s32 @!p0 $0x0;
	s17 =	spop (v2sf);
	[tilespmem:s31+$0x0] =	vst @!p1 v1  }
0x1df: {  	s0 =	simm.s32 @p0 $0x1;
	s18 =	spop (v2sf);
	[tilespmem:s31+$0x10] =	vst @!p1 v1  }
0x1e0: {  	[smem:$0x7F1] =	sst s0;
	p3 =	sne.s32 s18, $0x0;
	[tilespmem:s31+$0x20] =	vst @!p1 v1  }
0x1e1: {  	v9 =	vimm.f32 @!p0 $0.0e+00;
	p0 =	sne.s32 s14, $0x0;
	s21 =	sld [smem:$0x7F1];
	v0 =	vimm.f32 @!p3 $0.0e+00;
	[tilespmem:s31+$0x30] =	vst @!p1 v1  }
0x1e2: {  	s0 =	simm.s32 @!p0 $0x0;
	[tilespmem:s31+$0x1C0] =	vst @!p3 v0  }
0x1e3: {  	s0 =	simm.s32 @p0 $0x1;
	[tilespmem:s31+$0x1D0] =	vst @!p3 v0  }
0x1e4: {  	[smem:$0x7F2] =	sst s0;
	[tilespmem:s31+$0x1E0] =	vst @!p3 v0;
	p1 =	seq.s32 s21, $0x1  }
0x1e5: {  	s22 =	sld [smem:$0x7F2];
	[tilespmem:s31+$0x80] =	vst @!p1 v9  }
0x1e6: {  	[tilespmem:s31+$0x90] =	vst @!p1 v9  }
0x1e7: {  	v10 =	vimm.f32 @!p0 $0.0e+00;
	p0 =	sne.s32 s15, $0x0;
	[tilespmem:s31+$0xA0] =	vst @!p1 v9  }
0x1e8: {  	s0 =	simm.s32 @!p0 $0x0;
	[tilespmem:s31+$0xB0] =	vst @!p1 v9;
	p1 =	seq.s32 s22, $0x1  }
0x1e9: {  	v2 =	vimm.f32 @!p0 $0.0e+00;
	s0 =	simm.s32 @p0 $0x1;
	p0 =	sne.s32 s16, $0x0;
	[tilespmem:s31+$0xC0] =	vst @!p1 v10  }
0x1ea: {  	[smem:$0x7F3] =	sst s0;
	s0 =	simm.s32 @!p0 $0x0;
	[tilespmem:s31+$0xD0] =	vst @!p1 v10  }
0x1eb: {  	v11 =	vimm.f32 @!p0 $0.0e+00;
	s0 =	simm.s32 @p0 $0x1;
	p0 =	sne.s32 s17, $0x0;
	[tilespmem:s31+$0xE0] =	vst @!p1 v10  }
0x1ec: {  	v12 =	vimm.f32 @!p0 $0.0e+00;
	[tilespmem:s31+$0xF0] =	vst @!p1 v10  }
0x1ed: {  	s23 =	sld [smem:$0x7F3];
	[tilespmem:s31+$0x180] =	vst @!p0 v12  }
0x1ee: {  	[tilespmem:s31+$0x190] =	vst @!p0 v12  }
0x1ef: {  	s28 =	sld [smem:$0x7F5];
	[tilespmem:s31+$0x1A0] =	vst @!p0 v12  }
0x1f0: {  	[smem:$0x7F4] =	sst s0;
	[tilespmem:s31+$0x1B0] =	vst @!p0 v12;
	p1 =	seq.s32 s23, $0x1  }
0x1f1: {  	s24 =	sld [smem:$0x7F4];
	[tilespmem:s31+$0x100] =	vst @!p1 v2  }
0x1f2: {  	[tilespmem:s31+$0x110] =	vst @!p1 v2  }
0x1f3: {  	p0 =	seq.s32 s28, $0x1;
	[tilespmem:s31+$0x120] =	vst @!p1 v2  }
.Ltmp9:
0x1f4: {  	[tilespmem:s31+$0x130] =	vst @!p1 v2;
	p1 =	seq.s32 s24, $0x1;
	(pc) =	sbr.rel @p0 .LBB2_12-.Ltmp9, $4  }
0x1f5: {  	[tilespmem:s31+$0x140] =	vst @!p1 v11  }
0x1f6: {  	[tilespmem:s31+$0x150] =	vst @!p1 v11  }
0x1f7: {  	[tilespmem:s31+$0x160] =	vst @!p1 v11  }
0x1f8: {  	[tilespmem:s31+$0x170] =	vst @!p1 v11  }
.Ltmp10:
0x1f9: {  	(pc) =	sbr.rel .LBB2_14-.Ltmp10, $2  }
0x1fa: {  	s0 =	sld [smem:$0x7F6];
	_ =	sdelay $0x2  }
0x1fb: {  	[tilespmem:s31+$0x1F0] =	vst @!p3 v0;
	p1 =	seq.s32 s0, $0x1  }
.LBB2_16:
0x1fc: {  	_ =	sfence.sel $0x180000  }
0x1fd: {  	[bflag:$0x0] =	sbarrier.arrive $0xFFFF  }
0x1fe: {  	_ =	strace $0x90000047  }
0x1ff: {  	s0 =	stileid.u32;
	[bflag:$0x2] =	sbarrier.arrive $0xFFFF  }
0x200: {  	p0 =	sne.s32 s0, $0x0;
	s0 =	rddreg [dreg:$0x2]  }
0x201: {  	s0 =	sadd.s32 @!p0 $0x100000, s0  }
0x202: {  	[sflag:s0] =	ssyncadd.tile.s32 @!p0 $0x1;
	_ =	shalt  }
.Lfunc_end2:
_tile_overlayer_lowered:
.L_overlay_start_2:
0x203: {  	(tag) =	ssettag $0x2  }
0x204: {  	s0 =	rddreg [dreg:$0x0];
	s2 =	stileid.u32  }
0x205: {  	s1 =	rddreg [dreg:$0x1];
	p0 =	sne.s32 s2, $0x0  }
0x206: {  	s3 =	rddreg [dreg:$0x2];
	[bflag:$0x3] =	sbarrier.arrive $0xFFFF;
	s2 =	simm.s32 @!p0 $0x1C07  }
0x207: {  	[timem:s3], [sflag:s2] =	dma.local @!p0 [hbm:s0], s1  }
0x208: {  	s0 =	simm.s32 @!p0 $0x7  }
0x209: {  	_ =	swait.ge @!p0 [sflag:s0], s1  }
0x20a: {  	s1 =	ssub.s32 @!p0 $0x0, s1;
	[sflag:s0] =	ssyncset.done @!p0 $0x0  }
0x20b: {  	[sflag:s0] =	ssyncadd.s32 @!p0 s1  }
0x20c: {  	[bflag:$0x3] =	sbarrier.arrive $0xFFFF  }
0x20d: {  	_ =	shalt  }

// kernel: sparse-core-data-format-call.cloned.1.call-start
scs
called_computation_lowered:
.L_overlay_start_0:
0x0: {  	s2 =	sld [smem:$0x3FD9]  }
0x1: {  	s3 =	sld [smem:$0x3FFE];
	_ =	sdelay $0x1  }
0x2: {  	s1 =	srdreg.scid  }
0x3: {  	s0 =	sand.u32 $0x1, s1  }
0x4: {  	s18 =	sshll.u32 s0, $0xA;
	s2 =	sadd.s32 s3, s2  }
0x5: {  	s2 =	sadd.s32 s2, s18  }
0x6: {  	[smem:$0x3FC5] =	sst s2  }
0x7: {  	_ = 	snop  }
0x8: {  	s2 =	sld [smem:$0x3FD0];
	(tm) =	ssettm $0x1  }
0x9: {  	s19 =	sld [smem:$0x3FFB];
	_ =	sdelay $0x3  }
0xa: {  	_ =	strace s19  }
0xb: {  	s3 =	sld [smem:$0x3FFC];
	_ =	sdelay $0x3  }
0xc: {  	_ =	strace s3  }
0xd: {  	s3 =	sld [smem:$0x3FFD];
	_ =	sdelay $0x3  }
0xe: {  	_ =	strace s3  }
0xf: {  	_ =	strace $0x8FFFFFFF  }
0x10: {  	s20 =	sld [smem:$0x3FDB];
	_ =	sdelay $0x1  }
0x11: {  	s4 =	simm.s32 $_scs_section_size  }
0x12: {  	s5 =	simm.s32 $_size__tile_overlayer_lowered;
	s6 =	simm.s32 $_tile_overlayer_lowered  }
0x13: {  	s23 =	simm.s32 $0x1BFF;
	s22 =	sshll.u32 s6, $0x1;
	s3 =	sadd.s32 s4, s20  }
0x14: {  	s7 =	simm.s32 $0x0;
	s21 =	sshll.u32 s5, $0x1;
	s5 =	sadd.s32 s22, s3  }
0x15: {  	[timem:s7], [sflag:s23] =	dma.local [hbm:s5], s21  }
0x16: {  	_ =	swait.ge [sflag:s23], s21  }
0x17: {  	s4 =	ssub.s32 $0x0, s21;
	[sflag:s23] =	ssyncset.done $0x0  }
0x18: {  	[sflag:s23] =	ssyncadd.s32 s4;
	_ =	sdelay $0x1  }
0x19: {  	s24 =	simm.s32 $0x1B8B  }
0x1a: {  	_ =	swait.ge [sflag:s24], $0x1  }
0x1b: {  	[sflag:s24] =	ssyncset.done $0x0  }
0x1c: {  	s26 =	simm.s32 $0x1B8E;
	s25 =	sld [smem:$0x3FFE];
	[sflag:s24] =	ssyncadd.s32 $0xFFFFFFFF  }
0x1d: {  	s27 =	simm.s32 $execute0_lowered;
	[smem:$0x3FD2] =	sst s26  }
0x1e: {  	s5 =	sshll.u32 s27, $0x1;
	_ =	strace $0x80000049;
	[dreg:$0x1] =	wrdreg $0xFFFFFFFF  }
0x1f: {  	s28 =	simm.s32 $_size_execute0_lowered;
	s3 =	sadd.s32 s3, s5;
	[dreg:$0x0] =	wrdreg $0x0  }
0x20: {  	s5 =	sshll.u32 s28, $0x1;
	[dreg:$0x2] =	wrdreg s3  }
0x21: {  	[dreg:$0x3] =	wrdreg s5  }
0x22: {  	[dreg:$0x4] =	wrdreg $0xC0  }
0x23: {  	_ =	task [dreg:s7], $0x5FFFF  }
0x24: {  	[dreg:$0x1] =	wrdreg $0xFFFFFFFF  }
0x25: {  	[dreg:$0x0] =	wrdreg $0x60  }
0x26: {  	[dreg:$0x2] =	wrdreg s25  }
0x27: {  	[dreg:$0x3] =	wrdreg s2  }
0x28: {  	[dreg:$0x4] =	wrdreg $0x9  }
0x29: {  	_ =	task.clear_ibuf [dreg:s7], $0x5FFFF;
	_ =	strace $0x90000049  }
0x2a: {  	s29 =	simm.s32 $0x9;
	_ =	strace $0x8000004B  }
0x2b: {  	_ =	swait.ge [sflag:s29], $0x1  }
0x2c: {  	[sflag:s29] =	ssyncadd.s32 $0xFFFFFFFF  }
0x2d: {  	_ =	strace $0x9000004B  }
0x2e: {  	_ =	sfence  }
0x2f: {  	s30 =	sld [smem:$0x0];
	_ =	sdelay $0x2  }
0x30: {  	s31 =	sshll.u32 s1, $0xD;
	s1 =	sshrl.u32 s1, $0x2  }
0x31: {  	s3 =	sand.u32 $0x4000, s31;
	s1 =	sadd.s32 s1, s30  }
0x32: {  	s0 =	sor.u32 s3, s0;
	s1 =	sshll.u32 s1, $0x11  }
0x33: {  	s0 =	sor.u32 s1, s0  }
0x34: {  	s0 =	sadd.s32 $0x8F2B, s0  }
0x35: {  	[sflag:s0] =	ssyncadd.remote.s32 $0x1  }
0x36: {  	_ =	sfence.sel $0xFFFF  }
0x37: {  	[dreg:$0x0] =	wrdreg $0xFFFFFFFF;
	(pc) =	sbr.abs _section_cstart, $3  }
0x38: {  	[dreg:$0x1] =	wrdreg $0xFFFFFFFF  }
0x39: {  	_ =	task.clear_ibuf [dreg:s7], $0x2FFFF;
	_ =	strace $0x9FFFFFFF  }
0x3a: {  	(tm) =	ssettm $0x7FFFFFFF  }
0x3b: {  	_ =	shalt  }
tec
execute0_lowered:
.L_overlay_start_1:
0x0: {  	(tag) =	ssettag $0x1  }
0x1: {  	s0 =	stileid.u32;
	s6 =	rddreg [dreg:$0x0]  }
0x2: {  	s2 =	rddreg [dreg:$0x1];
	s5 =	srdreg.scid  }
0x3: {  	s31 =	simm.s32 $0x2;
	s13 =	simm.s32 $0x0;
	s1 =	sshll.u32 s0, $0x7  }
0x4: {  	s14 =	simm.s32 $0x0;
	s12 =	simm.s32 $0x0;
	s3 =	sand.u32 $0x380, s1  }
0x5: {  	s5 =	sshll.u32 s5, $0x4;
	s6 =	sadd.s32 $0x2400, s6;
	s4 =	ssub.s32 $0x400, s3  }
0x6: {  	s1 =	rddreg [dreg:$0x2];
	_ =	strace $0x8000004A;
	s7 =	sand.u32 $0x380, s4  }
0x7: {  	s5 =	sand.u32 $0x10, s5;
	p0 =	sne.s32 s7, $0x0;
	s7 =	simm.s32 $0x1  }
.Ltmp0:
0x8: {  	s8 =	sshrl.u32 s4, $0xA;
	s7 =	simm.s32 @!p0 $0x0;
	(pc) =	sbr.rel .LBB1_1-.Ltmp0, $4  }
0x9: {  	s9 =	sor.u32 s0, s5;
	s4 =	simm.s32 $0x1;
	s30 =	sadd.s32 s7, s8  }
0xa: {  	s11 =	smov.u32 s3;
	[sflag:s4] =	ssyncpa.u1 $0x0;
	s5 =	smul.u32 $0xC8, s30  }
0xb: {  	[sflag:s31] =	ssyncpa.u1 $0x0;
	p0 =	por $0x0, $0x0;
	s7 =	sshrl.u32 s9, $0x3  }
0xc: {  	s9 =	simm.s32 $0x2000;
	s10 =	smov.u32 s7;
	s8 =	sor.u32 $0x1, s5  }
.LBB1_4:
0xd: {  	s17 =	sand.u32 $0x1F80, s14;
	s13 =	sshll.u32 s13, $0xD  }
0xe: {  	[tilespmem:s16+$0x810 ss:$0x81] =	vst.msk $0xffff, v2;
	s18 =	sshrl.u32 s14, $0x3;
	s31 =	sand.u32 $0x7, s14;
	s17 =	sadd.s32 s2, s17  }
0xf: {  	[tilespmem:s16+$0x1020 ss:$0x81] =	vst.msk $0xffff, v0;
	s18 =	sand.u32 $0xF, s18;
	s14 =	sshll.u32 s31, $0x12;
	s13 =	sadd.s32 s13, s17  }
0x10: {  	[tilespmem:s16+$0x0 ss:$0x81] =	vst.msk $0xffff, v1;
	s14 =	sor.u32 $0x400, s14;
	s13 =	sadd.s32 s18, s13  }
0x11: {  	[hbm4b:s13+s14] =	stream.strided.scatter [tilespmem:s15], [sflag:$0x2], $0x2000, s9, s14, $0x20;
	[tilespmem:$0x8080] =	vst v63  }
.LBB1_5:
0x12: {  	s15 =	sadd.s32 $0x4, s10  }
0x13: {  	s13 =	sadd.s32 $0x400, s11;
	s17 =	smov.u32 s11;
	p2 =	sgt.s32 s15, $0x31F  }
0x14: {  	s17 =	smov.u32 @p2 s13  }
0x15: {  	s15 =	smov.u32 @p2 s7;
	p2 =	sgt.s32 s17, $0x3FF  }
0x16: {  	s17 =	smov.u32 @p2 s3;
	p2 =	sne.s32 s12, s8  }
.Ltmp1:
0x17: {  	p1 =	slt.u32 s12, $0x2;
	(pc) =	sbr.rel @!p2 .LBB1_6-.Ltmp1, $4  }
0x18: {  	s16 =	simm.s32 @!p1 $0x2  }
0x19: {  	s14 =	smov.u32 s11;
	p0 =	por !p0, !p0;
	_ =	swait.ge @!p1 [sflag:s16], $0x2000  }
0x1a: {  	s13 =	smov.u32 s10;
	[sflag:s16] =	ssyncset.done @!p1 $0x0;
	s10 =	smov.u32 s15  }
0x1b: {  	s12 =	sadd.s32 $0x1, s12;
	[sflag:s16] =	ssyncadd.s32 @!p1 $0xFFFFE000;
	s11 =	smov.u32 s17  }
.LBB1_1:
0x1c: {  	p1 =	sge.u32 s12, s5  }
0x1d: {  	s15 =	sand.u32 @!p1 $0x1FFFFFF, s10  }
0x1e: {  	s16 =	smulhi.u32 @!p1 $0x147AE15, s15;
	_ =	sdelay $0x1  }
0x1f: {  	s16 =	sshrl.u32 @!p1 s16, $0x2  }
0x20: {  	s16 =	smul.u32 @!p1 $0x320, s16  }
0x21: {  	s17 =	sxor.u32 @!p1 $0xFFFFFFFF, s12;
	s18 =	smul.u32 @!p1 $0x3200, s11  }
0x22: {  	s31 =	sadd.s32 $0xFFFFFFFF, s12;
	s17 =	sshll.u32 @!p1 s17, $0xD;
	s15 =	ssub.s32 @!p1 s15, s16  }
0x23: {  	s16 =	sand.u32 @!p1 $0x2000, s17;
	s17 =	sadd.s32 @!p1 s6, s18;
	s15 =	sshll.u32 @!p1 s15, $0x4  }
0x24: {  	s18 =	simm.s32 @!p1 $0x19000;
	s15 =	sadd.s32 @!p1 s15, s17;
	s17 =	simm.s32 @!p1 $0x40  }
0x25: {  	[tilespmem:s16], [sflag:$0x1] =	stream.strided.gather @!p1 [hbm4b:s15+s17], $0x2000, s18, s17, $0x38;
	[tilespmem:$0x8080] =	vst v63  }
0x26: {  	p1 =	sge.u32 s31, s5  }
.Ltmp2:
0x27: {  	_ = 	snop;
	(pc) =	sbr.rel @p1 .LBB1_5-.Ltmp2, $1  }
0x28: {  	_ =	sdelay $0x3  }
0x29: {  	s15 =	simm.s32 $0x1  }
0x2a: {  	_ =	swait.ge [sflag:s4], $0x2000;
	s15 =	simm.s32 @!p0 $0x0  }
0x2b: {  	[sflag:s4] =	ssyncset.done $0x0;
	s16 =	sshll.u32 s15, $0xD  }
0x2c: {  	[sflag:s4] =	ssyncadd.s32 $0xFFFFE000;
	s19 =	sor.u32 $0x20, s16  }
0x2d: {  	s15 =	smul.u32 $0x8100, s15;
	v3 =	vld [tilespmem:s19+$0x10]  }
0x2e: {  	s30 =	sand.u32 $0x1, s12;
	v2 =	vld [tilespmem:s19+$0xFFFFFFF0]  }
0x2f: {  	s16 =	smul.u32 $0x8100, s30;
	s15 =	sshrl.u32 s15, $0x2;
	v0 =	vld [tilespmem:s19+$0x0]  }
0x30: {  	v1 =	vld [tilespmem:s19+$0xFFFFFFE0];
	s17 =	sor.u32 $0x4000, s15  }
0x31: {  	s31 =	sshrl.u32 s16, $0x2;
	s16 =	sadd.s32 $0x0, s17  }
0x32: {  	s18 =	simm.s32 $0x4;
	s19 =	sadd.s32 $0x40, s19;
	s15 =	sor.u32 $0x4000, s31;
	[tilespmem:s16+$0x1830 ss:$0x81] =	vst.msk $0xffff, v3  }
.LBB1_3:
0x33: {  	v3 =	vld [tilespmem:s19+$0x10];
	p1 =	sne.s32 s18, $0x1FC;
	[tilespmem:s16+$0x810 ss:$0x81] =	vst.msk $0xffff, v2;
	s20 =	smov.u32 s18;
	s18 =	sadd.s32 $0x4, s18  }
.Ltmp3:
0x34: {  	v2 =	vld [tilespmem:s19+$0xFFFFFFF0];
	[tilespmem:s16+$0x1020 ss:$0x81] =	vst.msk $0xffff, v0;
	(pc) =	sbr.rel @p1 .LBB1_3-.Ltmp3, $4  }
0x35: {  	v0 =	vld [tilespmem:s19+$0x0];
	[tilespmem:s16+$0x0 ss:$0x81] =	vst.msk $0xffff, v1  }
0x36: {  	s16 =	sshra.s32 s20, $0x2;
	v1 =	vld [tilespmem:s19+$0xFFFFFFE0]  }
0x37: {  	s16 =	sadd.s32 s16, s17  }
0x38: {  	s19 =	sadd.s32 $0x40, s19;
	[tilespmem:s16+$0x1830 ss:$0x81] =	vst.msk $0xffff, v3  }
.Ltmp4:
0x39: {  	_ = 	snop;
	(pc) =	sbr.rel .LBB1_4-.Ltmp4, $1  }
0x3a: {  	_ =	sdelay $0x3  }
.LBB1_6:
0x3b: {  	_ =	sfence.sel $0x180000  }
0x3c: {  	s2 =	simm.s32 $0x1;
	[bflag:$0x0] =	sbarrier.arrive $0xFFFF  }
0x3d: {  	s31 =	simm.s32 $0x2;
	[sflag:s2] =	ssyncpa.u1 $0x1  }
0x3e: {  	[sflag:s31] =	ssyncpa.u1 $0x1  }
0x3f: {  	p0 =	sne.s32 s0, $0x0;
	_ =	strace $0x9000004A  }
0x40: {  	s0 =	sadd.s32 @!p0 $0x100000, s1;
	[bflag:$0x2] =	sbarrier.arrive $0xFFFF  }
0x41: {  	[sflag:s0] =	ssyncadd.tile.s32 @!p0 $0x1;
	_ =	shalt  }
.Lfunc_end1:
_tile_overlayer_lowered:
.L_overlay_start_2:
0x42: {  	(tag) =	ssettag $0x2  }
0x43: {  	s0 =	rddreg [dreg:$0x0];
	s2 =	stileid.u32  }
0x44: {  	s1 =	rddreg [dreg:$0x1];
	p0 =	sne.s32 s2, $0x0  }
0x45: {  	s3 =	rddreg [dreg:$0x2];
	[bflag:$0x3] =	sbarrier.arrive $0xFFFF;
	s2 =	simm.s32 @!p0 $0x1C01  }
0x46: {  	[timem:s3], [sflag:s2] =	dma.local @!p0 [hbm:s0], s1  }
0x47: {  	s0 =	simm.s32 @!p0 $0x1  }
0x48: {  	_ =	swait.ge @!p0 [sflag:s0], s1  }
0x49: {  	s1 =	ssub.s32 @!p0 $0x0, s1;
	[sflag:s0] =	ssyncset.done @!p0 $0x0  }
0x4a: {  	[sflag:s0] =	ssyncadd.s32 @!p0 s1  }
0x4b: {  	[bflag:$0x3] =	sbarrier.arrive $0xFFFF  }
0x4c: {  	_ =	shalt  }

</sc_bundles>
